<compile_context>
chip_gen: v7x
topology: tpu7x:2x2x1
jax: 0.10.2.dev20260603
libtpu: 0.0.44.dev20260713+nightly
codegen_flags: <defaults>
</compile_context>

<pallas_src>
import jax
import jax.numpy as jnp
from jax import lax
from jax.experimental import pallas as pl
from jax.experimental.pallas import tpu as pltpu
from jax.experimental.pallas import tpu_sc as plsc

N_ATOMS = 50000
N_PAIRS = 800000
N_FEAT = 128
N_RBF = 64
CUTOFF = 8.0

PAIRS_PER_TILE = 25600
HALF = 12800
FEAT_CHUNK = 200
N_FEAT_CHUNKS = N_ATOMS // FEAT_CHUNK
NROWS2 = N_PAIRS // 2

DC = 1568
N_DCHUNK = 32


def _sc_body(an_hbm, posf_hbm, idxi_hbm, idxj_hbm, table_hbm,
             feat_hbm, d2_hbm, xyz_hbm,
             comp_v, ii_v, jj_v, acc_v, fidx_v, frows_v, sem):
    cid = lax.axis_index("c")
    sid = lax.axis_index("s")
    wid = sid * 2 + cid

    def dpass(base, n):
        pltpu.sync_copy(posf_hbm.at[pl.ds(base * 3, n * 3)],
                        ii_v.at[pl.ds(0, n * 3)])
        for comp in range(3):
            def body(k, carry, comp=comp):
                flat = lax.iota(jnp.int32, 16) * 3 + (k * 48 + comp)
                jj_v[pl.ds(k * 16, 16)] = plsc.load_gather(ii_v, [flat])
                return carry

            lax.fori_loop(0, n // 16, body, 0)
            dst = cid * (3 * N_ATOMS) + comp * N_ATOMS + base
            pltpu.sync_copy(jj_v.at[pl.ds(0, n)],
                            xyz_hbm.at[pl.ds(dst, n)])

    for it in range(2):
        q = sid * 2 + it

        @pl.when(q < N_DCHUNK - 1)
        def _():
            dpass(q * DC, DC)

        @pl.when(q == N_DCHUNK - 1)
        def _():
            dpass((N_DCHUNK - 1) * DC, N_ATOMS - (N_DCHUNK - 1) * DC)

    for c in range(8):
        chunk = wid + 32 * c

        @pl.when(chunk < N_FEAT_CHUNKS)
        def _():
            base = chunk * FEAT_CHUNK
            pltpu.sync_copy(an_hbm.at[pl.ds(base, FEAT_CHUNK)], fidx_v)
            pltpu.async_copy(table_hbm.at[fidx_v], frows_v, sem).wait()
            pltpu.sync_copy(frows_v, feat_hbm.at[pl.ds(base, FEAT_CHUNK)])

    plsc.subcore_barrier()

    def pair_pass(hbase, n):
        pltpu.sync_copy(idxi_hbm.at[pl.ds(hbase, n)], ii_v.at[pl.ds(0, n)])
        pltpu.sync_copy(idxj_hbm.at[pl.ds(hbase, n)], jj_v.at[pl.ds(0, n)])
        for comp in range(3):
            src = cid * (3 * N_ATOMS) + comp * N_ATOMS
            pltpu.sync_copy(xyz_hbm.at[pl.ds(src, N_ATOMS)], comp_v)

            def body(k, carry, comp=comp):
                sl = pl.ds(k * 16, 16)
                ii = ii_v[sl]
                jj = jj_v[sl]
                xi = plsc.bitcast(plsc.load_gather(comp_v, [ii]), jnp.float32)
                xj = plsc.bitcast(plsc.load_gather(comp_v, [jj]), jnp.float32)
                dx = xj - xi
                if comp == 0:
                    acc_v[sl] = dx * dx
                else:
                    acc_v[sl] = acc_v[sl] + dx * dx
                return carry

            lax.fori_loop(0, n // 16, body, 0)
        pltpu.sync_copy(acc_v.at[pl.ds(0, n)], d2_hbm.at[pl.ds(hbase, n)])

    @pl.when(wid < 31)
    def _():
        pbase = wid * PAIRS_PER_TILE
        for h in range(2):
            pair_pass(pbase + h * HALF, HALF)

    @pl.when(wid == 31)
    def _():
        pair_pass(31 * PAIRS_PER_TILE, N_PAIRS - 31 * PAIRS_PER_TILE)


def _dist_body(d2_ref, d_ref, fc_ref):
    d = jnp.sqrt(d2_ref[...] + 1e-12)
    x = d * (1.0 / CUTOFF)
    x2 = x * x
    x3 = x2 * x
    x4 = x2 * x2
    x5 = x4 * x
    fc = 1.0 - 10.0 * x3 + 15.0 * x4 - 6.0 * x5
    fc_ref[...] = jnp.where(x < 1.0, fc, 0.0)
    d_ref[...] = d


def _rbf_body(d_ref, fc_ref, c_ref, w_ref, out_ref):
    b = d_ref.shape[1]
    cb = jnp.broadcast_to(c_ref[...], (N_RBF, b))
    wb = jnp.broadcast_to(w_ref[...], (N_RBF, b))
    diff = d_ref[...] - cb
    out_ref[...] = jnp.exp(diff * diff * wb) * fc_ref[...]


@jax.jit
def kernel(atomic_numbers, positions, idx_i, idx_j, atom_features,
           rbf_centers, rbf_widths):
    an = atomic_numbers.astype(jnp.int32)
    posf = lax.bitcast_convert_type(
        positions.astype(jnp.float32), jnp.int32).reshape(N_ATOMS * 3)
    idxi = idx_i.astype(jnp.int32)
    idxj = idx_j.astype(jnp.int32)
    table = atom_features.astype(jnp.float32)

    mesh = plsc.VectorSubcoreMesh(core_axis_name="c", subcore_axis_name="s")
    features, d2, _ = pl.kernel(
        _sc_body,
        out_type=[
            jax.ShapeDtypeStruct((N_ATOMS, N_FEAT), jnp.float32),
            jax.ShapeDtypeStruct((N_PAIRS,), jnp.float32),
            jax.ShapeDtypeStruct((2 * 3 * N_ATOMS,), jnp.int32),
        ],
        mesh=mesh,
        compiler_params=pltpu.CompilerParams(needs_layout_passes=False),
        scratch_types=[
            pltpu.VMEM((N_ATOMS,), jnp.int32),
            pltpu.VMEM((HALF,), jnp.int32),
            pltpu.VMEM((HALF,), jnp.int32),
            pltpu.VMEM((HALF,), jnp.float32),
            pltpu.VMEM((FEAT_CHUNK,), jnp.int32),
            pltpu.VMEM((FEAT_CHUNK, N_FEAT), jnp.float32),
            pltpu.SemaphoreType.DMA,
        ],
    )(an, posf, idxi, idxj, table)

    nrows = N_PAIRS // 128
    d2m = d2.reshape(nrows, 128)
    blk_a = 1600
    d_full, fc_full = pl.pallas_call(
        _dist_body,
        grid=(pl.cdiv(nrows, blk_a),),
        in_specs=[pl.BlockSpec((blk_a, 128), lambda i: (i, 0))],
        out_specs=[
            pl.BlockSpec((blk_a, 128), lambda i: (i, 0)),
            pl.BlockSpec((blk_a, 128), lambda i: (i, 0)),
        ],
        out_shape=[
            jax.ShapeDtypeStruct((nrows, 128), jnp.float32),
            jax.ShapeDtypeStruct((nrows, 128), jnp.float32),
        ],
    )(d2m)

    d_row = d_full.reshape(1, N_PAIRS)
    fc_row = fc_full.reshape(1, N_PAIRS)
    c_col = rbf_centers.astype(jnp.float32).reshape(N_RBF, 1)
    w_col = (-rbf_widths.astype(jnp.float32)).reshape(N_RBF, 1)
    blk_b = 6400
    rbf_t = pl.pallas_call(
        _rbf_body,
        grid=(N_PAIRS // blk_b,),
        in_specs=[
            pl.BlockSpec((1, blk_b), lambda i: (0, i)),
            pl.BlockSpec((1, blk_b), lambda i: (0, i)),
            pl.BlockSpec((N_RBF, 1), lambda i: (0, 0)),
            pl.BlockSpec((N_RBF, 1), lambda i: (0, 0)),
        ],
        out_specs=pl.BlockSpec((N_RBF, blk_b), lambda i: (0, i)),
        out_shape=jax.ShapeDtypeStruct((N_RBF, N_PAIRS), jnp.float32),
    )(d_row, fc_row, c_col, w_col)

    distances = d_full.reshape(N_PAIRS)
    cutoffs = fc_full.reshape(N_PAIRS)
    rbfs = rbf_t.T
    return (features, distances, cutoffs, rbfs)

# --- scband reference (transcript-rebuilt; emitter-appended) ---
"""Pipeline reference for scband-input-phys-net-85529978732657 (READ-ONLY COPY).

The authoritative reference and input builder live on the scoring server;
editing this copy changes nothing except your own understanding.
"""

import jax, jax.numpy as jnp
import numpy as np

N_ATOMS = 50000
N_PAIRS = 800000
N_ATOMBASIS = 128
N_RBF = 64
N_MAXATOM = 94
CUTOFF = 8.0
RBF_START = 1.0
RBF_END = 8.0
MAX_NORM = float(N_ATOMBASIS)


def setup_inputs(seed: int = 0) -> dict:
    key = jax.random.key(seed)
    k1, k2, k3, k4, k5 = jax.random.split(key, 5)
    atomic_numbers = jax.random.randint(k1, (N_ATOMS,), 0, N_MAXATOM).astype(jnp.int64 if jax.config.jax_enable_x64 else jnp.int32)
    positions = jax.random.normal(k2, (N_ATOMS, 3), dtype=jnp.float32)
    idx_i = jax.random.randint(k3, (N_PAIRS,), 0, N_ATOMS)
    idx_j = jax.random.randint(k4, (N_PAIRS,), 0, N_ATOMS)
    # learned parameters
    feat_range = float(np.sqrt(3.0))
    atom_features = jax.random.uniform(k5, (N_MAXATOM + 1, N_ATOMBASIS), dtype=jnp.float32, minval=-feat_range, maxval=feat_range)
    atom_features = atom_features.at[0].set(0.0)  # padding_idx=0
    rbf_centers = jnp.linspace(RBF_START, RBF_END, N_RBF, dtype=jnp.float32)
    dd = (RBF_END - RBF_START) / (N_RBF - 1)
    rbf_widths = jnp.full((N_RBF,), 0.5 / (dd * dd), dtype=jnp.float32)
    return {
        'atomic_numbers': atomic_numbers,
        'positions': positions,
        'idx_i': idx_i,
        'idx_j': idx_j,
        'atom_features': atom_features,
        'rbf_centers': rbf_centers,
        'rbf_widths': rbf_widths,
    }


def _poly6_cutoff(d, rc):
    x = d / rc
    fc = 1.0 - 10.0 * x**3 + 15.0 * x**4 - 6.0 * x**5
    return jnp.where(x < 1.0, fc, 0.0)


def reference(atomic_numbers, positions, idx_i, idx_j, atom_features, rbf_centers, rbf_widths):
    # embedding lookup with max_norm renorm (torch.nn.Embedding max_norm semantics)
    features = jnp.take(atom_features, atomic_numbers, axis=0)
    fnorm = jnp.linalg.norm(features, axis=-1)
    scale = jnp.where(fnorm > MAX_NORM, MAX_NORM / jnp.maximum(fnorm, 1e-12), 1.0)
    features = features * scale[:, None]
    # pair distances via gathers
    vectors = positions[idx_j] - positions[idx_i]
    distances = jnp.sqrt(jnp.sum(vectors * vectors, axis=-1) + 1e-12)
    # cutoff function values
    cutoffs = _poly6_cutoff(distances, CUTOFF)
    # Gaussian radial basis functions, scaled by cutoff
    diff = distances[:, None] - rbf_centers[None, :]
    rbfs = jnp.exp(-rbf_widths[None, :] * diff * diff) * cutoffs[:, None]
    return (features, distances, cutoffs, rbfs)

if __name__ == "__main__":
    import jax
    _d = setup_inputs()
    print(jax.jit(kernel)(*tuple(_d.values())))

</pallas_src>

<mosaic_0001>
#map = affine_map<(d0, d1) -> (0)>
#map1 = affine_map<(d0, d1) -> (0, 0)>
module attributes {stable_mosaic.version = 14 : i64} {
  func.func @_sc_body(%arg0: i32, %arg1: i32, %arg2: memref<50000xi32, #tpu.memory_space<hbm>>, %arg3: memref<150000xi32, #tpu.memory_space<hbm>>, %arg4: memref<800000xi32, #tpu.memory_space<hbm>>, %arg5: memref<800000xi32, #tpu.memory_space<hbm>>, %arg6: memref<95x128xf32, #tpu.memory_space<hbm>>, %arg7: memref<50000x128xf32, #tpu.memory_space<hbm>>, %arg8: memref<800000xf32, #tpu.memory_space<hbm>>, %arg9: memref<300000xi32, #tpu.memory_space<hbm>>, %arg10: memref<50000xi32, #tpu.memory_space<vmem>>, %arg11: memref<12800xi32, #tpu.memory_space<vmem>>, %arg12: memref<12800xi32, #tpu.memory_space<vmem>>, %arg13: memref<12800xf32, #tpu.memory_space<vmem>>, %arg14: memref<200xi32, #tpu.memory_space<vmem>>, %arg15: memref<200x128xf32, #tpu.memory_space<vmem>>, %arg16: memref<!tpu.dma_semaphore, #tpu.memory_space<semaphore_mem>>) attributes {dimension_semantics = [#tpu.dimension_semantics<core_parallel>, #tpu.dimension_semantics<subcore_parallel>], iteration_bounds = array<i64: 2, 16>, scalar_prefetch = 0 : i64, scratch_operands = 7 : i64, tpu.core_type = #tpu.core_type<sc_vector_subcore>, window_params = [{transform_indices = #map}, {transform_indices = #map}, {transform_indices = #map}, {transform_indices = #map}, {transform_indices = #map1}, {transform_indices = #map1}, {transform_indices = #map}, {transform_indices = #map}]} {
    %mul3A = arith.constant 2 : i32
    %mul3A_0 = arith.muli %arg1, %mul3A : i32
    %add3A = arith.addi %mul3A_0, %arg0 : i32
    %mul3A_1 = arith.constant 2 : i32
    %mul3A_2 = arith.muli %arg1, %mul3A_1 : i32
    %add3A_3 = arith.constant 0 : i32
    %add3A_4 = arith.addi %mul3A_2, %add3A_3 : i32
    %lt3A = arith.constant 31 : i32
    %lt3A_5 = arith.cmpi slt, %add3A_4, %lt3A : i32
    %convert_element_type3A = arith.extui %lt3A_5 : i1 to i32
    %cond3A = arith.constant 0 : i32
    %cond3A_6 = arith.cmpi ne, %convert_element_type3A, %cond3A : i32
    scf.if %cond3A_6 {
      %mul3A_91 = arith.constant 1568 : i32
      %mul3A_92 = arith.muli %add3A_4, %mul3A_91 : i32
      %mul3A_93 = arith.constant 3 : i32
      %mul3A_94 = arith.muli %mul3A_92, %mul3A_93 : i32
      "tpu.region"() ({
        %run_scoped3A = tpu.sem_alloc : memref<!tpu.dma_semaphore, #tpu.memory_space<semaphore_mem>>
        %dma_start3A = arith.constant 0 : i32
        %dma_start3A_127 = tpu.memref_slice %arg11[%dma_start3A] : memref<12800xi32, #tpu.memory_space<vmem>> -> memref<4704xi32, #tpu.memory_space<vmem>>
        %dma_start3A_128 = tpu.memref_slice %arg3[%mul3A_94] : memref<150000xi32, #tpu.memory_space<hbm>> -> memref<4704xi32, #tpu.memory_space<hbm>>
        %dma_start3A_129 = arith.constant 0 : i32
        %dma_start3A_130 = tpu.memref_slice %arg11[%dma_start3A_129] : memref<12800xi32, #tpu.memory_space<vmem>> -> memref<4704xi32, #tpu.memory_space<vmem>>
        %dma_start3A_131 = tpu.memref_slice %arg3[%mul3A_94] : memref<150000xi32, #tpu.memory_space<hbm>> -> memref<4704xi32, #tpu.memory_space<hbm>>
        tpu.enqueue_dma source(%dma_start3A_131 : memref<4704xi32, #tpu.memory_space<hbm>>) target(%dma_start3A_130 : memref<4704xi32, #tpu.memory_space<vmem>>) target_semaphore(%run_scoped3A : memref<!tpu.dma_semaphore, #tpu.memory_space<semaphore_mem>>)
        %dma_wait3A = arith.constant 0 : i32
        %dma_wait3A_132 = tpu.memref_slice %arg11[%dma_wait3A] : memref<12800xi32, #tpu.memory_space<vmem>> -> memref<4704xi32, #tpu.memory_space<vmem>>
        %dma_wait3A_133 = tpu.memref_slice %arg3[%mul3A_94] : memref<150000xi32, #tpu.memory_space<hbm>> -> memref<4704xi32, #tpu.memory_space<hbm>>
        %dma_wait3A_134 = arith.constant 0 : i32
        %dma_wait3A_135 = tpu.memref_slice %arg11[%dma_wait3A_134] : memref<12800xi32, #tpu.memory_space<vmem>> -> memref<4704xi32, #tpu.memory_space<vmem>>
        %dma_wait3A_136 = tpu.memref_slice %arg3[%mul3A_94] : memref<150000xi32, #tpu.memory_space<hbm>> -> memref<4704xi32, #tpu.memory_space<hbm>>
        tpu.wait_dma2 semaphore(%run_scoped3A : memref<!tpu.dma_semaphore, #tpu.memory_space<semaphore_mem>>) src(%dma_wait3A_136 : memref<4704xi32, #tpu.memory_space<hbm>>) dst(%dma_wait3A_135 : memref<4704xi32, #tpu.memory_space<vmem>>)
        tpu.yield
      }) : () -> ()
      %scan3A = arith.constant 0 : i32
      %scan3A_95 = arith.constant 0 : i32
      %scan3A_96 = arith.constant 98 : i32
      %scan3A_97 = arith.addi %scan3A_95, %scan3A_96 : i32
      %scan3A_98 = arith.constant 1 : i32
      scf.for %scan3A_127 = %scan3A_95 to %scan3A_97 step %scan3A_98  : i32 {
        %iota3A = tpu.iota {dimensions = array<i32: 0>} : vector<16xi32>
        %mul3A_128 = arith.constant 3 : i32
        %mul3A_129 = vector.broadcast %mul3A_128 : i32 to vector<16xi32>
        %mul3A_130 = arith.muli %iota3A, %mul3A_129 : vector<16xi32>
        %mul3A_131 = arith.constant 48 : i32
        %mul3A_132 = arith.muli %scan3A_127, %mul3A_131 : i32
        %add3A_133 = arith.constant 0 : i32
        %add3A_134 = arith.addi %mul3A_132, %add3A_133 : i32
        %add3A_135 = vector.broadcast %add3A_134 : i32 to vector<16xi32>
        %add3A_136 = arith.addi %mul3A_130, %add3A_135 : vector<16xi32>
        %gather3A = tpu.vector_load_idx %arg11[%add3A_136] : memref<12800xi32, #tpu.memory_space<vmem>>[vector<16xi32>], vector<16xi32>,
        %mul3A_137 = arith.constant 16 : i32
        %mul3A_138 = arith.muli %scan3A_127, %mul3A_137 : i32
        %swap3A = arith.index_cast %mul3A_138 : i32 to index
        %swap3A_139 = tpu.vector_load %arg12[%swap3A] {strides = array<i32>} : memref<12800xi32, #tpu.memory_space<vmem>>, vector<16xi32>,
        tpu.vector_store %arg12[%swap3A], %gather3A {strides = array<i32>} : memref<12800xi32, #tpu.memory_space<vmem>>, vector<16xi32>,
      }
      %scan3A_99 = arith.constant 98 : i32
      %mul3A_100 = arith.constant 150000 : i32
      %mul3A_101 = arith.muli %arg0, %mul3A_100 : i32
      %add3A_102 = arith.constant 0 : i32
      %add3A_103 = arith.addi %mul3A_101, %add3A_102 : i32
      %add3A_104 = arith.addi %add3A_103, %mul3A_92 : i32
      "tpu.region"() ({
        %run_scoped3A = tpu.sem_alloc : memref<!tpu.dma_semaphore, #tpu.memory_space<semaphore_mem>>
        %dma_start3A = arith.constant 0 : i32
        %dma_start3A_127 = tpu.memref_slice %arg12[%dma_start3A] : memref<12800xi32, #tpu.memory_space<vmem>> -> memref<1568xi32, #tpu.memory_space<vmem>>
        %dma_start3A_128 = tpu.memref_slice %arg9[%add3A_104] : memref<300000xi32, #tpu.memory_space<hbm>> -> memref<1568xi32, #tpu.memory_space<hbm>>
        %dma_start3A_129 = tpu.memref_slice %arg9[%add3A_104] : memref<300000xi32, #tpu.memory_space<hbm>> -> memref<1568xi32, #tpu.memory_space<hbm>>
        %dma_start3A_130 = arith.constant 0 : i32
        %dma_start3A_131 = tpu.memref_slice %arg12[%dma_start3A_130] : memref<12800xi32, #tpu.memory_space<vmem>> -> memref<1568xi32, #tpu.memory_space<vmem>>
        tpu.enqueue_dma source(%dma_start3A_131 : memref<1568xi32, #tpu.memory_space<vmem>>) target(%dma_start3A_129 : memref<1568xi32, #tpu.memory_space<hbm>>) target_semaphore(%run_scoped3A : memref<!tpu.dma_semaphore, #tpu.memory_space<semaphore_mem>>)
        %dma_wait3A = arith.constant 0 : i32
        %dma_wait3A_132 = tpu.memref_slice %arg12[%dma_wait3A] : memref<12800xi32, #tpu.memory_space<vmem>> -> memref<1568xi32, #tpu.memory_space<vmem>>
        %dma_wait3A_133 = tpu.memref_slice %arg9[%add3A_104] : memref<300000xi32, #tpu.memory_space<hbm>> -> memref<1568xi32, #tpu.memory_space<hbm>>
        %dma_wait3A_134 = tpu.memref_slice %arg9[%add3A_104] : memref<300000xi32, #tpu.memory_space<hbm>> -> memref<1568xi32, #tpu.memory_space<hbm>>
        %dma_wait3A_135 = arith.constant 0 : i32
        %dma_wait3A_136 = tpu.memref_slice %arg12[%dma_wait3A_135] : memref<12800xi32, #tpu.memory_space<vmem>> -> memref<1568xi32, #tpu.memory_space<vmem>>
        tpu.wait_dma2 semaphore(%run_scoped3A : memref<!tpu.dma_semaphore, #tpu.memory_space<semaphore_mem>>) src(%dma_wait3A_136 : memref<1568xi32, #tpu.memory_space<vmem>>) dst(%dma_wait3A_134 : memref<1568xi32, #tpu.memory_space<hbm>>)
        tpu.yield
      }) : () -> ()
      %scan3A_105 = arith.constant 0 : i32
      %scan3A_106 = arith.constant 0 : i32
      %scan3A_107 = arith.constant 98 : i32
      %scan3A_108 = arith.addi %scan3A_106, %scan3A_107 : i32
      %scan3A_109 = arith.constant 1 : i32
      scf.for %scan3A_127 = %scan3A_106 to %scan3A_108 step %scan3A_109  : i32 {
        %iota3A = tpu.iota {dimensions = array<i32: 0>} : vector<16xi32>
        %mul3A_128 = arith.constant 3 : i32
        %mul3A_129 = vector.broadcast %mul3A_128 : i32 to vector<16xi32>
        %mul3A_130 = arith.muli %iota3A, %mul3A_129 : vector<16xi32>
        %mul3A_131 = arith.constant 48 : i32
        %mul3A_132 = arith.muli %scan3A_127, %mul3A_131 : i32
        %add3A_133 = arith.constant 1 : i32
        %add3A_134 = arith.addi %mul3A_132, %add3A_133 : i32
        %add3A_135 = vector.broadcast %add3A_134 : i32 to vector<16xi32>
        %add3A_136 = arith.addi %mul3A_130, %add3A_135 : vector<16xi32>
        %gather3A = tpu.vector_load_idx %arg11[%add3A_136] : memref<12800xi32, #tpu.memory_space<vmem>>[vector<16xi32>], vector<16xi32>,
        %mul3A_137 = arith.constant 16 : i32
        %mul3A_138 = arith.muli %scan3A_127, %mul3A_137 : i32
        %swap3A = arith.index_cast %mul3A_138 : i32 to index
        %swap3A_139 = tpu.vector_load %arg12[%swap3A] {strides = array<i32>} : memref<12800xi32, #tpu.memory_space<vmem>>, vector<16xi32>,
        tpu.vector_store %arg12[%swap3A], %gather3A {strides = array<i32>} : memref<12800xi32, #tpu.memory_space<vmem>>, vector<16xi32>,
      }
      %scan3A_110 = arith.constant 98 : i32
      %mul3A_111 = arith.constant 150000 : i32
      %mul3A_112 = arith.muli %arg0, %mul3A_111 : i32
      %add3A_113 = arith.constant 50000 : i32
      %add3A_114 = arith.addi %mul3A_112, %add3A_113 : i32
      %add3A_115 = arith.addi %add3A_114, %mul3A_92 : i32
      "tpu.region"() ({
        %run_scoped3A = tpu.sem_alloc : memref<!tpu.dma_semaphore, #tpu.memory_space<semaphore_mem>>
        %dma_start3A = arith.constant 0 : i32
        %dma_start3A_127 = tpu.memref_slice %arg12[%dma_start3A] : memref<12800xi32, #tpu.memory_space<vmem>> -> memref<1568xi32, #tpu.memory_space<vmem>>
        %dma_start3A_128 = tpu.memref_slice %arg9[%add3A_115] : memref<300000xi32, #tpu.memory_space<hbm>> -> memref<1568xi32, #tpu.memory_space<hbm>>
        %dma_start3A_129 = tpu.memref_slice %arg9[%add3A_115] : memref<300000xi32, #tpu.memory_space<hbm>> -> memref<1568xi32, #tpu.memory_space<hbm>>
        %dma_start3A_130 = arith.constant 0 : i32
        %dma_start3A_131 = tpu.memref_slice %arg12[%dma_start3A_130] : memref<12800xi32, #tpu.memory_space<vmem>> -> memref<1568xi32, #tpu.memory_space<vmem>>
        tpu.enqueue_dma source(%dma_start3A_131 : memref<1568xi32, #tpu.memory_space<vmem>>) target(%dma_start3A_129 : memref<1568xi32, #tpu.memory_space<hbm>>) target_semaphore(%run_scoped3A : memref<!tpu.dma_semaphore, #tpu.memory_space<semaphore_mem>>)
        %dma_wait3A = arith.constant 0 : i32
        %dma_wait3A_132 = tpu.memref_slice %arg12[%dma_wait3A] : memref<12800xi32, #tpu.memory_space<vmem>> -> memref<1568xi32, #tpu.memory_space<vmem>>
        %dma_wait3A_133 = tpu.memref_slice %arg9[%add3A_115] : memref<300000xi32, #tpu.memory_space<hbm>> -> memref<1568xi32, #tpu.memory_space<hbm>>
        %dma_wait3A_134 = tpu.memref_slice %arg9[%add3A_115] : memref<300000xi32, #tpu.memory_space<hbm>> -> memref<1568xi32, #tpu.memory_space<hbm>>
        %dma_wait3A_135 = arith.constant 0 : i32
        %dma_wait3A_136 = tpu.memref_slice %arg12[%dma_wait3A_135] : memref<12800xi32, #tpu.memory_space<vmem>> -> memref<1568xi32, #tpu.memory_space<vmem>>
        tpu.wait_dma2 semaphore(%run_scoped3A : memref<!tpu.dma_semaphore, #tpu.memory_space<semaphore_mem>>) src(%dma_wait3A_136 : memref<1568xi32, #tpu.memory_space<vmem>>) dst(%dma_wait3A_134 : memref<1568xi32, #tpu.memory_space<hbm>>)
        tpu.yield
      }) : () -> ()
      %scan3A_116 = arith.constant 0 : i32
      %scan3A_117 = arith.constant 0 : i32
      %scan3A_118 = arith.constant 98 : i32
      %scan3A_119 = arith.addi %scan3A_117, %scan3A_118 : i32
      %scan3A_120 = arith.constant 1 : i32
      scf.for %scan3A_127 = %scan3A_117 to %scan3A_119 step %scan3A_120  : i32 {
        %iota3A = tpu.iota {dimensions = array<i32: 0>} : vector<16xi32>
        %mul3A_128 = arith.constant 3 : i32
        %mul3A_129 = vector.broadcast %mul3A_128 : i32 to vector<16xi32>
        %mul3A_130 = arith.muli %iota3A, %mul3A_129 : vector<16xi32>
        %mul3A_131 = arith.constant 48 : i32
        %mul3A_132 = arith.muli %scan3A_127, %mul3A_131 : i32
        %add3A_133 = arith.constant 2 : i32
        %add3A_134 = arith.addi %mul3A_132, %add3A_133 : i32
        %add3A_135 = vector.broadcast %add3A_134 : i32 to vector<16xi32>
        %add3A_136 = arith.addi %mul3A_130, %add3A_135 : vector<16xi32>
        %gather3A = tpu.vector_load_idx %arg11[%add3A_136] : memref<12800xi32, #tpu.memory_space<vmem>>[vector<16xi32>], vector<16xi32>,
        %mul3A_137 = arith.constant 16 : i32
        %mul3A_138 = arith.muli %scan3A_127, %mul3A_137 : i32
        %swap3A = arith.index_cast %mul3A_138 : i32 to index
        %swap3A_139 = tpu.vector_load %arg12[%swap3A] {strides = array<i32>} : memref<12800xi32, #tpu.memory_space<vmem>>, vector<16xi32>,
        tpu.vector_store %arg12[%swap3A], %gather3A {strides = array<i32>} : memref<12800xi32, #tpu.memory_space<vmem>>, vector<16xi32>,
      }
      %scan3A_121 = arith.constant 98 : i32
      %mul3A_122 = arith.constant 150000 : i32
      %mul3A_123 = arith.muli %arg0, %mul3A_122 : i32
      %add3A_124 = arith.constant 100000 : i32
      %add3A_125 = arith.addi %mul3A_123, %add3A_124 : i32
      %add3A_126 = arith.addi %add3A_125, %mul3A_92 : i32
      "tpu.region"() ({
        %run_scoped3A = tpu.sem_alloc : memref<!tpu.dma_semaphore, #tpu.memory_space<semaphore_mem>>
        %dma_start3A = arith.constant 0 : i32
        %dma_start3A_127 = tpu.memref_slice %arg12[%dma_start3A] : memref<12800xi32, #tpu.memory_space<vmem>> -> memref<1568xi32, #tpu.memory_space<vmem>>
        %dma_start3A_128 = tpu.memref_slice %arg9[%add3A_126] : memref<300000xi32, #tpu.memory_space<hbm>> -> memref<1568xi32, #tpu.memory_space<hbm>>
        %dma_start3A_129 = tpu.memref_slice %arg9[%add3A_126] : memref<300000xi32, #tpu.memory_space<hbm>> -> memref<1568xi32, #tpu.memory_space<hbm>>
        %dma_start3A_130 = arith.constant 0 : i32
        %dma_start3A_131 = tpu.memref_slice %arg12[%dma_start3A_130] : memref<12800xi32, #tpu.memory_space<vmem>> -> memref<1568xi32, #tpu.memory_space<vmem>>
        tpu.enqueue_dma source(%dma_start3A_131 : memref<1568xi32, #tpu.memory_space<vmem>>) target(%dma_start3A_129 : memref<1568xi32, #tpu.memory_space<hbm>>) target_semaphore(%run_scoped3A : memref<!tpu.dma_semaphore, #tpu.memory_space<semaphore_mem>>)
        %dma_wait3A = arith.constant 0 : i32
        %dma_wait3A_132 = tpu.memref_slice %arg12[%dma_wait3A] : memref<12800xi32, #tpu.memory_space<vmem>> -> memref<1568xi32, #tpu.memory_space<vmem>>
        %dma_wait3A_133 = tpu.memref_slice %arg9[%add3A_126] : memref<300000xi32, #tpu.memory_space<hbm>> -> memref<1568xi32, #tpu.memory_space<hbm>>
        %dma_wait3A_134 = tpu.memref_slice %arg9[%add3A_126] : memref<300000xi32, #tpu.memory_space<hbm>> -> memref<1568xi32, #tpu.memory_space<hbm>>
        %dma_wait3A_135 = arith.constant 0 : i32
        %dma_wait3A_136 = tpu.memref_slice %arg12[%dma_wait3A_135] : memref<12800xi32, #tpu.memory_space<vmem>> -> memref<1568xi32, #tpu.memory_space<vmem>>
        tpu.wait_dma2 semaphore(%run_scoped3A : memref<!tpu.dma_semaphore, #tpu.memory_space<semaphore_mem>>) src(%dma_wait3A_136 : memref<1568xi32, #tpu.memory_space<vmem>>) dst(%dma_wait3A_134 : memref<1568xi32, #tpu.memory_space<hbm>>)
        tpu.yield
      }) : () -> ()
    } else {
    }
    %eq3A = arith.constant 31 : i32
    %eq3A_7 = arith.cmpi eq, %add3A_4, %eq3A : i32
    %convert_element_type3A_8 = arith.extui %eq3A_7 : i1 to i32
    %cond3A_9 = arith.constant 0 : i32
    %cond3A_10 = arith.cmpi ne, %convert_element_type3A_8, %cond3A_9 : i32
    scf.if %cond3A_10 {
      "tpu.region"() ({
        %run_scoped3A = tpu.sem_alloc : memref<!tpu.dma_semaphore, #tpu.memory_space<semaphore_mem>>
        %dma_start3A = arith.constant 0 : i32
        %dma_start3A_126 = tpu.memref_slice %arg11[%dma_start3A] : memref<12800xi32, #tpu.memory_space<vmem>> -> memref<4176xi32, #tpu.memory_space<vmem>>
        %dma_start3A_127 = arith.constant 145824 : i32
        %dma_start3A_128 = tpu.memref_slice %arg3[%dma_start3A_127] : memref<150000xi32, #tpu.memory_space<hbm>> -> memref<4176xi32, #tpu.memory_space<hbm>>
        %dma_start3A_129 = arith.constant 0 : i32
        %dma_start3A_130 = tpu.memref_slice %arg11[%dma_start3A_129] : memref<12800xi32, #tpu.memory_space<vmem>> -> memref<4176xi32, #tpu.memory_space<vmem>>
        %dma_start3A_131 = arith.constant 145824 : i32
        %dma_start3A_132 = tpu.memref_slice %arg3[%dma_start3A_131] : memref<150000xi32, #tpu.memory_space<hbm>> -> memref<4176xi32, #tpu.memory_space<hbm>>
        tpu.enqueue_dma source(%dma_start3A_132 : memref<4176xi32, #tpu.memory_space<hbm>>) target(%dma_start3A_130 : memref<4176xi32, #tpu.memory_space<vmem>>) target_semaphore(%run_scoped3A : memref<!tpu.dma_semaphore, #tpu.memory_space<semaphore_mem>>)
        %dma_wait3A = arith.constant 0 : i32
        %dma_wait3A_133 = tpu.memref_slice %arg11[%dma_wait3A] : memref<12800xi32, #tpu.memory_space<vmem>> -> memref<4176xi32, #tpu.memory_space<vmem>>
        %dma_wait3A_134 = arith.constant 145824 : i32
        %dma_wait3A_135 = tpu.memref_slice %arg3[%dma_wait3A_134] : memref<150000xi32, #tpu.memory_space<hbm>> -> memref<4176xi32, #tpu.memory_space<hbm>>
        %dma_wait3A_136 = arith.constant 0 : i32
        %dma_wait3A_137 = tpu.memref_slice %arg11[%dma_wait3A_136] : memref<12800xi32, #tpu.memory_space<vmem>> -> memref<4176xi32, #tpu.memory_space<vmem>>
        %dma_wait3A_138 = arith.constant 145824 : i32
        %dma_wait3A_139 = tpu.memref_slice %arg3[%dma_wait3A_138] : memref<150000xi32, #tpu.memory_space<hbm>> -> memref<4176xi32, #tpu.memory_space<hbm>>
        tpu.wait_dma2 semaphore(%run_scoped3A : memref<!tpu.dma_semaphore, #tpu.memory_space<semaphore_mem>>) src(%dma_wait3A_139 : memref<4176xi32, #tpu.memory_space<hbm>>) dst(%dma_wait3A_137 : memref<4176xi32, #tpu.memory_space<vmem>>)
        tpu.yield
      }) : () -> ()
      %scan3A = arith.constant 0 : i32
      %scan3A_91 = arith.constant 0 : i32
      %scan3A_92 = arith.constant 87 : i32
      %scan3A_93 = arith.addi %scan3A_91, %scan3A_92 : i32
      %scan3A_94 = arith.constant 1 : i32
      scf.for %scan3A_126 = %scan3A_91 to %scan3A_93 step %scan3A_94  : i32 {
        %iota3A = tpu.iota {dimensions = array<i32: 0>} : vector<16xi32>
        %mul3A_127 = arith.constant 3 : i32
        %mul3A_128 = vector.broadcast %mul3A_127 : i32 to vector<16xi32>
        %mul3A_129 = arith.muli %iota3A, %mul3A_128 : vector<16xi32>
        %mul3A_130 = arith.constant 48 : i32
        %mul3A_131 = arith.muli %scan3A_126, %mul3A_130 : i32
        %add3A_132 = arith.constant 0 : i32
        %add3A_133 = arith.addi %mul3A_131, %add3A_132 : i32
        %add3A_134 = vector.broadcast %add3A_133 : i32 to vector<16xi32>
        %add3A_135 = arith.addi %mul3A_129, %add3A_134 : vector<16xi32>
        %gather3A = tpu.vector_load_idx %arg11[%add3A_135] : memref<12800xi32, #tpu.memory_space<vmem>>[vector<16xi32>], vector<16xi32>,
        %mul3A_136 = arith.constant 16 : i32
        %mul3A_137 = arith.muli %scan3A_126, %mul3A_136 : i32
        %swap3A = arith.index_cast %mul3A_137 : i32 to index
        %swap3A_138 = tpu.vector_load %arg12[%swap3A] {strides = array<i32>} : memref<12800xi32, #tpu.memory_space<vmem>>, vector<16xi32>,
        tpu.vector_store %arg12[%swap3A], %gather3A {strides = array<i32>} : memref<12800xi32, #tpu.memory_space<vmem>>, vector<16xi32>,
      }
      %scan3A_95 = arith.constant 87 : i32
      %mul3A_96 = arith.constant 150000 : i32
      %mul3A_97 = arith.muli %arg0, %mul3A_96 : i32
      %add3A_98 = arith.constant 0 : i32
      %add3A_99 = arith.addi %mul3A_97, %add3A_98 : i32
      %add3A_100 = arith.constant 48608 : i32
      %add3A_101 = arith.addi %add3A_99, %add3A_100 : i32
      "tpu.region"() ({
        %run_scoped3A = tpu.sem_alloc : memref<!tpu.dma_semaphore, #tpu.memory_space<semaphore_mem>>
        %dma_start3A = arith.constant 0 : i32
        %dma_start3A_126 = tpu.memref_slice %arg12[%dma_start3A] : memref<12800xi32, #tpu.memory_space<vmem>> -> memref<1392xi32, #tpu.memory_space<vmem>>
        %dma_start3A_127 = tpu.memref_slice %arg9[%add3A_101] : memref<300000xi32, #tpu.memory_space<hbm>> -> memref<1392xi32, #tpu.memory_space<hbm>>
        %dma_start3A_128 = tpu.memref_slice %arg9[%add3A_101] : memref<300000xi32, #tpu.memory_space<hbm>> -> memref<1392xi32, #tpu.memory_space<hbm>>
        %dma_start3A_129 = arith.constant 0 : i32
        %dma_start3A_130 = tpu.memref_slice %arg12[%dma_start3A_129] : memref<12800xi32, #tpu.memory_space<vmem>> -> memref<1392xi32, #tpu.memory_space<vmem>>
        tpu.enqueue_dma source(%dma_start3A_130 : memref<1392xi32, #tpu.memory_space<vmem>>) target(%dma_start3A_128 : memref<1392xi32, #tpu.memory_space<hbm>>) target_semaphore(%run_scoped3A : memref<!tpu.dma_semaphore, #tpu.memory_space<semaphore_mem>>)
        %dma_wait3A = arith.constant 0 : i32
        %dma_wait3A_131 = tpu.memref_slice %arg12[%dma_wait3A] : memref<12800xi32, #tpu.memory_space<vmem>> -> memref<1392xi32, #tpu.memory_space<vmem>>
        %dma_wait3A_132 = tpu.memref_slice %arg9[%add3A_101] : memref<300000xi32, #tpu.memory_space<hbm>> -> memref<1392xi32, #tpu.memory_space<hbm>>
        %dma_wait3A_133 = tpu.memref_slice %arg9[%add3A_101] : memref<300000xi32, #tpu.memory_space<hbm>> -> memref<1392xi32, #tpu.memory_space<hbm>>
        %dma_wait3A_134 = arith.constant 0 : i32
        %dma_wait3A_135 = tpu.memref_slice %arg12[%dma_wait3A_134] : memref<12800xi32, #tpu.memory_space<vmem>> -> memref<1392xi32, #tpu.memory_space<vmem>>
        tpu.wait_dma2 semaphore(%run_scoped3A : memref<!tpu.dma_semaphore, #tpu.memory_space<semaphore_mem>>) src(%dma_wait3A_135 : memref<1392xi32, #tpu.memory_space<vmem>>) dst(%dma_wait3A_133 : memref<1392xi32, #tpu.memory_space<hbm>>)
        tpu.yield
      }) : () -> ()
      %scan3A_102 = arith.constant 0 : i32
      %scan3A_103 = arith.constant 0 : i32
      %scan3A_104 = arith.constant 87 : i32
      %scan3A_105 = arith.addi %scan3A_103, %scan3A_104 : i32
      %scan3A_106 = arith.constant 1 : i32
      scf.for %scan3A_126 = %scan3A_103 to %scan3A_105 step %scan3A_106  : i32 {
        %iota3A = tpu.iota {dimensions = array<i32: 0>} : vector<16xi32>
        %mul3A_127 = arith.constant 3 : i32
        %mul3A_128 = vector.broadcast %mul3A_127 : i32 to vector<16xi32>
        %mul3A_129 = arith.muli %iota3A, %mul3A_128 : vector<16xi32>
        %mul3A_130 = arith.constant 48 : i32
        %mul3A_131 = arith.muli %scan3A_126, %mul3A_130 : i32
        %add3A_132 = arith.constant 1 : i32
        %add3A_133 = arith.addi %mul3A_131, %add3A_132 : i32
        %add3A_134 = vector.broadcast %add3A_133 : i32 to vector<16xi32>
        %add3A_135 = arith.addi %mul3A_129, %add3A_134 : vector<16xi32>
        %gather3A = tpu.vector_load_idx %arg11[%add3A_135] : memref<12800xi32, #tpu.memory_space<vmem>>[vector<16xi32>], vector<16xi32>,
        %mul3A_136 = arith.constant 16 : i32
        %mul3A_137 = arith.muli %scan3A_126, %mul3A_136 : i32
        %swap3A = arith.index_cast %mul3A_137 : i32 to index
        %swap3A_138 = tpu.vector_load %arg12[%swap3A] {strides = array<i32>} : memref<12800xi32, #tpu.memory_space<vmem>>, vector<16xi32>,
        tpu.vector_store %arg12[%swap3A], %gather3A {strides = array<i32>} : memref<12800xi32, #tpu.memory_space<vmem>>, vector<16xi32>,
      }
      %scan3A_107 = arith.constant 87 : i32
      %mul3A_108 = arith.constant 150000 : i32
      %mul3A_109 = arith.muli %arg0, %mul3A_108 : i32
      %add3A_110 = arith.constant 50000 : i32
      %add3A_111 = arith.addi %mul3A_109, %add3A_110 : i32
      %add3A_112 = arith.constant 48608 : i32
      %add3A_113 = arith.addi %add3A_111, %add3A_112 : i32
      "tpu.region"() ({
        %run_scoped3A = tpu.sem_alloc : memref<!tpu.dma_semaphore, #tpu.memory_space<semaphore_mem>>
        %dma_start3A = arith.constant 0 : i32
        %dma_start3A_126 = tpu.memref_slice %arg12[%dma_start3A] : memref<12800xi32, #tpu.memory_space<vmem>> -> memref<1392xi32, #tpu.memory_space<vmem>>
        %dma_start3A_127 = tpu.memref_slice %arg9[%add3A_113] : memref<300000xi32, #tpu.memory_space<hbm>> -> memref<1392xi32, #tpu.memory_space<hbm>>
        %dma_start3A_128 = tpu.memref_slice %arg9[%add3A_113] : memref<300000xi32, #tpu.memory_space<hbm>> -> memref<1392xi32, #tpu.memory_space<hbm>>
        %dma_start3A_129 = arith.constant 0 : i32
        %dma_start3A_130 = tpu.memref_slice %arg12[%dma_start3A_129] : memref<12800xi32, #tpu.memory_space<vmem>> -> memref<1392xi32, #tpu.memory_space<vmem>>
        tpu.enqueue_dma source(%dma_start3A_130 : memref<1392xi32, #tpu.memory_space<vmem>>) target(%dma_start3A_128 : memref<1392xi32, #tpu.memory_space<hbm>>) target_semaphore(%run_scoped3A : memref<!tpu.dma_semaphore, #tpu.memory_space<semaphore_mem>>)
        %dma_wait3A = arith.constant 0 : i32
        %dma_wait3A_131 = tpu.memref_slice %arg12[%dma_wait3A] : memref<12800xi32, #tpu.memory_space<vmem>> -> memref<1392xi32, #tpu.memory_space<vmem>>
        %dma_wait3A_132 = tpu.memref_slice %arg9[%add3A_113] : memref<300000xi32, #tpu.memory_space<hbm>> -> memref<1392xi32, #tpu.memory_space<hbm>>
        %dma_wait3A_133 = tpu.memref_slice %arg9[%add3A_113] : memref<300000xi32, #tpu.memory_space<hbm>> -> memref<1392xi32, #tpu.memory_space<hbm>>
        %dma_wait3A_134 = arith.constant 0 : i32
        %dma_wait3A_135 = tpu.memref_slice %arg12[%dma_wait3A_134] : memref<12800xi32, #tpu.memory_space<vmem>> -> memref<1392xi32, #tpu.memory_space<vmem>>
        tpu.wait_dma2 semaphore(%run_scoped3A : memref<!tpu.dma_semaphore, #tpu.memory_space<semaphore_mem>>) src(%dma_wait3A_135 : memref<1392xi32, #tpu.memory_space<vmem>>) dst(%dma_wait3A_133 : memref<1392xi32, #tpu.memory_space<hbm>>)
        tpu.yield
      }) : () -> ()
      %scan3A_114 = arith.constant 0 : i32
      %scan3A_115 = arith.constant 0 : i32
      %scan3A_116 = arith.constant 87 : i32
      %scan3A_117 = arith.addi %scan3A_115, %scan3A_116 : i32
      %scan3A_118 = arith.constant 1 : i32
      scf.for %scan3A_126 = %scan3A_115 to %scan3A_117 step %scan3A_118  : i32 {
        %iota3A = tpu.iota {dimensions = array<i32: 0>} : vector<16xi32>
        %mul3A_127 = arith.constant 3 : i32
        %mul3A_128 = vector.broadcast %mul3A_127 : i32 to vector<16xi32>
        %mul3A_129 = arith.muli %iota3A, %mul3A_128 : vector<16xi32>
        %mul3A_130 = arith.constant 48 : i32
        %mul3A_131 = arith.muli %scan3A_126, %mul3A_130 : i32
        %add3A_132 = arith.constant 2 : i32
        %add3A_133 = arith.addi %mul3A_131, %add3A_132 : i32
        %add3A_134 = vector.broadcast %add3A_133 : i32 to vector<16xi32>
        %add3A_135 = arith.addi %mul3A_129, %add3A_134 : vector<16xi32>
        %gather3A = tpu.vector_load_idx %arg11[%add3A_135] : memref<12800xi32, #tpu.memory_space<vmem>>[vector<16xi32>], vector<16xi32>,
        %mul3A_136 = arith.constant 16 : i32
        %mul3A_137 = arith.muli %scan3A_126, %mul3A_136 : i32
        %swap3A = arith.index_cast %mul3A_137 : i32 to index
        %swap3A_138 = tpu.vector_load %arg12[%swap3A] {strides = array<i32>} : memref<12800xi32, #tpu.memory_space<vmem>>, vector<16xi32>,
        tpu.vector_store %arg12[%swap3A], %gather3A {strides = array<i32>} : memref<12800xi32, #tpu.memory_space<vmem>>, vector<16xi32>,
      }
      %scan3A_119 = arith.constant 87 : i32
      %mul3A_120 = arith.constant 150000 : i32
      %mul3A_121 = arith.muli %arg0, %mul3A_120 : i32
      %add3A_122 = arith.constant 100000 : i32
      %add3A_123 = arith.addi %mul3A_121, %add3A_122 : i32
      %add3A_124 = arith.constant 48608 : i32
      %add3A_125 = arith.addi %add3A_123, %add3A_124 : i32
      "tpu.region"() ({
        %run_scoped3A = tpu.sem_alloc : memref<!tpu.dma_semaphore, #tpu.memory_space<semaphore_mem>>
        %dma_start3A = arith.constant 0 : i32
        %dma_start3A_126 = tpu.memref_slice %arg12[%dma_start3A] : memref<12800xi32, #tpu.memory_space<vmem>> -> memref<1392xi32, #tpu.memory_space<vmem>>
        %dma_start3A_127 = tpu.memref_slice %arg9[%add3A_125] : memref<300000xi32, #tpu.memory_space<hbm>> -> memref<1392xi32, #tpu.memory_space<hbm>>
        %dma_start3A_128 = tpu.memref_slice %arg9[%add3A_125] : memref<300000xi32, #tpu.memory_space<hbm>> -> memref<1392xi32, #tpu.memory_space<hbm>>
        %dma_start3A_129 = arith.constant 0 : i32
        %dma_start3A_130 = tpu.memref_slice %arg12[%dma_start3A_129] : memref<12800xi32, #tpu.memory_space<vmem>> -> memref<1392xi32, #tpu.memory_space<vmem>>
        tpu.enqueue_dma source(%dma_start3A_130 : memref<1392xi32, #tpu.memory_space<vmem>>) target(%dma_start3A_128 : memref<1392xi32, #tpu.memory_space<hbm>>) target_semaphore(%run_scoped3A : memref<!tpu.dma_semaphore, #tpu.memory_space<semaphore_mem>>)
        %dma_wait3A = arith.constant 0 : i32
        %dma_wait3A_131 = tpu.memref_slice %arg12[%dma_wait3A] : memref<12800xi32, #tpu.memory_space<vmem>> -> memref<1392xi32, #tpu.memory_space<vmem>>
        %dma_wait3A_132 = tpu.memref_slice %arg9[%add3A_125] : memref<300000xi32, #tpu.memory_space<hbm>> -> memref<1392xi32, #tpu.memory_space<hbm>>
        %dma_wait3A_133 = tpu.memref_slice %arg9[%add3A_125] : memref<300000xi32, #tpu.memory_space<hbm>> -> memref<1392xi32, #tpu.memory_space<hbm>>
        %dma_wait3A_134 = arith.constant 0 : i32
        %dma_wait3A_135 = tpu.memref_slice %arg12[%dma_wait3A_134] : memref<12800xi32, #tpu.memory_space<vmem>> -> memref<1392xi32, #tpu.memory_space<vmem>>
        tpu.wait_dma2 semaphore(%run_scoped3A : memref<!tpu.dma_semaphore, #tpu.memory_space<semaphore_mem>>) src(%dma_wait3A_135 : memref<1392xi32, #tpu.memory_space<vmem>>) dst(%dma_wait3A_133 : memref<1392xi32, #tpu.memory_space<hbm>>)
        tpu.yield
      }) : () -> ()
    } else {
    }
    %mul3A_11 = arith.constant 2 : i32
    %mul3A_12 = arith.muli %arg1, %mul3A_11 : i32
    %add3A_13 = arith.constant 1 : i32
    %add3A_14 = arith.addi %mul3A_12, %add3A_13 : i32
    %lt3A_15 = arith.constant 31 : i32
    %lt3A_16 = arith.cmpi slt, %add3A_14, %lt3A_15 : i32
    %convert_element_type3A_17 = arith.extui %lt3A_16 : i1 to i32
    %cond3A_18 = arith.constant 0 : i32
    %cond3A_19 = arith.cmpi ne, %convert_element_type3A_17, %cond3A_18 : i32
    scf.if %cond3A_19 {
      %mul3A_91 = arith.constant 1568 : i32
      %mul3A_92 = arith.muli %add3A_14, %mul3A_91 : i32
      %mul3A_93 = arith.constant 3 : i32
      %mul3A_94 = arith.muli %mul3A_92, %mul3A_93 : i32
      "tpu.region"() ({
        %run_scoped3A = tpu.sem_alloc : memref<!tpu.dma_semaphore, #tpu.memory_space<semaphore_mem>>
        %dma_start3A = arith.constant 0 : i32
        %dma_start3A_127 = tpu.memref_slice %arg11[%dma_start3A] : memref<12800xi32, #tpu.memory_space<vmem>> -> memref<4704xi32, #tpu.memory_space<vmem>>
        %dma_start3A_128 = tpu.memref_slice %arg3[%mul3A_94] : memref<150000xi32, #tpu.memory_space<hbm>> -> memref<4704xi32, #tpu.memory_space<hbm>>
        %dma_start3A_129 = arith.constant 0 : i32
        %dma_start3A_130 = tpu.memref_slice %arg11[%dma_start3A_129] : memref<12800xi32, #tpu.memory_space<vmem>> -> memref<4704xi32, #tpu.memory_space<vmem>>
        %dma_start3A_131 = tpu.memref_slice %arg3[%mul3A_94] : memref<150000xi32, #tpu.memory_space<hbm>> -> memref<4704xi32, #tpu.memory_space<hbm>>
        tpu.enqueue_dma source(%dma_start3A_131 : memref<4704xi32, #tpu.memory_space<hbm>>) target(%dma_start3A_130 : memref<4704xi32, #tpu.memory_space<vmem>>) target_semaphore(%run_scoped3A : memref<!tpu.dma_semaphore, #tpu.memory_space<semaphore_mem>>)
        %dma_wait3A = arith.constant 0 : i32
        %dma_wait3A_132 = tpu.memref_slice %arg11[%dma_wait3A] : memref<12800xi32, #tpu.memory_space<vmem>> -> memref<4704xi32, #tpu.memory_space<vmem>>
        %dma_wait3A_133 = tpu.memref_slice %arg3[%mul3A_94] : memref<150000xi32, #tpu.memory_space<hbm>> -> memref<4704xi32, #tpu.memory_space<hbm>>
        %dma_wait3A_134 = arith.constant 0 : i32
        %dma_wait3A_135 = tpu.memref_slice %arg11[%dma_wait3A_134] : memref<12800xi32, #tpu.memory_space<vmem>> -> memref<4704xi32, #tpu.memory_space<vmem>>
        %dma_wait3A_136 = tpu.memref_slice %arg3[%mul3A_94] : memref<150000xi32, #tpu.memory_space<hbm>> -> memref<4704xi32, #tpu.memory_space<hbm>>
        tpu.wait_dma2 semaphore(%run_scoped3A : memref<!tpu.dma_semaphore, #tpu.memory_space<semaphore_mem>>) src(%dma_wait3A_136 : memref<4704xi32, #tpu.memory_space<hbm>>) dst(%dma_wait3A_135 : memref<4704xi32, #tpu.memory_space<vmem>>)
        tpu.yield
      }) : () -> ()
      %scan3A = arith.constant 0 : i32
      %scan3A_95 = arith.constant 0 : i32
      %scan3A_96 = arith.constant 98 : i32
      %scan3A_97 = arith.addi %scan3A_95, %scan3A_96 : i32
      %scan3A_98 = arith.constant 1 : i32
      scf.for %scan3A_127 = %scan3A_95 to %scan3A_97 step %scan3A_98  : i32 {
        %iota3A = tpu.iota {dimensions = array<i32: 0>} : vector<16xi32>
        %mul3A_128 = arith.constant 3 : i32
        %mul3A_129 = vector.broadcast %mul3A_128 : i32 to vector<16xi32>
        %mul3A_130 = arith.muli %iota3A, %mul3A_129 : vector<16xi32>
        %mul3A_131 = arith.constant 48 : i32
        %mul3A_132 = arith.muli %scan3A_127, %mul3A_131 : i32
        %add3A_133 = arith.constant 0 : i32
        %add3A_134 = arith.addi %mul3A_132, %add3A_133 : i32
        %add3A_135 = vector.broadcast %add3A_134 : i32 to vector<16xi32>
        %add3A_136 = arith.addi %mul3A_130, %add3A_135 : vector<16xi32>
        %gather3A = tpu.vector_load_idx %arg11[%add3A_136] : memref<12800xi32, #tpu.memory_space<vmem>>[vector<16xi32>], vector<16xi32>,
        %mul3A_137 = arith.constant 16 : i32
        %mul3A_138 = arith.muli %scan3A_127, %mul3A_137 : i32
        %swap3A = arith.index_cast %mul3A_138 : i32 to index
        %swap3A_139 = tpu.vector_load %arg12[%swap3A] {strides = array<i32>} : memref<12800xi32, #tpu.memory_space<vmem>>, vector<16xi32>,
        tpu.vector_store %arg12[%swap3A], %gather3A {strides = array<i32>} : memref<12800xi32, #tpu.memory_space<vmem>>, vector<16xi32>,
      }
      %scan3A_99 = arith.constant 98 : i32
      %mul3A_100 = arith.constant 150000 : i32
      %mul3A_101 = arith.muli %arg0, %mul3A_100 : i32
      %add3A_102 = arith.constant 0 : i32
      %add3A_103 = arith.addi %mul3A_101, %add3A_102 : i32
      %add3A_104 = arith.addi %add3A_103, %mul3A_92 : i32
      "tpu.region"() ({
        %run_scoped3A = tpu.sem_alloc : memref<!tpu.dma_semaphore, #tpu.memory_space<semaphore_mem>>
        %dma_start3A = arith.constant 0 : i32
        %dma_start3A_127 = tpu.memref_slice %arg12[%dma_start3A] : memref<12800xi32, #tpu.memory_space<vmem>> -> memref<1568xi32, #tpu.memory_space<vmem>>
        %dma_start3A_128 = tpu.memref_slice %arg9[%add3A_104] : memref<300000xi32, #tpu.memory_space<hbm>> -> memref<1568xi32, #tpu.memory_space<hbm>>
        %dma_start3A_129 = tpu.memref_slice %arg9[%add3A_104] : memref<300000xi32, #tpu.memory_space<hbm>> -> memref<1568xi32, #tpu.memory_space<hbm>>
        %dma_start3A_130 = arith.constant 0 : i32
        %dma_start3A_131 = tpu.memref_slice %arg12[%dma_start3A_130] : memref<12800xi32, #tpu.memory_space<vmem>> -> memref<1568xi32, #tpu.memory_space<vmem>>
        tpu.enqueue_dma source(%dma_start3A_131 : memref<1568xi32, #tpu.memory_space<vmem>>) target(%dma_start3A_129 : memref<1568xi32, #tpu.memory_space<hbm>>) target_semaphore(%run_scoped3A : memref<!tpu.dma_semaphore, #tpu.memory_space<semaphore_mem>>)
        %dma_wait3A = arith.constant 0 : i32
        %dma_wait3A_132 = tpu.memref_slice %arg12[%dma_wait3A] : memref<12800xi32, #tpu.memory_space<vmem>> -> memref<1568xi32, #tpu.memory_space<vmem>>
        %dma_wait3A_133 = tpu.memref_slice %arg9[%add3A_104] : memref<300000xi32, #tpu.memory_space<hbm>> -> memref<1568xi32, #tpu.memory_space<hbm>>
        %dma_wait3A_134 = tpu.memref_slice %arg9[%add3A_104] : memref<300000xi32, #tpu.memory_space<hbm>> -> memref<1568xi32, #tpu.memory_space<hbm>>
        %dma_wait3A_135 = arith.constant 0 : i32
        %dma_wait3A_136 = tpu.memref_slice %arg12[%dma_wait3A_135] : memref<12800xi32, #tpu.memory_space<vmem>> -> memref<1568xi32, #tpu.memory_space<vmem>>
        tpu.wait_dma2 semaphore(%run_scoped3A : memref<!tpu.dma_semaphore, #tpu.memory_space<semaphore_mem>>) src(%dma_wait3A_136 : memref<1568xi32, #tpu.memory_space<vmem>>) dst(%dma_wait3A_134 : memref<1568xi32, #tpu.memory_space<hbm>>)
        tpu.yield
      }) : () -> ()
      %scan3A_105 = arith.constant 0 : i32
      %scan3A_106 = arith.constant 0 : i32
      %scan3A_107 = arith.constant 98 : i32
      %scan3A_108 = arith.addi %scan3A_106, %scan3A_107 : i32
      %scan3A_109 = arith.constant 1 : i32
      scf.for %scan3A_127 = %scan3A_106 to %scan3A_108 step %scan3A_109  : i32 {
        %iota3A = tpu.iota {dimensions = array<i32: 0>} : vector<16xi32>
        %mul3A_128 = arith.constant 3 : i32
        %mul3A_129 = vector.broadcast %mul3A_128 : i32 to vector<16xi32>
        %mul3A_130 = arith.muli %iota3A, %mul3A_129 : vector<16xi32>
        %mul3A_131 = arith.constant 48 : i32
        %mul3A_132 = arith.muli %scan3A_127, %mul3A_131 : i32
        %add3A_133 = arith.constant 1 : i32
        %add3A_134 = arith.addi %mul3A_132, %add3A_133 : i32
        %add3A_135 = vector.broadcast %add3A_134 : i32 to vector<16xi32>
        %add3A_136 = arith.addi %mul3A_130, %add3A_135 : vector<16xi32>
        %gather3A = tpu.vector_load_idx %arg11[%add3A_136] : memref<12800xi32, #tpu.memory_space<vmem>>[vector<16xi32>], vector<16xi32>,
        %mul3A_137 = arith.constant 16 : i32
        %mul3A_138 = arith.muli %scan3A_127, %mul3A_137 : i32
        %swap3A = arith.index_cast %mul3A_138 : i32 to index
        %swap3A_139 = tpu.vector_load %arg12[%swap3A] {strides = array<i32>} : memref<12800xi32, #tpu.memory_space<vmem>>, vector<16xi32>,
        tpu.vector_store %arg12[%swap3A], %gather3A {strides = array<i32>} : memref<12800xi32, #tpu.memory_space<vmem>>, vector<16xi32>,
      }
      %scan3A_110 = arith.constant 98 : i32
      %mul3A_111 = arith.constant 150000 : i32
      %mul3A_112 = arith.muli %arg0, %mul3A_111 : i32
      %add3A_113 = arith.constant 50000 : i32
      %add3A_114 = arith.addi %mul3A_112, %add3A_113 : i32
      %add3A_115 = arith.addi %add3A_114, %mul3A_92 : i32
      "tpu.region"() ({
        %run_scoped3A = tpu.sem_alloc : memref<!tpu.dma_semaphore, #tpu.memory_space<semaphore_mem>>
        %dma_start3A = arith.constant 0 : i32
        %dma_start3A_127 = tpu.memref_slice %arg12[%dma_start3A] : memref<12800xi32, #tpu.memory_space<vmem>> -> memref<1568xi32, #tpu.memory_space<vmem>>
        %dma_start3A_128 = tpu.memref_slice %arg9[%add3A_115] : memref<300000xi32, #tpu.memory_space<hbm>> -> memref<1568xi32, #tpu.memory_space<hbm>>
        %dma_start3A_129 = tpu.memref_slice %arg9[%add3A_115] : memref<300000xi32, #tpu.memory_space<hbm>> -> memref<1568xi32, #tpu.memory_space<hbm>>
        %dma_start3A_130 = arith.constant 0 : i32
        %dma_start3A_131 = tpu.memref_slice %arg12[%dma_start3A_130] : memref<12800xi32, #tpu.memory_space<vmem>> -> memref<1568xi32, #tpu.memory_space<vmem>>
        tpu.enqueue_dma source(%dma_start3A_131 : memref<1568xi32, #tpu.memory_space<vmem>>) target(%dma_start3A_129 : memref<1568xi32, #tpu.memory_space<hbm>>) target_semaphore(%run_scoped3A : memref<!tpu.dma_semaphore, #tpu.memory_space<semaphore_mem>>)
        %dma_wait3A = arith.constant 0 : i32
        %dma_wait3A_132 = tpu.memref_slice %arg12[%dma_wait3A] : memref<12800xi32, #tpu.memory_space<vmem>> -> memref<1568xi32, #tpu.memory_space<vmem>>
        %dma_wait3A_133 = tpu.memref_slice %arg9[%add3A_115] : memref<300000xi32, #tpu.memory_space<hbm>> -> memref<1568xi32, #tpu.memory_space<hbm>>
        %dma_wait3A_134 = tpu.memref_slice %arg9[%add3A_115] : memref<300000xi32, #tpu.memory_space<hbm>> -> memref<1568xi32, #tpu.memory_space<hbm>>
        %dma_wait3A_135 = arith.constant 0 : i32
        %dma_wait3A_136 = tpu.memref_slice %arg12[%dma_wait3A_135] : memref<12800xi32, #tpu.memory_space<vmem>> -> memref<1568xi32, #tpu.memory_space<vmem>>
        tpu.wait_dma2 semaphore(%run_scoped3A : memref<!tpu.dma_semaphore, #tpu.memory_space<semaphore_mem>>) src(%dma_wait3A_136 : memref<1568xi32, #tpu.memory_space<vmem>>) dst(%dma_wait3A_134 : memref<1568xi32, #tpu.memory_space<hbm>>)
        tpu.yield
      }) : () -> ()
      %scan3A_116 = arith.constant 0 : i32
      %scan3A_117 = arith.constant 0 : i32
      %scan3A_118 = arith.constant 98 : i32
      %scan3A_119 = arith.addi %scan3A_117, %scan3A_118 : i32
      %scan3A_120 = arith.constant 1 : i32
      scf.for %scan3A_127 = %scan3A_117 to %scan3A_119 step %scan3A_120  : i32 {
        %iota3A = tpu.iota {dimensions = array<i32: 0>} : vector<16xi32>
        %mul3A_128 = arith.constant 3 : i32
        %mul3A_129 = vector.broadcast %mul3A_128 : i32 to vector<16xi32>
        %mul3A_130 = arith.muli %iota3A, %mul3A_129 : vector<16xi32>
        %mul3A_131 = arith.constant 48 : i32
        %mul3A_132 = arith.muli %scan3A_127, %mul3A_131 : i32
        %add3A_133 = arith.constant 2 : i32
        %add3A_134 = arith.addi %mul3A_132, %add3A_133 : i32
        %add3A_135 = vector.broadcast %add3A_134 : i32 to vector<16xi32>
        %add3A_136 = arith.addi %mul3A_130, %add3A_135 : vector<16xi32>
        %gather3A = tpu.vector_load_idx %arg11[%add3A_136] : memref<12800xi32, #tpu.memory_space<vmem>>[vector<16xi32>], vector<16xi32>,
        %mul3A_137 = arith.constant 16 : i32
        %mul3A_138 = arith.muli %scan3A_127, %mul3A_137 : i32
        %swap3A = arith.index_cast %mul3A_138 : i32 to index
        %swap3A_139 = tpu.vector_load %arg12[%swap3A] {strides = array<i32>} : memref<12800xi32, #tpu.memory_space<vmem>>, vector<16xi32>,
        tpu.vector_store %arg12[%swap3A], %gather3A {strides = array<i32>} : memref<12800xi32, #tpu.memory_space<vmem>>, vector<16xi32>,
      }
      %scan3A_121 = arith.constant 98 : i32
      %mul3A_122 = arith.constant 150000 : i32
      %mul3A_123 = arith.muli %arg0, %mul3A_122 : i32
      %add3A_124 = arith.constant 100000 : i32
      %add3A_125 = arith.addi %mul3A_123, %add3A_124 : i32
      %add3A_126 = arith.addi %add3A_125, %mul3A_92 : i32
      "tpu.region"() ({
        %run_scoped3A = tpu.sem_alloc : memref<!tpu.dma_semaphore, #tpu.memory_space<semaphore_mem>>
        %dma_start3A = arith.constant 0 : i32
        %dma_start3A_127 = tpu.memref_slice %arg12[%dma_start3A] : memref<12800xi32, #tpu.memory_space<vmem>> -> memref<1568xi32, #tpu.memory_space<vmem>>
        %dma_start3A_128 = tpu.memref_slice %arg9[%add3A_126] : memref<300000xi32, #tpu.memory_space<hbm>> -> memref<1568xi32, #tpu.memory_space<hbm>>
        %dma_start3A_129 = tpu.memref_slice %arg9[%add3A_126] : memref<300000xi32, #tpu.memory_space<hbm>> -> memref<1568xi32, #tpu.memory_space<hbm>>
        %dma_start3A_130 = arith.constant 0 : i32
        %dma_start3A_131 = tpu.memref_slice %arg12[%dma_start3A_130] : memref<12800xi32, #tpu.memory_space<vmem>> -> memref<1568xi32, #tpu.memory_space<vmem>>
        tpu.enqueue_dma source(%dma_start3A_131 : memref<1568xi32, #tpu.memory_space<vmem>>) target(%dma_start3A_129 : memref<1568xi32, #tpu.memory_space<hbm>>) target_semaphore(%run_scoped3A : memref<!tpu.dma_semaphore, #tpu.memory_space<semaphore_mem>>)
        %dma_wait3A = arith.constant 0 : i32
        %dma_wait3A_132 = tpu.memref_slice %arg12[%dma_wait3A] : memref<12800xi32, #tpu.memory_space<vmem>> -> memref<1568xi32, #tpu.memory_space<vmem>>
        %dma_wait3A_133 = tpu.memref_slice %arg9[%add3A_126] : memref<300000xi32, #tpu.memory_space<hbm>> -> memref<1568xi32, #tpu.memory_space<hbm>>
        %dma_wait3A_134 = tpu.memref_slice %arg9[%add3A_126] : memref<300000xi32, #tpu.memory_space<hbm>> -> memref<1568xi32, #tpu.memory_space<hbm>>
        %dma_wait3A_135 = arith.constant 0 : i32
        %dma_wait3A_136 = tpu.memref_slice %arg12[%dma_wait3A_135] : memref<12800xi32, #tpu.memory_space<vmem>> -> memref<1568xi32, #tpu.memory_space<vmem>>
        tpu.wait_dma2 semaphore(%run_scoped3A : memref<!tpu.dma_semaphore, #tpu.memory_space<semaphore_mem>>) src(%dma_wait3A_136 : memref<1568xi32, #tpu.memory_space<vmem>>) dst(%dma_wait3A_134 : memref<1568xi32, #tpu.memory_space<hbm>>)
        tpu.yield
      }) : () -> ()
    } else {
    }
    %eq3A_20 = arith.constant 31 : i32
    %eq3A_21 = arith.cmpi eq, %add3A_14, %eq3A_20 : i32
    %convert_element_type3A_22 = arith.extui %eq3A_21 : i1 to i32
    %cond3A_23 = arith.constant 0 : i32
    %cond3A_24 = arith.cmpi ne, %convert_element_type3A_22, %cond3A_23 : i32
    scf.if %cond3A_24 {
      "tpu.region"() ({
        %run_scoped3A = tpu.sem_alloc : memref<!tpu.dma_semaphore, #tpu.memory_space<semaphore_mem>>
        %dma_start3A = arith.constant 0 : i32
        %dma_start3A_126 = tpu.memref_slice %arg11[%dma_start3A] : memref<12800xi32, #tpu.memory_space<vmem>> -> memref<4176xi32, #tpu.memory_space<vmem>>
        %dma_start3A_127 = arith.constant 145824 : i32
        %dma_start3A_128 = tpu.memref_slice %arg3[%dma_start3A_127] : memref<150000xi32, #tpu.memory_space<hbm>> -> memref<4176xi32, #tpu.memory_space<hbm>>
        %dma_start3A_129 = arith.constant 0 : i32
        %dma_start3A_130 = tpu.memref_slice %arg11[%dma_start3A_129] : memref<12800xi32, #tpu.memory_space<vmem>> -> memref<4176xi32, #tpu.memory_space<vmem>>
        %dma_start3A_131 = arith.constant 145824 : i32
        %dma_start3A_132 = tpu.memref_slice %arg3[%dma_start3A_131] : memref<150000xi32, #tpu.memory_space<hbm>> -> memref<4176xi32, #tpu.memory_space<hbm>>
        tpu.enqueue_dma source(%dma_start3A_132 : memref<4176xi32, #tpu.memory_space<hbm>>) target(%dma_start3A_130 : memref<4176xi32, #tpu.memory_space<vmem>>) target_semaphore(%run_scoped3A : memref<!tpu.dma_semaphore, #tpu.memory_space<semaphore_mem>>)
        %dma_wait3A = arith.constant 0 : i32
        %dma_wait3A_133 = tpu.memref_slice %arg11[%dma_wait3A] : memref<12800xi32, #tpu.memory_space<vmem>> -> memref<4176xi32, #tpu.memory_space<vmem>>
        %dma_wait3A_134 = arith.constant 145824 : i32
        %dma_wait3A_135 = tpu.memref_slice %arg3[%dma_wait3A_134] : memref<150000xi32, #tpu.memory_space<hbm>> -> memref<4176xi32, #tpu.memory_space<hbm>>
        %dma_wait3A_136 = arith.constant 0 : i32
        %dma_wait3A_137 = tpu.memref_slice %arg11[%dma_wait3A_136] : memref<12800xi32, #tpu.memory_space<vmem>> -> memref<4176xi32, #tpu.memory_space<vmem>>
        %dma_wait3A_138 = arith.constant 145824 : i32
        %dma_wait3A_139 = tpu.memref_slice %arg3[%dma_wait3A_138] : memref<150000xi32, #tpu.memory_space<hbm>> -> memref<4176xi32, #tpu.memory_space<hbm>>
        tpu.wait_dma2 semaphore(%run_scoped3A : memref<!tpu.dma_semaphore, #tpu.memory_space<semaphore_mem>>) src(%dma_wait3A_139 : memref<4176xi32, #tpu.memory_space<hbm>>) dst(%dma_wait3A_137 : memref<4176xi32, #tpu.memory_space<vmem>>)
        tpu.yield
      }) : () -> ()
      %scan3A = arith.constant 0 : i32
      %scan3A_91 = arith.constant 0 : i32
      %scan3A_92 = arith.constant 87 : i32
      %scan3A_93 = arith.addi %scan3A_91, %scan3A_92 : i32
      %scan3A_94 = arith.constant 1 : i32
      scf.for %scan3A_126 = %scan3A_91 to %scan3A_93 step %scan3A_94  : i32 {
        %iota3A = tpu.iota {dimensions = array<i32: 0>} : vector<16xi32>
        %mul3A_127 = arith.constant 3 : i32
        %mul3A_128 = vector.broadcast %mul3A_127 : i32 to vector<16xi32>
        %mul3A_129 = arith.muli %iota3A, %mul3A_128 : vector<16xi32>
        %mul3A_130 = arith.constant 48 : i32
        %mul3A_131 = arith.muli %scan3A_126, %mul3A_130 : i32
        %add3A_132 = arith.constant 0 : i32
        %add3A_133 = arith.addi %mul3A_131, %add3A_132 : i32
        %add3A_134 = vector.broadcast %add3A_133 : i32 to vector<16xi32>
        %add3A_135 = arith.addi %mul3A_129, %add3A_134 : vector<16xi32>
        %gather3A = tpu.vector_load_idx %arg11[%add3A_135] : memref<12800xi32, #tpu.memory_space<vmem>>[vector<16xi32>], vector<16xi32>,
        %mul3A_136 = arith.constant 16 : i32
        %mul3A_137 = arith.muli %scan3A_126, %mul3A_136 : i32
        %swap3A = arith.index_cast %mul3A_137 : i32 to index
        %swap3A_138 = tpu.vector_load %arg12[%swap3A] {strides = array<i32>} : memref<12800xi32, #tpu.memory_space<vmem>>, vector<16xi32>,
        tpu.vector_store %arg12[%swap3A], %gather3A {strides = array<i32>} : memref<12800xi32, #tpu.memory_space<vmem>>, vector<16xi32>,
      }
      %scan3A_95 = arith.constant 87 : i32
      %mul3A_96 = arith.constant 150000 : i32
      %mul3A_97 = arith.muli %arg0, %mul3A_96 : i32
      %add3A_98 = arith.constant 0 : i32
      %add3A_99 = arith.addi %mul3A_97, %add3A_98 : i32
      %add3A_100 = arith.constant 48608 : i32
      %add3A_101 = arith.addi %add3A_99, %add3A_100 : i32
      "tpu.region"() ({
        %run_scoped3A = tpu.sem_alloc : memref<!tpu.dma_semaphore, #tpu.memory_space<semaphore_mem>>
        %dma_start3A = arith.constant 0 : i32
        %dma_start3A_126 = tpu.memref_slice %arg12[%dma_start3A] : memref<12800xi32, #tpu.memory_space<vmem>> -> memref<1392xi32, #tpu.memory_space<vmem>>
        %dma_start3A_127 = tpu.memref_slice %arg9[%add3A_101] : memref<300000xi32, #tpu.memory_space<hbm>> -> memref<1392xi32, #tpu.memory_space<hbm>>
        %dma_start3A_128 = tpu.memref_slice %arg9[%add3A_101] : memref<300000xi32, #tpu.memory_space<hbm>> -> memref<1392xi32, #tpu.memory_space<hbm>>
        %dma_start3A_129 = arith.constant 0 : i32
        %dma_start3A_130 = tpu.memref_slice %arg12[%dma_start3A_129] : memref<12800xi32, #tpu.memory_space<vmem>> -> memref<1392xi32, #tpu.memory_space<vmem>>
        tpu.enqueue_dma source(%dma_start3A_130 : memref<1392xi32, #tpu.memory_space<vmem>>) target(%dma_start3A_128 : memref<1392xi32, #tpu.memory_space<hbm>>) target_semaphore(%run_scoped3A : memref<!tpu.dma_semaphore, #tpu.memory_space<semaphore_mem>>)
        %dma_wait3A = arith.constant 0 : i32
        %dma_wait3A_131 = tpu.memref_slice %arg12[%dma_wait3A] : memref<12800xi32, #tpu.memory_space<vmem>> -> memref<1392xi32, #tpu.memory_space<vmem>>
        %dma_wait3A_132 = tpu.memref_slice %arg9[%add3A_101] : memref<300000xi32, #tpu.memory_space<hbm>> -> memref<1392xi32, #tpu.memory_space<hbm>>
        %dma_wait3A_133 = tpu.memref_slice %arg9[%add3A_101] : memref<300000xi32, #tpu.memory_space<hbm>> -> memref<1392xi32, #tpu.memory_space<hbm>>
        %dma_wait3A_134 = arith.constant 0 : i32
        %dma_wait3A_135 = tpu.memref_slice %arg12[%dma_wait3A_134] : memref<12800xi32, #tpu.memory_space<vmem>> -> memref<1392xi32, #tpu.memory_space<vmem>>
        tpu.wait_dma2 semaphore(%run_scoped3A : memref<!tpu.dma_semaphore, #tpu.memory_space<semaphore_mem>>) src(%dma_wait3A_135 : memref<1392xi32, #tpu.memory_space<vmem>>) dst(%dma_wait3A_133 : memref<1392xi32, #tpu.memory_space<hbm>>)
        tpu.yield
      }) : () -> ()
      %scan3A_102 = arith.constant 0 : i32
      %scan3A_103 = arith.constant 0 : i32
      %scan3A_104 = arith.constant 87 : i32
      %scan3A_105 = arith.addi %scan3A_103, %scan3A_104 : i32
      %scan3A_106 = arith.constant 1 : i32
      scf.for %scan3A_126 = %scan3A_103 to %scan3A_105 step %scan3A_106  : i32 {
        %iota3A = tpu.iota {dimensions = array<i32: 0>} : vector<16xi32>
        %mul3A_127 = arith.constant 3 : i32
        %mul3A_128 = vector.broadcast %mul3A_127 : i32 to vector<16xi32>
        %mul3A_129 = arith.muli %iota3A, %mul3A_128 : vector<16xi32>
        %mul3A_130 = arith.constant 48 : i32
        %mul3A_131 = arith.muli %scan3A_126, %mul3A_130 : i32
        %add3A_132 = arith.constant 1 : i32
        %add3A_133 = arith.addi %mul3A_131, %add3A_132 : i32
        %add3A_134 = vector.broadcast %add3A_133 : i32 to vector<16xi32>
        %add3A_135 = arith.addi %mul3A_129, %add3A_134 : vector<16xi32>
        %gather3A = tpu.vector_load_idx %arg11[%add3A_135] : memref<12800xi32, #tpu.memory_space<vmem>>[vector<16xi32>], vector<16xi32>,
        %mul3A_136 = arith.constant 16 : i32
        %mul3A_137 = arith.muli %scan3A_126, %mul3A_136 : i32
        %swap3A = arith.index_cast %mul3A_137 : i32 to index
        %swap3A_138 = tpu.vector_load %arg12[%swap3A] {strides = array<i32>} : memref<12800xi32, #tpu.memory_space<vmem>>, vector<16xi32>,
        tpu.vector_store %arg12[%swap3A], %gather3A {strides = array<i32>} : memref<12800xi32, #tpu.memory_space<vmem>>, vector<16xi32>,
      }
      %scan3A_107 = arith.constant 87 : i32
      %mul3A_108 = arith.constant 150000 : i32
      %mul3A_109 = arith.muli %arg0, %mul3A_108 : i32
      %add3A_110 = arith.constant 50000 : i32
      %add3A_111 = arith.addi %mul3A_109, %add3A_110 : i32
      %add3A_112 = arith.constant 48608 : i32
      %add3A_113 = arith.addi %add3A_111, %add3A_112 : i32
      "tpu.region"() ({
        %run_scoped3A = tpu.sem_alloc : memref<!tpu.dma_semaphore, #tpu.memory_space<semaphore_mem>>
        %dma_start3A = arith.constant 0 : i32
        %dma_start3A_126 = tpu.memref_slice %arg12[%dma_start3A] : memref<12800xi32, #tpu.memory_space<vmem>> -> memref<1392xi32, #tpu.memory_space<vmem>>
        %dma_start3A_127 = tpu.memref_slice %arg9[%add3A_113] : memref<300000xi32, #tpu.memory_space<hbm>> -> memref<1392xi32, #tpu.memory_space<hbm>>
        %dma_start3A_128 = tpu.memref_slice %arg9[%add3A_113] : memref<300000xi32, #tpu.memory_space<hbm>> -> memref<1392xi32, #tpu.memory_space<hbm>>
        %dma_start3A_129 = arith.constant 0 : i32
        %dma_start3A_130 = tpu.memref_slice %arg12[%dma_start3A_129] : memref<12800xi32, #tpu.memory_space<vmem>> -> memref<1392xi32, #tpu.memory_space<vmem>>
        tpu.enqueue_dma source(%dma_start3A_130 : memref<1392xi32, #tpu.memory_space<vmem>>) target(%dma_start3A_128 : memref<1392xi32, #tpu.memory_space<hbm>>) target_semaphore(%run_scoped3A : memref<!tpu.dma_semaphore, #tpu.memory_space<semaphore_mem>>)
        %dma_wait3A = arith.constant 0 : i32
        %dma_wait3A_131 = tpu.memref_slice %arg12[%dma_wait3A] : memref<12800xi32, #tpu.memory_space<vmem>> -> memref<1392xi32, #tpu.memory_space<vmem>>
        %dma_wait3A_132 = tpu.memref_slice %arg9[%add3A_113] : memref<300000xi32, #tpu.memory_space<hbm>> -> memref<1392xi32, #tpu.memory_space<hbm>>
        %dma_wait3A_133 = tpu.memref_slice %arg9[%add3A_113] : memref<300000xi32, #tpu.memory_space<hbm>> -> memref<1392xi32, #tpu.memory_space<hbm>>
        %dma_wait3A_134 = arith.constant 0 : i32
        %dma_wait3A_135 = tpu.memref_slice %arg12[%dma_wait3A_134] : memref<12800xi32, #tpu.memory_space<vmem>> -> memref<1392xi32, #tpu.memory_space<vmem>>
        tpu.wait_dma2 semaphore(%run_scoped3A : memref<!tpu.dma_semaphore, #tpu.memory_space<semaphore_mem>>) src(%dma_wait3A_135 : memref<1392xi32, #tpu.memory_space<vmem>>) dst(%dma_wait3A_133 : memref<1392xi32, #tpu.memory_space<hbm>>)
        tpu.yield
      }) : () -> ()
      %scan3A_114 = arith.constant 0 : i32
      %scan3A_115 = arith.constant 0 : i32
      %scan3A_116 = arith.constant 87 : i32
      %scan3A_117 = arith.addi %scan3A_115, %scan3A_116 : i32
      %scan3A_118 = arith.constant 1 : i32
      scf.for %scan3A_126 = %scan3A_115 to %scan3A_117 step %scan3A_118  : i32 {
        %iota3A = tpu.iota {dimensions = array<i32: 0>} : vector<16xi32>
        %mul3A_127 = arith.constant 3 : i32
        %mul3A_128 = vector.broadcast %mul3A_127 : i32 to vector<16xi32>
        %mul3A_129 = arith.muli %iota3A, %mul3A_128 : vector<16xi32>
        %mul3A_130 = arith.constant 48 : i32
        %mul3A_131 = arith.muli %scan3A_126, %mul3A_130 : i32
        %add3A_132 = arith.constant 2 : i32
        %add3A_133 = arith.addi %mul3A_131, %add3A_132 : i32
        %add3A_134 = vector.broadcast %add3A_133 : i32 to vector<16xi32>
        %add3A_135 = arith.addi %mul3A_129, %add3A_134 : vector<16xi32>
        %gather3A = tpu.vector_load_idx %arg11[%add3A_135] : memref<12800xi32, #tpu.memory_space<vmem>>[vector<16xi32>], vector<16xi32>,
        %mul3A_136 = arith.constant 16 : i32
        %mul3A_137 = arith.muli %scan3A_126, %mul3A_136 : i32
        %swap3A = arith.index_cast %mul3A_137 : i32 to index
        %swap3A_138 = tpu.vector_load %arg12[%swap3A] {strides = array<i32>} : memref<12800xi32, #tpu.memory_space<vmem>>, vector<16xi32>,
        tpu.vector_store %arg12[%swap3A], %gather3A {strides = array<i32>} : memref<12800xi32, #tpu.memory_space<vmem>>, vector<16xi32>,
      }
      %scan3A_119 = arith.constant 87 : i32
      %mul3A_120 = arith.constant 150000 : i32
      %mul3A_121 = arith.muli %arg0, %mul3A_120 : i32
      %add3A_122 = arith.constant 100000 : i32
      %add3A_123 = arith.addi %mul3A_121, %add3A_122 : i32
      %add3A_124 = arith.constant 48608 : i32
      %add3A_125 = arith.addi %add3A_123, %add3A_124 : i32
      "tpu.region"() ({
        %run_scoped3A = tpu.sem_alloc : memref<!tpu.dma_semaphore, #tpu.memory_space<semaphore_mem>>
        %dma_start3A = arith.constant 0 : i32
        %dma_start3A_126 = tpu.memref_slice %arg12[%dma_start3A] : memref<12800xi32, #tpu.memory_space<vmem>> -> memref<1392xi32, #tpu.memory_space<vmem>>
        %dma_start3A_127 = tpu.memref_slice %arg9[%add3A_125] : memref<300000xi32, #tpu.memory_space<hbm>> -> memref<1392xi32, #tpu.memory_space<hbm>>
        %dma_start3A_128 = tpu.memref_slice %arg9[%add3A_125] : memref<300000xi32, #tpu.memory_space<hbm>> -> memref<1392xi32, #tpu.memory_space<hbm>>
        %dma_start3A_129 = arith.constant 0 : i32
        %dma_start3A_130 = tpu.memref_slice %arg12[%dma_start3A_129] : memref<12800xi32, #tpu.memory_space<vmem>> -> memref<1392xi32, #tpu.memory_space<vmem>>
        tpu.enqueue_dma source(%dma_start3A_130 : memref<1392xi32, #tpu.memory_space<vmem>>) target(%dma_start3A_128 : memref<1392xi32, #tpu.memory_space<hbm>>) target_semaphore(%run_scoped3A : memref<!tpu.dma_semaphore, #tpu.memory_space<semaphore_mem>>)
        %dma_wait3A = arith.constant 0 : i32
        %dma_wait3A_131 = tpu.memref_slice %arg12[%dma_wait3A] : memref<12800xi32, #tpu.memory_space<vmem>> -> memref<1392xi32, #tpu.memory_space<vmem>>
        %dma_wait3A_132 = tpu.memref_slice %arg9[%add3A_125] : memref<300000xi32, #tpu.memory_space<hbm>> -> memref<1392xi32, #tpu.memory_space<hbm>>
        %dma_wait3A_133 = tpu.memref_slice %arg9[%add3A_125] : memref<300000xi32, #tpu.memory_space<hbm>> -> memref<1392xi32, #tpu.memory_space<hbm>>
        %dma_wait3A_134 = arith.constant 0 : i32
        %dma_wait3A_135 = tpu.memref_slice %arg12[%dma_wait3A_134] : memref<12800xi32, #tpu.memory_space<vmem>> -> memref<1392xi32, #tpu.memory_space<vmem>>
        tpu.wait_dma2 semaphore(%run_scoped3A : memref<!tpu.dma_semaphore, #tpu.memory_space<semaphore_mem>>) src(%dma_wait3A_135 : memref<1392xi32, #tpu.memory_space<vmem>>) dst(%dma_wait3A_133 : memref<1392xi32, #tpu.memory_space<hbm>>)
        tpu.yield
      }) : () -> ()
    } else {
    }
    %add3A_25 = arith.constant 0 : i32
    %add3A_26 = arith.addi %add3A, %add3A_25 : i32
    %lt3A_27 = arith.constant 250 : i32
    %lt3A_28 = arith.cmpi slt, %add3A_26, %lt3A_27 : i32
    %convert_element_type3A_29 = arith.extui %lt3A_28 : i1 to i32
    %cond3A_30 = arith.constant 0 : i32
    %cond3A_31 = arith.cmpi ne, %convert_element_type3A_29, %cond3A_30 : i32
    scf.if %cond3A_31 {
      %mul3A_91 = arith.constant 200 : i32
      %mul3A_92 = arith.muli %add3A_26, %mul3A_91 : i32
      "tpu.region"() ({
        %run_scoped3A = tpu.sem_alloc : memref<!tpu.dma_semaphore, #tpu.memory_space<semaphore_mem>>
        %dma_start3A_97 = tpu.memref_slice %arg2[%mul3A_92] : memref<50000xi32, #tpu.memory_space<hbm>> -> memref<200xi32, #tpu.memory_space<hbm>>
        %dma_start3A_98 = tpu.memref_slice %arg2[%mul3A_92] : memref<50000xi32, #tpu.memory_space<hbm>> -> memref<200xi32, #tpu.memory_space<hbm>>
        tpu.enqueue_dma source(%dma_start3A_98 : memref<200xi32, #tpu.memory_space<hbm>>) target(%arg14 : memref<200xi32, #tpu.memory_space<vmem>>) target_semaphore(%run_scoped3A : memref<!tpu.dma_semaphore, #tpu.memory_space<semaphore_mem>>)
        %dma_wait3A_99 = tpu.memref_slice %arg2[%mul3A_92] : memref<50000xi32, #tpu.memory_space<hbm>> -> memref<200xi32, #tpu.memory_space<hbm>>
        %dma_wait3A_100 = tpu.memref_slice %arg2[%mul3A_92] : memref<50000xi32, #tpu.memory_space<hbm>> -> memref<200xi32, #tpu.memory_space<hbm>>
        tpu.wait_dma2 semaphore(%run_scoped3A : memref<!tpu.dma_semaphore, #tpu.memory_space<semaphore_mem>>) src(%dma_wait3A_100 : memref<200xi32, #tpu.memory_space<hbm>>) dst(%arg14 : memref<200xi32, #tpu.memory_space<vmem>>)
        tpu.yield
      }) : () -> ()
      %dma_start3A = arith.constant 0 : i32
      %dma_start3A_93 = arith.constant 0 : i32
      %dma_start3A_94 = tpu.memref_slice %arg6[%dma_start3A, %dma_start3A_93] : memref<95x128xf32, #tpu.memory_space<hbm>> -> memref<95x128xf32, #tpu.memory_space<hbm>>
      tpu.enqueue_indirect_dma source(%dma_start3A_94 : memref<95x128xf32, #tpu.memory_space<hbm>>) target(%arg15 : memref<200x128xf32, #tpu.memory_space<vmem>>) offsets(%arg14 : memref<200xi32, #tpu.memory_space<vmem>>) semaphore(%arg16 : memref<!tpu.dma_semaphore, #tpu.memory_space<semaphore_mem>>)
      %dma_wait3A = arith.constant 0 : i32
      %dma_wait3A_95 = arith.constant 0 : i32
      %dma_wait3A_96 = tpu.memref_slice %arg6[%dma_wait3A, %dma_wait3A_95] : memref<95x128xf32, #tpu.memory_space<hbm>> -> memref<95x128xf32, #tpu.memory_space<hbm>>
      tpu.wait_indirect_dma semaphore(%arg16 : memref<!tpu.dma_semaphore, #tpu.memory_space<semaphore_mem>>) src(%dma_wait3A_96 : memref<95x128xf32, #tpu.memory_space<hbm>>) dst(%arg15 : memref<200x128xf32, #tpu.memory_space<vmem>>)
      "tpu.region"() ({
        %run_scoped3A = tpu.sem_alloc : memref<!tpu.dma_semaphore, #tpu.memory_space<semaphore_mem>>
        %dma_start3A_97 = arith.constant 0 : i32
        %dma_start3A_98 = tpu.memref_slice %arg7[%mul3A_92, %dma_start3A_97] : memref<50000x128xf32, #tpu.memory_space<hbm>> -> memref<200x128xf32, #tpu.memory_space<hbm>>
        %dma_start3A_99 = arith.constant 0 : i32
        %dma_start3A_100 = tpu.memref_slice %arg7[%mul3A_92, %dma_start3A_99] : memref<50000x128xf32, #tpu.memory_space<hbm>> -> memref<200x128xf32, #tpu.memory_space<hbm>>
        tpu.enqueue_dma source(%arg15 : memref<200x128xf32, #tpu.memory_space<vmem>>) target(%dma_start3A_100 : memref<200x128xf32, #tpu.memory_space<hbm>>) target_semaphore(%run_scoped3A : memref<!tpu.dma_semaphore, #tpu.memory_space<semaphore_mem>>)
        %dma_wait3A_101 = arith.constant 0 : i32
        %dma_wait3A_102 = tpu.memref_slice %arg7[%mul3A_92, %dma_wait3A_101] : memref<50000x128xf32, #tpu.memory_space<hbm>> -> memref<200x128xf32, #tpu.memory_space<hbm>>
        %dma_wait3A_103 = arith.constant 0 : i32
        %dma_wait3A_104 = tpu.memref_slice %arg7[%mul3A_92, %dma_wait3A_103] : memref<50000x128xf32, #tpu.memory_space<hbm>> -> memref<200x128xf32, #tpu.memory_space<hbm>>
        tpu.wait_dma2 semaphore(%run_scoped3A : memref<!tpu.dma_semaphore, #tpu.memory_space<semaphore_mem>>) src(%arg15 : memref<200x128xf32, #tpu.memory_space<vmem>>) dst(%dma_wait3A_104 : memref<200x128xf32, #tpu.memory_space<hbm>>)
        tpu.yield
      }) : () -> ()
    } else {
    }
    %add3A_32 = arith.constant 32 : i32
    %add3A_33 = arith.addi %add3A, %add3A_32 : i32
    %lt3A_34 = arith.constant 250 : i32
    %lt3A_35 = arith.cmpi slt, %add3A_33, %lt3A_34 : i32
    %convert_element_type3A_36 = arith.extui %lt3A_35 : i1 to i32
    %cond3A_37 = arith.constant 0 : i32
    %cond3A_38 = arith.cmpi ne, %convert_element_type3A_36, %cond3A_37 : i32
    scf.if %cond3A_38 {
      %mul3A_91 = arith.constant 200 : i32
      %mul3A_92 = arith.muli %add3A_33, %mul3A_91 : i32
      "tpu.region"() ({
        %run_scoped3A = tpu.sem_alloc : memref<!tpu.dma_semaphore, #tpu.memory_space<semaphore_mem>>
        %dma_start3A_97 = tpu.memref_slice %arg2[%mul3A_92] : memref<50000xi32, #tpu.memory_space<hbm>> -> memref<200xi32, #tpu.memory_space<hbm>>
        %dma_start3A_98 = tpu.memref_slice %arg2[%mul3A_92] : memref<50000xi32, #tpu.memory_space<hbm>> -> memref<200xi32, #tpu.memory_space<hbm>>
        tpu.enqueue_dma source(%dma_start3A_98 : memref<200xi32, #tpu.memory_space<hbm>>) target(%arg14 : memref<200xi32, #tpu.memory_space<vmem>>) target_semaphore(%run_scoped3A : memref<!tpu.dma_semaphore, #tpu.memory_space<semaphore_mem>>)
        %dma_wait3A_99 = tpu.memref_slice %arg2[%mul3A_92] : memref<50000xi32, #tpu.memory_space<hbm>> -> memref<200xi32, #tpu.memory_space<hbm>>
        %dma_wait3A_100 = tpu.memref_slice %arg2[%mul3A_92] : memref<50000xi32, #tpu.memory_space<hbm>> -> memref<200xi32, #tpu.memory_space<hbm>>
        tpu.wait_dma2 semaphore(%run_scoped3A : memref<!tpu.dma_semaphore, #tpu.memory_space<semaphore_mem>>) src(%dma_wait3A_100 : memref<200xi32, #tpu.memory_space<hbm>>) dst(%arg14 : memref<200xi32, #tpu.memory_space<vmem>>)
        tpu.yield
      }) : () -> ()
      %dma_start3A = arith.constant 0 : i32
      %dma_start3A_93 = arith.constant 0 : i32
      %dma_start3A_94 = tpu.memref_slice %arg6[%dma_start3A, %dma_start3A_93] : memref<95x128xf32, #tpu.memory_space<hbm>> -> memref<95x128xf32, #tpu.memory_space<hbm>>
      tpu.enqueue_indirect_dma source(%dma_start3A_94 : memref<95x128xf32, #tpu.memory_space<hbm>>) target(%arg15 : memref<200x128xf32, #tpu.memory_space<vmem>>) offsets(%arg14 : memref<200xi32, #tpu.memory_space<vmem>>) semaphore(%arg16 : memref<!tpu.dma_semaphore, #tpu.memory_space<semaphore_mem>>)
      %dma_wait3A = arith.constant 0 : i32
      %dma_wait3A_95 = arith.constant 0 : i32
      %dma_wait3A_96 = tpu.memref_slice %arg6[%dma_wait3A, %dma_wait3A_95] : memref<95x128xf32, #tpu.memory_space<hbm>> -> memref<95x128xf32, #tpu.memory_space<hbm>>
      tpu.wait_indirect_dma semaphore(%arg16 : memref<!tpu.dma_semaphore, #tpu.memory_space<semaphore_mem>>) src(%dma_wait3A_96 : memref<95x128xf32, #tpu.memory_space<hbm>>) dst(%arg15 : memref<200x128xf32, #tpu.memory_space<vmem>>)
      "tpu.region"() ({
        %run_scoped3A = tpu.sem_alloc : memref<!tpu.dma_semaphore, #tpu.memory_space<semaphore_mem>>
        %dma_start3A_97 = arith.constant 0 : i32
        %dma_start3A_98 = tpu.memref_slice %arg7[%mul3A_92, %dma_start3A_97] : memref<50000x128xf32, #tpu.memory_space<hbm>> -> memref<200x128xf32, #tpu.memory_space<hbm>>
        %dma_start3A_99 = arith.constant 0 : i32
        %dma_start3A_100 = tpu.memref_slice %arg7[%mul3A_92, %dma_start3A_99] : memref<50000x128xf32, #tpu.memory_space<hbm>> -> memref<200x128xf32, #tpu.memory_space<hbm>>
        tpu.enqueue_dma source(%arg15 : memref<200x128xf32, #tpu.memory_space<vmem>>) target(%dma_start3A_100 : memref<200x128xf32, #tpu.memory_space<hbm>>) target_semaphore(%run_scoped3A : memref<!tpu.dma_semaphore, #tpu.memory_space<semaphore_mem>>)
        %dma_wait3A_101 = arith.constant 0 : i32
        %dma_wait3A_102 = tpu.memref_slice %arg7[%mul3A_92, %dma_wait3A_101] : memref<50000x128xf32, #tpu.memory_space<hbm>> -> memref<200x128xf32, #tpu.memory_space<hbm>>
        %dma_wait3A_103 = arith.constant 0 : i32
        %dma_wait3A_104 = tpu.memref_slice %arg7[%mul3A_92, %dma_wait3A_103] : memref<50000x128xf32, #tpu.memory_space<hbm>> -> memref<200x128xf32, #tpu.memory_space<hbm>>
        tpu.wait_dma2 semaphore(%run_scoped3A : memref<!tpu.dma_semaphore, #tpu.memory_space<semaphore_mem>>) src(%arg15 : memref<200x128xf32, #tpu.memory_space<vmem>>) dst(%dma_wait3A_104 : memref<200x128xf32, #tpu.memory_space<hbm>>)
        tpu.yield
      }) : () -> ()
    } else {
    }
    %add3A_39 = arith.constant 64 : i32
    %add3A_40 = arith.addi %add3A, %add3A_39 : i32
    %lt3A_41 = arith.constant 250 : i32
    %lt3A_42 = arith.cmpi slt, %add3A_40, %lt3A_41 : i32
    %convert_element_type3A_43 = arith.extui %lt3A_42 : i1 to i32
    %cond3A_44 = arith.constant 0 : i32
    %cond3A_45 = arith.cmpi ne, %convert_element_type3A_43, %cond3A_44 : i32
    scf.if %cond3A_45 {
      %mul3A_91 = arith.constant 200 : i32
      %mul3A_92 = arith.muli %add3A_40, %mul3A_91 : i32
      "tpu.region"() ({
        %run_scoped3A = tpu.sem_alloc : memref<!tpu.dma_semaphore, #tpu.memory_space<semaphore_mem>>
        %dma_start3A_97 = tpu.memref_slice %arg2[%mul3A_92] : memref<50000xi32, #tpu.memory_space<hbm>> -> memref<200xi32, #tpu.memory_space<hbm>>
        %dma_start3A_98 = tpu.memref_slice %arg2[%mul3A_92] : memref<50000xi32, #tpu.memory_space<hbm>> -> memref<200xi32, #tpu.memory_space<hbm>>
        tpu.enqueue_dma source(%dma_start3A_98 : memref<200xi32, #tpu.memory_space<hbm>>) target(%arg14 : memref<200xi32, #tpu.memory_space<vmem>>) target_semaphore(%run_scoped3A : memref<!tpu.dma_semaphore, #tpu.memory_space<semaphore_mem>>)
        %dma_wait3A_99 = tpu.memref_slice %arg2[%mul3A_92] : memref<50000xi32, #tpu.memory_space<hbm>> -> memref<200xi32, #tpu.memory_space<hbm>>
        %dma_wait3A_100 = tpu.memref_slice %arg2[%mul3A_92] : memref<50000xi32, #tpu.memory_space<hbm>> -> memref<200xi32, #tpu.memory_space<hbm>>
        tpu.wait_dma2 semaphore(%run_scoped3A : memref<!tpu.dma_semaphore, #tpu.memory_space<semaphore_mem>>) src(%dma_wait3A_100 : memref<200xi32, #tpu.memory_space<hbm>>) dst(%arg14 : memref<200xi32, #tpu.memory_space<vmem>>)
        tpu.yield
      }) : () -> ()
      %dma_start3A = arith.constant 0 : i32
      %dma_start3A_93 = arith.constant 0 : i32
      %dma_start3A_94 = tpu.memref_slice %arg6[%dma_start3A, %dma_start3A_93] : memref<95x128xf32, #tpu.memory_space<hbm>> -> memref<95x128xf32, #tpu.memory_space<hbm>>
      tpu.enqueue_indirect_dma source(%dma_start3A_94 : memref<95x128xf32, #tpu.memory_space<hbm>>) target(%arg15 : memref<200x128xf32, #tpu.memory_space<vmem>>) offsets(%arg14 : memref<200xi32, #tpu.memory_space<vmem>>) semaphore(%arg16 : memref<!tpu.dma_semaphore, #tpu.memory_space<semaphore_mem>>)
      %dma_wait3A = arith.constant 0 : i32
      %dma_wait3A_95 = arith.constant 0 : i32
      %dma_wait3A_96 = tpu.memref_slice %arg6[%dma_wait3A, %dma_wait3A_95] : memref<95x128xf32, #tpu.memory_space<hbm>> -> memref<95x128xf32, #tpu.memory_space<hbm>>
      tpu.wait_indirect_dma semaphore(%arg16 : memref<!tpu.dma_semaphore, #tpu.memory_space<semaphore_mem>>) src(%dma_wait3A_96 : memref<95x128xf32, #tpu.memory_space<hbm>>) dst(%arg15 : memref<200x128xf32, #tpu.memory_space<vmem>>)
      "tpu.region"() ({
        %run_scoped3A = tpu.sem_alloc : memref<!tpu.dma_semaphore, #tpu.memory_space<semaphore_mem>>
        %dma_start3A_97 = arith.constant 0 : i32
        %dma_start3A_98 = tpu.memref_slice %arg7[%mul3A_92, %dma_start3A_97] : memref<50000x128xf32, #tpu.memory_space<hbm>> -> memref<200x128xf32, #tpu.memory_space<hbm>>
        %dma_start3A_99 = arith.constant 0 : i32
        %dma_start3A_100 = tpu.memref_slice %arg7[%mul3A_92, %dma_start3A_99] : memref<50000x128xf32, #tpu.memory_space<hbm>> -> memref<200x128xf32, #tpu.memory_space<hbm>>
        tpu.enqueue_dma source(%arg15 : memref<200x128xf32, #tpu.memory_space<vmem>>) target(%dma_start3A_100 : memref<200x128xf32, #tpu.memory_space<hbm>>) target_semaphore(%run_scoped3A : memref<!tpu.dma_semaphore, #tpu.memory_space<semaphore_mem>>)
        %dma_wait3A_101 = arith.constant 0 : i32
        %dma_wait3A_102 = tpu.memref_slice %arg7[%mul3A_92, %dma_wait3A_101] : memref<50000x128xf32, #tpu.memory_space<hbm>> -> memref<200x128xf32, #tpu.memory_space<hbm>>
        %dma_wait3A_103 = arith.constant 0 : i32
        %dma_wait3A_104 = tpu.memref_slice %arg7[%mul3A_92, %dma_wait3A_103] : memref<50000x128xf32, #tpu.memory_space<hbm>> -> memref<200x128xf32, #tpu.memory_space<hbm>>
        tpu.wait_dma2 semaphore(%run_scoped3A : memref<!tpu.dma_semaphore, #tpu.memory_space<semaphore_mem>>) src(%arg15 : memref<200x128xf32, #tpu.memory_space<vmem>>) dst(%dma_wait3A_104 : memref<200x128xf32, #tpu.memory_space<hbm>>)
        tpu.yield
      }) : () -> ()
    } else {
    }
    %add3A_46 = arith.constant 96 : i32
    %add3A_47 = arith.addi %add3A, %add3A_46 : i32
    %lt3A_48 = arith.constant 250 : i32
    %lt3A_49 = arith.cmpi slt, %add3A_47, %lt3A_48 : i32
    %convert_element_type3A_50 = arith.extui %lt3A_49 : i1 to i32
    %cond3A_51 = arith.constant 0 : i32
    %cond3A_52 = arith.cmpi ne, %convert_element_type3A_50, %cond3A_51 : i32
    scf.if %cond3A_52 {
      %mul3A_91 = arith.constant 200 : i32
      %mul3A_92 = arith.muli %add3A_47, %mul3A_91 : i32
      "tpu.region"() ({
        %run_scoped3A = tpu.sem_alloc : memref<!tpu.dma_semaphore, #tpu.memory_space<semaphore_mem>>
        %dma_start3A_97 = tpu.memref_slice %arg2[%mul3A_92] : memref<50000xi32, #tpu.memory_space<hbm>> -> memref<200xi32, #tpu.memory_space<hbm>>
        %dma_start3A_98 = tpu.memref_slice %arg2[%mul3A_92] : memref<50000xi32, #tpu.memory_space<hbm>> -> memref<200xi32, #tpu.memory_space<hbm>>
        tpu.enqueue_dma source(%dma_start3A_98 : memref<200xi32, #tpu.memory_space<hbm>>) target(%arg14 : memref<200xi32, #tpu.memory_space<vmem>>) target_semaphore(%run_scoped3A : memref<!tpu.dma_semaphore, #tpu.memory_space<semaphore_mem>>)
        %dma_wait3A_99 = tpu.memref_slice %arg2[%mul3A_92] : memref<50000xi32, #tpu.memory_space<hbm>> -> memref<200xi32, #tpu.memory_space<hbm>>
        %dma_wait3A_100 = tpu.memref_slice %arg2[%mul3A_92] : memref<50000xi32, #tpu.memory_space<hbm>> -> memref<200xi32, #tpu.memory_space<hbm>>
        tpu.wait_dma2 semaphore(%run_scoped3A : memref<!tpu.dma_semaphore, #tpu.memory_space<semaphore_mem>>) src(%dma_wait3A_100 : memref<200xi32, #tpu.memory_space<hbm>>) dst(%arg14 : memref<200xi32, #tpu.memory_space<vmem>>)
        tpu.yield
      }) : () -> ()
      %dma_start3A = arith.constant 0 : i32
      %dma_start3A_93 = arith.constant 0 : i32
      %dma_start3A_94 = tpu.memref_slice %arg6[%dma_start3A, %dma_start3A_93] : memref<95x128xf32, #tpu.memory_space<hbm>> -> memref<95x128xf32, #tpu.memory_space<hbm>>
      tpu.enqueue_indirect_dma source(%dma_start3A_94 : memref<95x128xf32, #tpu.memory_space<hbm>>) target(%arg15 : memref<200x128xf32, #tpu.memory_space<vmem>>) offsets(%arg14 : memref<200xi32, #tpu.memory_space<vmem>>) semaphore(%arg16 : memref<!tpu.dma_semaphore, #tpu.memory_space<semaphore_mem>>)
      %dma_wait3A = arith.constant 0 : i32
      %dma_wait3A_95 = arith.constant 0 : i32
      %dma_wait3A_96 = tpu.memref_slice %arg6[%dma_wait3A, %dma_wait3A_95] : memref<95x128xf32, #tpu.memory_space<hbm>> -> memref<95x128xf32, #tpu.memory_space<hbm>>
      tpu.wait_indirect_dma semaphore(%arg16 : memref<!tpu.dma_semaphore, #tpu.memory_space<semaphore_mem>>) src(%dma_wait3A_96 : memref<95x128xf32, #tpu.memory_space<hbm>>) dst(%arg15 : memref<200x128xf32, #tpu.memory_space<vmem>>)
      "tpu.region"() ({
        %run_scoped3A = tpu.sem_alloc : memref<!tpu.dma_semaphore, #tpu.memory_space<semaphore_mem>>
        %dma_start3A_97 = arith.constant 0 : i32
        %dma_start3A_98 = tpu.memref_slice %arg7[%mul3A_92, %dma_start3A_97] : memref<50000x128xf32, #tpu.memory_space<hbm>> -> memref<200x128xf32, #tpu.memory_space<hbm>>
        %dma_start3A_99 = arith.constant 0 : i32
        %dma_start3A_100 = tpu.memref_slice %arg7[%mul3A_92, %dma_start3A_99] : memref<50000x128xf32, #tpu.memory_space<hbm>> -> memref<200x128xf32, #tpu.memory_space<hbm>>
        tpu.enqueue_dma source(%arg15 : memref<200x128xf32, #tpu.memory_space<vmem>>) target(%dma_start3A_100 : memref<200x128xf32, #tpu.memory_space<hbm>>) target_semaphore(%run_scoped3A : memref<!tpu.dma_semaphore, #tpu.memory_space<semaphore_mem>>)
        %dma_wait3A_101 = arith.constant 0 : i32
        %dma_wait3A_102 = tpu.memref_slice %arg7[%mul3A_92, %dma_wait3A_101] : memref<50000x128xf32, #tpu.memory_space<hbm>> -> memref<200x128xf32, #tpu.memory_space<hbm>>
        %dma_wait3A_103 = arith.constant 0 : i32
        %dma_wait3A_104 = tpu.memref_slice %arg7[%mul3A_92, %dma_wait3A_103] : memref<50000x128xf32, #tpu.memory_space<hbm>> -> memref<200x128xf32, #tpu.memory_space<hbm>>
        tpu.wait_dma2 semaphore(%run_scoped3A : memref<!tpu.dma_semaphore, #tpu.memory_space<semaphore_mem>>) src(%arg15 : memref<200x128xf32, #tpu.memory_space<vmem>>) dst(%dma_wait3A_104 : memref<200x128xf32, #tpu.memory_space<hbm>>)
        tpu.yield
      }) : () -> ()
    } else {
    }
    %add3A_53 = arith.constant 128 : i32
    %add3A_54 = arith.addi %add3A, %add3A_53 : i32
    %lt3A_55 = arith.constant 250 : i32
    %lt3A_56 = arith.cmpi slt, %add3A_54, %lt3A_55 : i32
    %convert_element_type3A_57 = arith.extui %lt3A_56 : i1 to i32
    %cond3A_58 = arith.constant 0 : i32
    %cond3A_59 = arith.cmpi ne, %convert_element_type3A_57, %cond3A_58 : i32
    scf.if %cond3A_59 {
      %mul3A_91 = arith.constant 200 : i32
      %mul3A_92 = arith.muli %add3A_54, %mul3A_91 : i32
      "tpu.region"() ({
        %run_scoped3A = tpu.sem_alloc : memref<!tpu.dma_semaphore, #tpu.memory_space<semaphore_mem>>
        %dma_start3A_97 = tpu.memref_slice %arg2[%mul3A_92] : memref<50000xi32, #tpu.memory_space<hbm>> -> memref<200xi32, #tpu.memory_space<hbm>>
        %dma_start3A_98 = tpu.memref_slice %arg2[%mul3A_92] : memref<50000xi32, #tpu.memory_space<hbm>> -> memref<200xi32, #tpu.memory_space<hbm>>
        tpu.enqueue_dma source(%dma_start3A_98 : memref<200xi32, #tpu.memory_space<hbm>>) target(%arg14 : memref<200xi32, #tpu.memory_space<vmem>>) target_semaphore(%run_scoped3A : memref<!tpu.dma_semaphore, #tpu.memory_space<semaphore_mem>>)
        %dma_wait3A_99 = tpu.memref_slice %arg2[%mul3A_92] : memref<50000xi32, #tpu.memory_space<hbm>> -> memref<200xi32, #tpu.memory_space<hbm>>
        %dma_wait3A_100 = tpu.memref_slice %arg2[%mul3A_92] : memref<50000xi32, #tpu.memory_space<hbm>> -> memref<200xi32, #tpu.memory_space<hbm>>
        tpu.wait_dma2 semaphore(%run_scoped3A : memref<!tpu.dma_semaphore, #tpu.memory_space<semaphore_mem>>) src(%dma_wait3A_100 : memref<200xi32, #tpu.memory_space<hbm>>) dst(%arg14 : memref<200xi32, #tpu.memory_space<vmem>>)
        tpu.yield
      }) : () -> ()
      %dma_start3A = arith.constant 0 : i32
      %dma_start3A_93 = arith.constant 0 : i32
      %dma_start3A_94 = tpu.memref_slice %arg6[%dma_start3A, %dma_start3A_93] : memref<95x128xf32, #tpu.memory_space<hbm>> -> memref<95x128xf32, #tpu.memory_space<hbm>>
      tpu.enqueue_indirect_dma source(%dma_start3A_94 : memref<95x128xf32, #tpu.memory_space<hbm>>) target(%arg15 : memref<200x128xf32, #tpu.memory_space<vmem>>) offsets(%arg14 : memref<200xi32, #tpu.memory_space<vmem>>) semaphore(%arg16 : memref<!tpu.dma_semaphore, #tpu.memory_space<semaphore_mem>>)
      %dma_wait3A = arith.constant 0 : i32
      %dma_wait3A_95 = arith.constant 0 : i32
      %dma_wait3A_96 = tpu.memref_slice %arg6[%dma_wait3A, %dma_wait3A_95] : memref<95x128xf32, #tpu.memory_space<hbm>> -> memref<95x128xf32, #tpu.memory_space<hbm>>
      tpu.wait_indirect_dma semaphore(%arg16 : memref<!tpu.dma_semaphore, #tpu.memory_space<semaphore_mem>>) src(%dma_wait3A_96 : memref<95x128xf32, #tpu.memory_space<hbm>>) dst(%arg15 : memref<200x128xf32, #tpu.memory_space<vmem>>)
      "tpu.region"() ({
        %run_scoped3A = tpu.sem_alloc : memref<!tpu.dma_semaphore, #tpu.memory_space<semaphore_mem>>
        %dma_start3A_97 = arith.constant 0 : i32
        %dma_start3A_98 = tpu.memref_slice %arg7[%mul3A_92, %dma_start3A_97] : memref<50000x128xf32, #tpu.memory_space<hbm>> -> memref<200x128xf32, #tpu.memory_space<hbm>>
        %dma_start3A_99 = arith.constant 0 : i32
        %dma_start3A_100 = tpu.memref_slice %arg7[%mul3A_92, %dma_start3A_99] : memref<50000x128xf32, #tpu.memory_space<hbm>> -> memref<200x128xf32, #tpu.memory_space<hbm>>
        tpu.enqueue_dma source(%arg15 : memref<200x128xf32, #tpu.memory_space<vmem>>) target(%dma_start3A_100 : memref<200x128xf32, #tpu.memory_space<hbm>>) target_semaphore(%run_scoped3A : memref<!tpu.dma_semaphore, #tpu.memory_space<semaphore_mem>>)
        %dma_wait3A_101 = arith.constant 0 : i32
        %dma_wait3A_102 = tpu.memref_slice %arg7[%mul3A_92, %dma_wait3A_101] : memref<50000x128xf32, #tpu.memory_space<hbm>> -> memref<200x128xf32, #tpu.memory_space<hbm>>
        %dma_wait3A_103 = arith.constant 0 : i32
        %dma_wait3A_104 = tpu.memref_slice %arg7[%mul3A_92, %dma_wait3A_103] : memref<50000x128xf32, #tpu.memory_space<hbm>> -> memref<200x128xf32, #tpu.memory_space<hbm>>
        tpu.wait_dma2 semaphore(%run_scoped3A : memref<!tpu.dma_semaphore, #tpu.memory_space<semaphore_mem>>) src(%arg15 : memref<200x128xf32, #tpu.memory_space<vmem>>) dst(%dma_wait3A_104 : memref<200x128xf32, #tpu.memory_space<hbm>>)
        tpu.yield
      }) : () -> ()
    } else {
    }
    %add3A_60 = arith.constant 160 : i32
    %add3A_61 = arith.addi %add3A, %add3A_60 : i32
    %lt3A_62 = arith.constant 250 : i32
    %lt3A_63 = arith.cmpi slt, %add3A_61, %lt3A_62 : i32
    %convert_element_type3A_64 = arith.extui %lt3A_63 : i1 to i32
    %cond3A_65 = arith.constant 0 : i32
    %cond3A_66 = arith.cmpi ne, %convert_element_type3A_64, %cond3A_65 : i32
    scf.if %cond3A_66 {
      %mul3A_91 = arith.constant 200 : i32
      %mul3A_92 = arith.muli %add3A_61, %mul3A_91 : i32
      "tpu.region"() ({
        %run_scoped3A = tpu.sem_alloc : memref<!tpu.dma_semaphore, #tpu.memory_space<semaphore_mem>>
        %dma_start3A_97 = tpu.memref_slice %arg2[%mul3A_92] : memref<50000xi32, #tpu.memory_space<hbm>> -> memref<200xi32, #tpu.memory_space<hbm>>
        %dma_start3A_98 = tpu.memref_slice %arg2[%mul3A_92] : memref<50000xi32, #tpu.memory_space<hbm>> -> memref<200xi32, #tpu.memory_space<hbm>>
        tpu.enqueue_dma source(%dma_start3A_98 : memref<200xi32, #tpu.memory_space<hbm>>) target(%arg14 : memref<200xi32, #tpu.memory_space<vmem>>) target_semaphore(%run_scoped3A : memref<!tpu.dma_semaphore, #tpu.memory_space<semaphore_mem>>)
        %dma_wait3A_99 = tpu.memref_slice %arg2[%mul3A_92] : memref<50000xi32, #tpu.memory_space<hbm>> -> memref<200xi32, #tpu.memory_space<hbm>>
        %dma_wait3A_100 = tpu.memref_slice %arg2[%mul3A_92] : memref<50000xi32, #tpu.memory_space<hbm>> -> memref<200xi32, #tpu.memory_space<hbm>>
        tpu.wait_dma2 semaphore(%run_scoped3A : memref<!tpu.dma_semaphore, #tpu.memory_space<semaphore_mem>>) src(%dma_wait3A_100 : memref<200xi32, #tpu.memory_space<hbm>>) dst(%arg14 : memref<200xi32, #tpu.memory_space<vmem>>)
        tpu.yield
      }) : () -> ()
      %dma_start3A = arith.constant 0 : i32
      %dma_start3A_93 = arith.constant 0 : i32
      %dma_start3A_94 = tpu.memref_slice %arg6[%dma_start3A, %dma_start3A_93] : memref<95x128xf32, #tpu.memory_space<hbm>> -> memref<95x128xf32, #tpu.memory_space<hbm>>
      tpu.enqueue_indirect_dma source(%dma_start3A_94 : memref<95x128xf32, #tpu.memory_space<hbm>>) target(%arg15 : memref<200x128xf32, #tpu.memory_space<vmem>>) offsets(%arg14 : memref<200xi32, #tpu.memory_space<vmem>>) semaphore(%arg16 : memref<!tpu.dma_semaphore, #tpu.memory_space<semaphore_mem>>)
      %dma_wait3A = arith.constant 0 : i32
      %dma_wait3A_95 = arith.constant 0 : i32
      %dma_wait3A_96 = tpu.memref_slice %arg6[%dma_wait3A, %dma_wait3A_95] : memref<95x128xf32, #tpu.memory_space<hbm>> -> memref<95x128xf32, #tpu.memory_space<hbm>>
      tpu.wait_indirect_dma semaphore(%arg16 : memref<!tpu.dma_semaphore, #tpu.memory_space<semaphore_mem>>) src(%dma_wait3A_96 : memref<95x128xf32, #tpu.memory_space<hbm>>) dst(%arg15 : memref<200x128xf32, #tpu.memory_space<vmem>>)
      "tpu.region"() ({
        %run_scoped3A = tpu.sem_alloc : memref<!tpu.dma_semaphore, #tpu.memory_space<semaphore_mem>>
        %dma_start3A_97 = arith.constant 0 : i32
        %dma_start3A_98 = tpu.memref_slice %arg7[%mul3A_92, %dma_start3A_97] : memref<50000x128xf32, #tpu.memory_space<hbm>> -> memref<200x128xf32, #tpu.memory_space<hbm>>
        %dma_start3A_99 = arith.constant 0 : i32
        %dma_start3A_100 = tpu.memref_slice %arg7[%mul3A_92, %dma_start3A_99] : memref<50000x128xf32, #tpu.memory_space<hbm>> -> memref<200x128xf32, #tpu.memory_space<hbm>>
        tpu.enqueue_dma source(%arg15 : memref<200x128xf32, #tpu.memory_space<vmem>>) target(%dma_start3A_100 : memref<200x128xf32, #tpu.memory_space<hbm>>) target_semaphore(%run_scoped3A : memref<!tpu.dma_semaphore, #tpu.memory_space<semaphore_mem>>)
        %dma_wait3A_101 = arith.constant 0 : i32
        %dma_wait3A_102 = tpu.memref_slice %arg7[%mul3A_92, %dma_wait3A_101] : memref<50000x128xf32, #tpu.memory_space<hbm>> -> memref<200x128xf32, #tpu.memory_space<hbm>>
        %dma_wait3A_103 = arith.constant 0 : i32
        %dma_wait3A_104 = tpu.memref_slice %arg7[%mul3A_92, %dma_wait3A_103] : memref<50000x128xf32, #tpu.memory_space<hbm>> -> memref<200x128xf32, #tpu.memory_space<hbm>>
        tpu.wait_dma2 semaphore(%run_scoped3A : memref<!tpu.dma_semaphore, #tpu.memory_space<semaphore_mem>>) src(%arg15 : memref<200x128xf32, #tpu.memory_space<vmem>>) dst(%dma_wait3A_104 : memref<200x128xf32, #tpu.memory_space<hbm>>)
        tpu.yield
      }) : () -> ()
    } else {
    }
    %add3A_67 = arith.constant 192 : i32
    %add3A_68 = arith.addi %add3A, %add3A_67 : i32
    %lt3A_69 = arith.constant 250 : i32
    %lt3A_70 = arith.cmpi slt, %add3A_68, %lt3A_69 : i32
    %convert_element_type3A_71 = arith.extui %lt3A_70 : i1 to i32
    %cond3A_72 = arith.constant 0 : i32
    %cond3A_73 = arith.cmpi ne, %convert_element_type3A_71, %cond3A_72 : i32
    scf.if %cond3A_73 {
      %mul3A_91 = arith.constant 200 : i32
      %mul3A_92 = arith.muli %add3A_68, %mul3A_91 : i32
      "tpu.region"() ({
        %run_scoped3A = tpu.sem_alloc : memref<!tpu.dma_semaphore, #tpu.memory_space<semaphore_mem>>
        %dma_start3A_97 = tpu.memref_slice %arg2[%mul3A_92] : memref<50000xi32, #tpu.memory_space<hbm>> -> memref<200xi32, #tpu.memory_space<hbm>>
        %dma_start3A_98 = tpu.memref_slice %arg2[%mul3A_92] : memref<50000xi32, #tpu.memory_space<hbm>> -> memref<200xi32, #tpu.memory_space<hbm>>
        tpu.enqueue_dma source(%dma_start3A_98 : memref<200xi32, #tpu.memory_space<hbm>>) target(%arg14 : memref<200xi32, #tpu.memory_space<vmem>>) target_semaphore(%run_scoped3A : memref<!tpu.dma_semaphore, #tpu.memory_space<semaphore_mem>>)
        %dma_wait3A_99 = tpu.memref_slice %arg2[%mul3A_92] : memref<50000xi32, #tpu.memory_space<hbm>> -> memref<200xi32, #tpu.memory_space<hbm>>
        %dma_wait3A_100 = tpu.memref_slice %arg2[%mul3A_92] : memref<50000xi32, #tpu.memory_space<hbm>> -> memref<200xi32, #tpu.memory_space<hbm>>
        tpu.wait_dma2 semaphore(%run_scoped3A : memref<!tpu.dma_semaphore, #tpu.memory_space<semaphore_mem>>) src(%dma_wait3A_100 : memref<200xi32, #tpu.memory_space<hbm>>) dst(%arg14 : memref<200xi32, #tpu.memory_space<vmem>>)
        tpu.yield
      }) : () -> ()
      %dma_start3A = arith.constant 0 : i32
      %dma_start3A_93 = arith.constant 0 : i32
      %dma_start3A_94 = tpu.memref_slice %arg6[%dma_start3A, %dma_start3A_93] : memref<95x128xf32, #tpu.memory_space<hbm>> -> memref<95x128xf32, #tpu.memory_space<hbm>>
      tpu.enqueue_indirect_dma source(%dma_start3A_94 : memref<95x128xf32, #tpu.memory_space<hbm>>) target(%arg15 : memref<200x128xf32, #tpu.memory_space<vmem>>) offsets(%arg14 : memref<200xi32, #tpu.memory_space<vmem>>) semaphore(%arg16 : memref<!tpu.dma_semaphore, #tpu.memory_space<semaphore_mem>>)
      %dma_wait3A = arith.constant 0 : i32
      %dma_wait3A_95 = arith.constant 0 : i32
      %dma_wait3A_96 = tpu.memref_slice %arg6[%dma_wait3A, %dma_wait3A_95] : memref<95x128xf32, #tpu.memory_space<hbm>> -> memref<95x128xf32, #tpu.memory_space<hbm>>
      tpu.wait_indirect_dma semaphore(%arg16 : memref<!tpu.dma_semaphore, #tpu.memory_space<semaphore_mem>>) src(%dma_wait3A_96 : memref<95x128xf32, #tpu.memory_space<hbm>>) dst(%arg15 : memref<200x128xf32, #tpu.memory_space<vmem>>)
      "tpu.region"() ({
        %run_scoped3A = tpu.sem_alloc : memref<!tpu.dma_semaphore, #tpu.memory_space<semaphore_mem>>
        %dma_start3A_97 = arith.constant 0 : i32
        %dma_start3A_98 = tpu.memref_slice %arg7[%mul3A_92, %dma_start3A_97] : memref<50000x128xf32, #tpu.memory_space<hbm>> -> memref<200x128xf32, #tpu.memory_space<hbm>>
        %dma_start3A_99 = arith.constant 0 : i32
        %dma_start3A_100 = tpu.memref_slice %arg7[%mul3A_92, %dma_start3A_99] : memref<50000x128xf32, #tpu.memory_space<hbm>> -> memref<200x128xf32, #tpu.memory_space<hbm>>
        tpu.enqueue_dma source(%arg15 : memref<200x128xf32, #tpu.memory_space<vmem>>) target(%dma_start3A_100 : memref<200x128xf32, #tpu.memory_space<hbm>>) target_semaphore(%run_scoped3A : memref<!tpu.dma_semaphore, #tpu.memory_space<semaphore_mem>>)
        %dma_wait3A_101 = arith.constant 0 : i32
        %dma_wait3A_102 = tpu.memref_slice %arg7[%mul3A_92, %dma_wait3A_101] : memref<50000x128xf32, #tpu.memory_space<hbm>> -> memref<200x128xf32, #tpu.memory_space<hbm>>
        %dma_wait3A_103 = arith.constant 0 : i32
        %dma_wait3A_104 = tpu.memref_slice %arg7[%mul3A_92, %dma_wait3A_103] : memref<50000x128xf32, #tpu.memory_space<hbm>> -> memref<200x128xf32, #tpu.memory_space<hbm>>
        tpu.wait_dma2 semaphore(%run_scoped3A : memref<!tpu.dma_semaphore, #tpu.memory_space<semaphore_mem>>) src(%arg15 : memref<200x128xf32, #tpu.memory_space<vmem>>) dst(%dma_wait3A_104 : memref<200x128xf32, #tpu.memory_space<hbm>>)
        tpu.yield
      }) : () -> ()
    } else {
    }
    %add3A_74 = arith.constant 224 : i32
    %add3A_75 = arith.addi %add3A, %add3A_74 : i32
    %lt3A_76 = arith.constant 250 : i32
    %lt3A_77 = arith.cmpi slt, %add3A_75, %lt3A_76 : i32
    %convert_element_type3A_78 = arith.extui %lt3A_77 : i1 to i32
    %cond3A_79 = arith.constant 0 : i32
    %cond3A_80 = arith.cmpi ne, %convert_element_type3A_78, %cond3A_79 : i32
    scf.if %cond3A_80 {
      %mul3A_91 = arith.constant 200 : i32
      %mul3A_92 = arith.muli %add3A_75, %mul3A_91 : i32
      "tpu.region"() ({
        %run_scoped3A = tpu.sem_alloc : memref<!tpu.dma_semaphore, #tpu.memory_space<semaphore_mem>>
        %dma_start3A_97 = tpu.memref_slice %arg2[%mul3A_92] : memref<50000xi32, #tpu.memory_space<hbm>> -> memref<200xi32, #tpu.memory_space<hbm>>
        %dma_start3A_98 = tpu.memref_slice %arg2[%mul3A_92] : memref<50000xi32, #tpu.memory_space<hbm>> -> memref<200xi32, #tpu.memory_space<hbm>>
        tpu.enqueue_dma source(%dma_start3A_98 : memref<200xi32, #tpu.memory_space<hbm>>) target(%arg14 : memref<200xi32, #tpu.memory_space<vmem>>) target_semaphore(%run_scoped3A : memref<!tpu.dma_semaphore, #tpu.memory_space<semaphore_mem>>)
        %dma_wait3A_99 = tpu.memref_slice %arg2[%mul3A_92] : memref<50000xi32, #tpu.memory_space<hbm>> -> memref<200xi32, #tpu.memory_space<hbm>>
        %dma_wait3A_100 = tpu.memref_slice %arg2[%mul3A_92] : memref<50000xi32, #tpu.memory_space<hbm>> -> memref<200xi32, #tpu.memory_space<hbm>>
        tpu.wait_dma2 semaphore(%run_scoped3A : memref<!tpu.dma_semaphore, #tpu.memory_space<semaphore_mem>>) src(%dma_wait3A_100 : memref<200xi32, #tpu.memory_space<hbm>>) dst(%arg14 : memref<200xi32, #tpu.memory_space<vmem>>)
        tpu.yield
      }) : () -> ()
      %dma_start3A = arith.constant 0 : i32
      %dma_start3A_93 = arith.constant 0 : i32
      %dma_start3A_94 = tpu.memref_slice %arg6[%dma_start3A, %dma_start3A_93] : memref<95x128xf32, #tpu.memory_space<hbm>> -> memref<95x128xf32, #tpu.memory_space<hbm>>
      tpu.enqueue_indirect_dma source(%dma_start3A_94 : memref<95x128xf32, #tpu.memory_space<hbm>>) target(%arg15 : memref<200x128xf32, #tpu.memory_space<vmem>>) offsets(%arg14 : memref<200xi32, #tpu.memory_space<vmem>>) semaphore(%arg16 : memref<!tpu.dma_semaphore, #tpu.memory_space<semaphore_mem>>)
      %dma_wait3A = arith.constant 0 : i32
      %dma_wait3A_95 = arith.constant 0 : i32
      %dma_wait3A_96 = tpu.memref_slice %arg6[%dma_wait3A, %dma_wait3A_95] : memref<95x128xf32, #tpu.memory_space<hbm>> -> memref<95x128xf32, #tpu.memory_space<hbm>>
      tpu.wait_indirect_dma semaphore(%arg16 : memref<!tpu.dma_semaphore, #tpu.memory_space<semaphore_mem>>) src(%dma_wait3A_96 : memref<95x128xf32, #tpu.memory_space<hbm>>) dst(%arg15 : memref<200x128xf32, #tpu.memory_space<vmem>>)
      "tpu.region"() ({
        %run_scoped3A = tpu.sem_alloc : memref<!tpu.dma_semaphore, #tpu.memory_space<semaphore_mem>>
        %dma_start3A_97 = arith.constant 0 : i32
        %dma_start3A_98 = tpu.memref_slice %arg7[%mul3A_92, %dma_start3A_97] : memref<50000x128xf32, #tpu.memory_space<hbm>> -> memref<200x128xf32, #tpu.memory_space<hbm>>
        %dma_start3A_99 = arith.constant 0 : i32
        %dma_start3A_100 = tpu.memref_slice %arg7[%mul3A_92, %dma_start3A_99] : memref<50000x128xf32, #tpu.memory_space<hbm>> -> memref<200x128xf32, #tpu.memory_space<hbm>>
        tpu.enqueue_dma source(%arg15 : memref<200x128xf32, #tpu.memory_space<vmem>>) target(%dma_start3A_100 : memref<200x128xf32, #tpu.memory_space<hbm>>) target_semaphore(%run_scoped3A : memref<!tpu.dma_semaphore, #tpu.memory_space<semaphore_mem>>)
        %dma_wait3A_101 = arith.constant 0 : i32
        %dma_wait3A_102 = tpu.memref_slice %arg7[%mul3A_92, %dma_wait3A_101] : memref<50000x128xf32, #tpu.memory_space<hbm>> -> memref<200x128xf32, #tpu.memory_space<hbm>>
        %dma_wait3A_103 = arith.constant 0 : i32
        %dma_wait3A_104 = tpu.memref_slice %arg7[%mul3A_92, %dma_wait3A_103] : memref<50000x128xf32, #tpu.memory_space<hbm>> -> memref<200x128xf32, #tpu.memory_space<hbm>>
        tpu.wait_dma2 semaphore(%run_scoped3A : memref<!tpu.dma_semaphore, #tpu.memory_space<semaphore_mem>>) src(%arg15 : memref<200x128xf32, #tpu.memory_space<vmem>>) dst(%dma_wait3A_104 : memref<200x128xf32, #tpu.memory_space<hbm>>)
        tpu.yield
      }) : () -> ()
    } else {
    }
    %barrier3A = arith.constant 0 : index
    tpu.barrier barrier_id(%barrier3A)
    %lt3A_81 = arith.constant 31 : i32
    %lt3A_82 = arith.cmpi slt, %add3A, %lt3A_81 : i32
    %convert_element_type3A_83 = arith.extui %lt3A_82 : i1 to i32
    %cond3A_84 = arith.constant 0 : i32
    %cond3A_85 = arith.cmpi ne, %convert_element_type3A_83, %cond3A_84 : i32
    scf.if %cond3A_85 {
      %mul3A_91 = arith.constant 25600 : i32
      %mul3A_92 = arith.muli %add3A, %mul3A_91 : i32
      %add3A_93 = arith.constant 0 : i32
      %add3A_94 = arith.addi %mul3A_92, %add3A_93 : i32
      "tpu.region"() ({
        %run_scoped3A = tpu.sem_alloc : memref<!tpu.dma_semaphore, #tpu.memory_space<semaphore_mem>>
        %dma_start3A = arith.constant 0 : i32
        %dma_start3A_156 = tpu.memref_slice %arg11[%dma_start3A] : memref<12800xi32, #tpu.memory_space<vmem>> -> memref<12800xi32, #tpu.memory_space<vmem>>
        %dma_start3A_157 = tpu.memref_slice %arg4[%add3A_94] : memref<800000xi32, #tpu.memory_space<hbm>> -> memref<12800xi32, #tpu.memory_space<hbm>>
        %dma_start3A_158 = arith.constant 0 : i32
        %dma_start3A_159 = tpu.memref_slice %arg11[%dma_start3A_158] : memref<12800xi32, #tpu.memory_space<vmem>> -> memref<12800xi32, #tpu.memory_space<vmem>>
        %dma_start3A_160 = tpu.memref_slice %arg4[%add3A_94] : memref<800000xi32, #tpu.memory_space<hbm>> -> memref<12800xi32, #tpu.memory_space<hbm>>
        tpu.enqueue_dma source(%dma_start3A_160 : memref<12800xi32, #tpu.memory_space<hbm>>) target(%dma_start3A_159 : memref<12800xi32, #tpu.memory_space<vmem>>) target_semaphore(%run_scoped3A : memref<!tpu.dma_semaphore, #tpu.memory_space<semaphore_mem>>)
        %dma_wait3A = arith.constant 0 : i32
        %dma_wait3A_161 = tpu.memref_slice %arg11[%dma_wait3A] : memref<12800xi32, #tpu.memory_space<vmem>> -> memref<12800xi32, #tpu.memory_space<vmem>>
        %dma_wait3A_162 = tpu.memref_slice %arg4[%add3A_94] : memref<800000xi32, #tpu.memory_space<hbm>> -> memref<12800xi32, #tpu.memory_space<hbm>>
        %dma_wait3A_163 = arith.constant 0 : i32
        %dma_wait3A_164 = tpu.memref_slice %arg11[%dma_wait3A_163] : memref<12800xi32, #tpu.memory_space<vmem>> -> memref<12800xi32, #tpu.memory_space<vmem>>
        %dma_wait3A_165 = tpu.memref_slice %arg4[%add3A_94] : memref<800000xi32, #tpu.memory_space<hbm>> -> memref<12800xi32, #tpu.memory_space<hbm>>
        tpu.wait_dma2 semaphore(%run_scoped3A : memref<!tpu.dma_semaphore, #tpu.memory_space<semaphore_mem>>) src(%dma_wait3A_165 : memref<12800xi32, #tpu.memory_space<hbm>>) dst(%dma_wait3A_164 : memref<12800xi32, #tpu.memory_space<vmem>>)
        tpu.yield
      }) : () -> ()
      "tpu.region"() ({
        %run_scoped3A = tpu.sem_alloc : memref<!tpu.dma_semaphore, #tpu.memory_space<semaphore_mem>>
        %dma_start3A = arith.constant 0 : i32
        %dma_start3A_156 = tpu.memref_slice %arg12[%dma_start3A] : memref<12800xi32, #tpu.memory_space<vmem>> -> memref<12800xi32, #tpu.memory_space<vmem>>
        %dma_start3A_157 = tpu.memref_slice %arg5[%add3A_94] : memref<800000xi32, #tpu.memory_space<hbm>> -> memref<12800xi32, #tpu.memory_space<hbm>>
        %dma_start3A_158 = arith.constant 0 : i32
        %dma_start3A_159 = tpu.memref_slice %arg12[%dma_start3A_158] : memref<12800xi32, #tpu.memory_space<vmem>> -> memref<12800xi32, #tpu.memory_space<vmem>>
        %dma_start3A_160 = tpu.memref_slice %arg5[%add3A_94] : memref<800000xi32, #tpu.memory_space<hbm>> -> memref<12800xi32, #tpu.memory_space<hbm>>
        tpu.enqueue_dma source(%dma_start3A_160 : memref<12800xi32, #tpu.memory_space<hbm>>) target(%dma_start3A_159 : memref<12800xi32, #tpu.memory_space<vmem>>) target_semaphore(%run_scoped3A : memref<!tpu.dma_semaphore, #tpu.memory_space<semaphore_mem>>)
        %dma_wait3A = arith.constant 0 : i32
        %dma_wait3A_161 = tpu.memref_slice %arg12[%dma_wait3A] : memref<12800xi32, #tpu.memory_space<vmem>> -> memref<12800xi32, #tpu.memory_space<vmem>>
        %dma_wait3A_162 = tpu.memref_slice %arg5[%add3A_94] : memref<800000xi32, #tpu.memory_space<hbm>> -> memref<12800xi32, #tpu.memory_space<hbm>>
        %dma_wait3A_163 = arith.constant 0 : i32
        %dma_wait3A_164 = tpu.memref_slice %arg12[%dma_wait3A_163] : memref<12800xi32, #tpu.memory_space<vmem>> -> memref<12800xi32, #tpu.memory_space<vmem>>
        %dma_wait3A_165 = tpu.memref_slice %arg5[%add3A_94] : memref<800000xi32, #tpu.memory_space<hbm>> -> memref<12800xi32, #tpu.memory_space<hbm>>
        tpu.wait_dma2 semaphore(%run_scoped3A : memref<!tpu.dma_semaphore, #tpu.memory_space<semaphore_mem>>) src(%dma_wait3A_165 : memref<12800xi32, #tpu.memory_space<hbm>>) dst(%dma_wait3A_164 : memref<12800xi32, #tpu.memory_space<vmem>>)
        tpu.yield
      }) : () -> ()
      %mul3A_95 = arith.constant 150000 : i32
      %mul3A_96 = arith.muli %arg0, %mul3A_95 : i32
      %add3A_97 = arith.constant 0 : i32
      %add3A_98 = arith.addi %mul3A_96, %add3A_97 : i32
      "tpu.region"() ({
        %run_scoped3A = tpu.sem_alloc : memref<!tpu.dma_semaphore, #tpu.memory_space<semaphore_mem>>
        %dma_start3A = tpu.memref_slice %arg9[%add3A_98] : memref<300000xi32, #tpu.memory_space<hbm>> -> memref<50000xi32, #tpu.memory_space<hbm>>
        %dma_start3A_156 = tpu.memref_slice %arg9[%add3A_98] : memref<300000xi32, #tpu.memory_space<hbm>> -> memref<50000xi32, #tpu.memory_space<hbm>>
        tpu.enqueue_dma source(%dma_start3A_156 : memref<50000xi32, #tpu.memory_space<hbm>>) target(%arg10 : memref<50000xi32, #tpu.memory_space<vmem>>) target_semaphore(%run_scoped3A : memref<!tpu.dma_semaphore, #tpu.memory_space<semaphore_mem>>)
        %dma_wait3A = tpu.memref_slice %arg9[%add3A_98] : memref<300000xi32, #tpu.memory_space<hbm>> -> memref<50000xi32, #tpu.memory_space<hbm>>
        %dma_wait3A_157 = tpu.memref_slice %arg9[%add3A_98] : memref<300000xi32, #tpu.memory_space<hbm>> -> memref<50000xi32, #tpu.memory_space<hbm>>
        tpu.wait_dma2 semaphore(%run_scoped3A : memref<!tpu.dma_semaphore, #tpu.memory_space<semaphore_mem>>) src(%dma_wait3A_157 : memref<50000xi32, #tpu.memory_space<hbm>>) dst(%arg10 : memref<50000xi32, #tpu.memory_space<vmem>>)
        tpu.yield
      }) : () -> ()
      %scan3A = arith.constant 0 : i32
      %scan3A_99 = arith.constant 0 : i32
      %scan3A_100 = arith.constant 800 : i32
      %scan3A_101 = arith.addi %scan3A_99, %scan3A_100 : i32
      %scan3A_102 = arith.constant 1 : i32
      scf.for %scan3A_156 = %scan3A_99 to %scan3A_101 step %scan3A_102  : i32 {
        %mul3A_157 = arith.constant 16 : i32
        %mul3A_158 = arith.muli %scan3A_156, %mul3A_157 : i32
        %get3A = arith.index_cast %mul3A_158 : i32 to index
        %get3A_159 = tpu.vector_load %arg11[%get3A] {strides = array<i32>} : memref<12800xi32, #tpu.memory_space<vmem>>, vector<16xi32>,
        %get3A_160 = arith.index_cast %mul3A_158 : i32 to index
        %get3A_161 = tpu.vector_load %arg12[%get3A_160] {strides = array<i32>} : memref<12800xi32, #tpu.memory_space<vmem>>, vector<16xi32>,
        %gather3A = tpu.vector_load_idx %arg10[%get3A_159] : memref<50000xi32, #tpu.memory_space<vmem>>[vector<16xi32>], vector<16xi32>,
        %bitcast3A = vector.bitcast %gather3A : vector<16xi32> to vector<16xf32>
        %gather3A_162 = tpu.vector_load_idx %arg10[%get3A_161] : memref<50000xi32, #tpu.memory_space<vmem>>[vector<16xi32>], vector<16xi32>,
        %bitcast3A_163 = vector.bitcast %gather3A_162 : vector<16xi32> to vector<16xf32>
        %sub3A = arith.subf %bitcast3A_163, %bitcast3A : vector<16xf32>
        %mul3A_164 = arith.mulf %sub3A, %sub3A : vector<16xf32>
        %swap3A = arith.index_cast %mul3A_158 : i32 to index
        %swap3A_165 = tpu.vector_load %arg13[%swap3A] {strides = array<i32>} : memref<12800xf32, #tpu.memory_space<vmem>>, vector<16xf32>,
        tpu.vector_store %arg13[%swap3A], %mul3A_164 {strides = array<i32>} : memref<12800xf32, #tpu.memory_space<vmem>>, vector<16xf32>,
      }
      %scan3A_103 = arith.constant 800 : i32
      %mul3A_104 = arith.constant 150000 : i32
      %mul3A_105 = arith.muli %arg0, %mul3A_104 : i32
      %add3A_106 = arith.constant 50000 : i32
      %add3A_107 = arith.addi %mul3A_105, %add3A_106 : i32
      "tpu.region"() ({
        %run_scoped3A = tpu.sem_alloc : memref<!tpu.dma_semaphore, #tpu.memory_space<semaphore_mem>>
        %dma_start3A = tpu.memref_slice %arg9[%add3A_107] : memref<300000xi32, #tpu.memory_space<hbm>> -> memref<50000xi32, #tpu.memory_space<hbm>>
        %dma_start3A_156 = tpu.memref_slice %arg9[%add3A_107] : memref<300000xi32, #tpu.memory_space<hbm>> -> memref<50000xi32, #tpu.memory_space<hbm>>
        tpu.enqueue_dma source(%dma_start3A_156 : memref<50000xi32, #tpu.memory_space<hbm>>) target(%arg10 : memref<50000xi32, #tpu.memory_space<vmem>>) target_semaphore(%run_scoped3A : memref<!tpu.dma_semaphore, #tpu.memory_space<semaphore_mem>>)
        %dma_wait3A = tpu.memref_slice %arg9[%add3A_107] : memref<300000xi32, #tpu.memory_space<hbm>> -> memref<50000xi32, #tpu.memory_space<hbm>>
        %dma_wait3A_157 = tpu.memref_slice %arg9[%add3A_107] : memref<300000xi32, #tpu.memory_space<hbm>> -> memref<50000xi32, #tpu.memory_space<hbm>>
        tpu.wait_dma2 semaphore(%run_scoped3A : memref<!tpu.dma_semaphore, #tpu.memory_space<semaphore_mem>>) src(%dma_wait3A_157 : memref<50000xi32, #tpu.memory_space<hbm>>) dst(%arg10 : memref<50000xi32, #tpu.memory_space<vmem>>)
        tpu.yield
      }) : () -> ()
      %scan3A_108 = arith.constant 0 : i32
      %scan3A_109 = arith.constant 0 : i32
      %scan3A_110 = arith.constant 800 : i32
      %scan3A_111 = arith.addi %scan3A_109, %scan3A_110 : i32
      %scan3A_112 = arith.constant 1 : i32
      scf.for %scan3A_156 = %scan3A_109 to %scan3A_111 step %scan3A_112  : i32 {
        %mul3A_157 = arith.constant 16 : i32
        %mul3A_158 = arith.muli %scan3A_156, %mul3A_157 : i32
        %get3A = arith.index_cast %mul3A_158 : i32 to index
        %get3A_159 = tpu.vector_load %arg11[%get3A] {strides = array<i32>} : memref<12800xi32, #tpu.memory_space<vmem>>, vector<16xi32>,
        %get3A_160 = arith.index_cast %mul3A_158 : i32 to index
        %get3A_161 = tpu.vector_load %arg12[%get3A_160] {strides = array<i32>} : memref<12800xi32, #tpu.memory_space<vmem>>, vector<16xi32>,
        %gather3A = tpu.vector_load_idx %arg10[%get3A_159] : memref<50000xi32, #tpu.memory_space<vmem>>[vector<16xi32>], vector<16xi32>,
        %bitcast3A = vector.bitcast %gather3A : vector<16xi32> to vector<16xf32>
        %gather3A_162 = tpu.vector_load_idx %arg10[%get3A_161] : memref<50000xi32, #tpu.memory_space<vmem>>[vector<16xi32>], vector<16xi32>,
        %bitcast3A_163 = vector.bitcast %gather3A_162 : vector<16xi32> to vector<16xf32>
        %sub3A = arith.subf %bitcast3A_163, %bitcast3A : vector<16xf32>
        %get3A_164 = arith.index_cast %mul3A_158 : i32 to index
        %get3A_165 = tpu.vector_load %arg13[%get3A_164] {strides = array<i32>} : memref<12800xf32, #tpu.memory_space<vmem>>, vector<16xf32>,
        %mul3A_166 = arith.mulf %sub3A, %sub3A : vector<16xf32>
        %add3A_167 = arith.addf %get3A_165, %mul3A_166 : vector<16xf32>
        %swap3A = arith.index_cast %mul3A_158 : i32 to index
        %swap3A_168 = tpu.vector_load %arg13[%swap3A] {strides = array<i32>} : memref<12800xf32, #tpu.memory_space<vmem>>, vector<16xf32>,
        tpu.vector_store %arg13[%swap3A], %add3A_167 {strides = array<i32>} : memref<12800xf32, #tpu.memory_space<vmem>>, vector<16xf32>,
      }
      %scan3A_113 = arith.constant 800 : i32
      %mul3A_114 = arith.constant 150000 : i32
      %mul3A_115 = arith.muli %arg0, %mul3A_114 : i32
      %add3A_116 = arith.constant 100000 : i32
      %add3A_117 = arith.addi %mul3A_115, %add3A_116 : i32
      "tpu.region"() ({
        %run_scoped3A = tpu.sem_alloc : memref<!tpu.dma_semaphore, #tpu.memory_space<semaphore_mem>>
        %dma_start3A = tpu.memref_slice %arg9[%add3A_117] : memref<300000xi32, #tpu.memory_space<hbm>> -> memref<50000xi32, #tpu.memory_space<hbm>>
        %dma_start3A_156 = tpu.memref_slice %arg9[%add3A_117] : memref<300000xi32, #tpu.memory_space<hbm>> -> memref<50000xi32, #tpu.memory_space<hbm>>
        tpu.enqueue_dma source(%dma_start3A_156 : memref<50000xi32, #tpu.memory_space<hbm>>) target(%arg10 : memref<50000xi32, #tpu.memory_space<vmem>>) target_semaphore(%run_scoped3A : memref<!tpu.dma_semaphore, #tpu.memory_space<semaphore_mem>>)
        %dma_wait3A = tpu.memref_slice %arg9[%add3A_117] : memref<300000xi32, #tpu.memory_space<hbm>> -> memref<50000xi32, #tpu.memory_space<hbm>>
        %dma_wait3A_157 = tpu.memref_slice %arg9[%add3A_117] : memref<300000xi32, #tpu.memory_space<hbm>> -> memref<50000xi32, #tpu.memory_space<hbm>>
        tpu.wait_dma2 semaphore(%run_scoped3A : memref<!tpu.dma_semaphore, #tpu.memory_space<semaphore_mem>>) src(%dma_wait3A_157 : memref<50000xi32, #tpu.memory_space<hbm>>) dst(%arg10 : memref<50000xi32, #tpu.memory_space<vmem>>)
        tpu.yield
      }) : () -> ()
      %scan3A_118 = arith.constant 0 : i32
      %scan3A_119 = arith.constant 0 : i32
      %scan3A_120 = arith.constant 800 : i32
      %scan3A_121 = arith.addi %scan3A_119, %scan3A_120 : i32
      %scan3A_122 = arith.constant 1 : i32
      scf.for %scan3A_156 = %scan3A_119 to %scan3A_121 step %scan3A_122  : i32 {
        %mul3A_157 = arith.constant 16 : i32
        %mul3A_158 = arith.muli %scan3A_156, %mul3A_157 : i32
        %get3A = arith.index_cast %mul3A_158 : i32 to index
        %get3A_159 = tpu.vector_load %arg11[%get3A] {strides = array<i32>} : memref<12800xi32, #tpu.memory_space<vmem>>, vector<16xi32>,
        %get3A_160 = arith.index_cast %mul3A_158 : i32 to index
        %get3A_161 = tpu.vector_load %arg12[%get3A_160] {strides = array<i32>} : memref<12800xi32, #tpu.memory_space<vmem>>, vector<16xi32>,
        %gather3A = tpu.vector_load_idx %arg10[%get3A_159] : memref<50000xi32, #tpu.memory_space<vmem>>[vector<16xi32>], vector<16xi32>,
        %bitcast3A = vector.bitcast %gather3A : vector<16xi32> to vector<16xf32>
        %gather3A_162 = tpu.vector_load_idx %arg10[%get3A_161] : memref<50000xi32, #tpu.memory_space<vmem>>[vector<16xi32>], vector<16xi32>,
        %bitcast3A_163 = vector.bitcast %gather3A_162 : vector<16xi32> to vector<16xf32>
        %sub3A = arith.subf %bitcast3A_163, %bitcast3A : vector<16xf32>
        %get3A_164 = arith.index_cast %mul3A_158 : i32 to index
        %get3A_165 = tpu.vector_load %arg13[%get3A_164] {strides = array<i32>} : memref<12800xf32, #tpu.memory_space<vmem>>, vector<16xf32>,
        %mul3A_166 = arith.mulf %sub3A, %sub3A : vector<16xf32>
        %add3A_167 = arith.addf %get3A_165, %mul3A_166 : vector<16xf32>
        %swap3A = arith.index_cast %mul3A_158 : i32 to index
        %swap3A_168 = tpu.vector_load %arg13[%swap3A] {strides = array<i32>} : memref<12800xf32, #tpu.memory_space<vmem>>, vector<16xf32>,
        tpu.vector_store %arg13[%swap3A], %add3A_167 {strides = array<i32>} : memref<12800xf32, #tpu.memory_space<vmem>>, vector<16xf32>,
      }
      %scan3A_123 = arith.constant 800 : i32
      "tpu.region"() ({
        %run_scoped3A = tpu.sem_alloc : memref<!tpu.dma_semaphore, #tpu.memory_space<semaphore_mem>>
        %dma_start3A = arith.constant 0 : i32
        %dma_start3A_156 = tpu.memref_slice %arg13[%dma_start3A] : memref<12800xf32, #tpu.memory_space<vmem>> -> memref<12800xf32, #tpu.memory_space<vmem>>
        %dma_start3A_157 = tpu.memref_slice %arg8[%add3A_94] : memref<800000xf32, #tpu.memory_space<hbm>> -> memref<12800xf32, #tpu.memory_space<hbm>>
        %dma_start3A_158 = tpu.memref_slice %arg8[%add3A_94] : memref<800000xf32, #tpu.memory_space<hbm>> -> memref<12800xf32, #tpu.memory_space<hbm>>
        %dma_start3A_159 = arith.constant 0 : i32
        %dma_start3A_160 = tpu.memref_slice %arg13[%dma_start3A_159] : memref<12800xf32, #tpu.memory_space<vmem>> -> memref<12800xf32, #tpu.memory_space<vmem>>
        tpu.enqueue_dma source(%dma_start3A_160 : memref<12800xf32, #tpu.memory_space<vmem>>) target(%dma_start3A_158 : memref<12800xf32, #tpu.memory_space<hbm>>) target_semaphore(%run_scoped3A : memref<!tpu.dma_semaphore, #tpu.memory_space<semaphore_mem>>)
        %dma_wait3A = arith.constant 0 : i32
        %dma_wait3A_161 = tpu.memref_slice %arg13[%dma_wait3A] : memref<12800xf32, #tpu.memory_space<vmem>> -> memref<12800xf32, #tpu.memory_space<vmem>>
        %dma_wait3A_162 = tpu.memref_slice %arg8[%add3A_94] : memref<800000xf32, #tpu.memory_space<hbm>> -> memref<12800xf32, #tpu.memory_space<hbm>>
        %dma_wait3A_163 = tpu.memref_slice %arg8[%add3A_94] : memref<800000xf32, #tpu.memory_space<hbm>> -> memref<12800xf32, #tpu.memory_space<hbm>>
        %dma_wait3A_164 = arith.constant 0 : i32
        %dma_wait3A_165 = tpu.memref_slice %arg13[%dma_wait3A_164] : memref<12800xf32, #tpu.memory_space<vmem>> -> memref<12800xf32, #tpu.memory_space<vmem>>
        tpu.wait_dma2 semaphore(%run_scoped3A : memref<!tpu.dma_semaphore, #tpu.memory_space<semaphore_mem>>) src(%dma_wait3A_165 : memref<12800xf32, #tpu.memory_space<vmem>>) dst(%dma_wait3A_163 : memref<12800xf32, #tpu.memory_space<hbm>>)
        tpu.yield
      }) : () -> ()
      %add3A_124 = arith.constant 12800 : i32
      %add3A_125 = arith.addi %mul3A_92, %add3A_124 : i32
      "tpu.region"() ({
        %run_scoped3A = tpu.sem_alloc : memref<!tpu.dma_semaphore, #tpu.memory_space<semaphore_mem>>
        %dma_start3A = arith.constant 0 : i32
        %dma_start3A_156 = tpu.memref_slice %arg11[%dma_start3A] : memref<12800xi32, #tpu.memory_space<vmem>> -> memref<12800xi32, #tpu.memory_space<vmem>>
        %dma_start3A_157 = tpu.memref_slice %arg4[%add3A_125] : memref<800000xi32, #tpu.memory_space<hbm>> -> memref<12800xi32, #tpu.memory_space<hbm>>
        %dma_start3A_158 = arith.constant 0 : i32
        %dma_start3A_159 = tpu.memref_slice %arg11[%dma_start3A_158] : memref<12800xi32, #tpu.memory_space<vmem>> -> memref<12800xi32, #tpu.memory_space<vmem>>
        %dma_start3A_160 = tpu.memref_slice %arg4[%add3A_125] : memref<800000xi32, #tpu.memory_space<hbm>> -> memref<12800xi32, #tpu.memory_space<hbm>>
        tpu.enqueue_dma source(%dma_start3A_160 : memref<12800xi32, #tpu.memory_space<hbm>>) target(%dma_start3A_159 : memref<12800xi32, #tpu.memory_space<vmem>>) target_semaphore(%run_scoped3A : memref<!tpu.dma_semaphore, #tpu.memory_space<semaphore_mem>>)
        %dma_wait3A = arith.constant 0 : i32
        %dma_wait3A_161 = tpu.memref_slice %arg11[%dma_wait3A] : memref<12800xi32, #tpu.memory_space<vmem>> -> memref<12800xi32, #tpu.memory_space<vmem>>
        %dma_wait3A_162 = tpu.memref_slice %arg4[%add3A_125] : memref<800000xi32, #tpu.memory_space<hbm>> -> memref<12800xi32, #tpu.memory_space<hbm>>
        %dma_wait3A_163 = arith.constant 0 : i32
        %dma_wait3A_164 = tpu.memref_slice %arg11[%dma_wait3A_163] : memref<12800xi32, #tpu.memory_space<vmem>> -> memref<12800xi32, #tpu.memory_space<vmem>>
        %dma_wait3A_165 = tpu.memref_slice %arg4[%add3A_125] : memref<800000xi32, #tpu.memory_space<hbm>> -> memref<12800xi32, #tpu.memory_space<hbm>>
        tpu.wait_dma2 semaphore(%run_scoped3A : memref<!tpu.dma_semaphore, #tpu.memory_space<semaphore_mem>>) src(%dma_wait3A_165 : memref<12800xi32, #tpu.memory_space<hbm>>) dst(%dma_wait3A_164 : memref<12800xi32, #tpu.memory_space<vmem>>)
        tpu.yield
      }) : () -> ()
      "tpu.region"() ({
        %run_scoped3A = tpu.sem_alloc : memref<!tpu.dma_semaphore, #tpu.memory_space<semaphore_mem>>
        %dma_start3A = arith.constant 0 : i32
        %dma_start3A_156 = tpu.memref_slice %arg12[%dma_start3A] : memref<12800xi32, #tpu.memory_space<vmem>> -> memref<12800xi32, #tpu.memory_space<vmem>>
        %dma_start3A_157 = tpu.memref_slice %arg5[%add3A_125] : memref<800000xi32, #tpu.memory_space<hbm>> -> memref<12800xi32, #tpu.memory_space<hbm>>
        %dma_start3A_158 = arith.constant 0 : i32
        %dma_start3A_159 = tpu.memref_slice %arg12[%dma_start3A_158] : memref<12800xi32, #tpu.memory_space<vmem>> -> memref<12800xi32, #tpu.memory_space<vmem>>
        %dma_start3A_160 = tpu.memref_slice %arg5[%add3A_125] : memref<800000xi32, #tpu.memory_space<hbm>> -> memref<12800xi32, #tpu.memory_space<hbm>>
        tpu.enqueue_dma source(%dma_start3A_160 : memref<12800xi32, #tpu.memory_space<hbm>>) target(%dma_start3A_159 : memref<12800xi32, #tpu.memory_space<vmem>>) target_semaphore(%run_scoped3A : memref<!tpu.dma_semaphore, #tpu.memory_space<semaphore_mem>>)
        %dma_wait3A = arith.constant 0 : i32
        %dma_wait3A_161 = tpu.memref_slice %arg12[%dma_wait3A] : memref<12800xi32, #tpu.memory_space<vmem>> -> memref<12800xi32, #tpu.memory_space<vmem>>
        %dma_wait3A_162 = tpu.memref_slice %arg5[%add3A_125] : memref<800000xi32, #tpu.memory_space<hbm>> -> memref<12800xi32, #tpu.memory_space<hbm>>
        %dma_wait3A_163 = arith.constant 0 : i32
        %dma_wait3A_164 = tpu.memref_slice %arg12[%dma_wait3A_163] : memref<12800xi32, #tpu.memory_space<vmem>> -> memref<12800xi32, #tpu.memory_space<vmem>>
        %dma_wait3A_165 = tpu.memref_slice %arg5[%add3A_125] : memref<800000xi32, #tpu.memory_space<hbm>> -> memref<12800xi32, #tpu.memory_space<hbm>>
        tpu.wait_dma2 semaphore(%run_scoped3A : memref<!tpu.dma_semaphore, #tpu.memory_space<semaphore_mem>>) src(%dma_wait3A_165 : memref<12800xi32, #tpu.memory_space<hbm>>) dst(%dma_wait3A_164 : memref<12800xi32, #tpu.memory_space<vmem>>)
        tpu.yield
      }) : () -> ()
      %mul3A_126 = arith.constant 150000 : i32
      %mul3A_127 = arith.muli %arg0, %mul3A_126 : i32
      %add3A_128 = arith.constant 0 : i32
      %add3A_129 = arith.addi %mul3A_127, %add3A_128 : i32
      "tpu.region"() ({
        %run_scoped3A = tpu.sem_alloc : memref<!tpu.dma_semaphore, #tpu.memory_space<semaphore_mem>>
        %dma_start3A = tpu.memref_slice %arg9[%add3A_129] : memref<300000xi32, #tpu.memory_space<hbm>> -> memref<50000xi32, #tpu.memory_space<hbm>>
        %dma_start3A_156 = tpu.memref_slice %arg9[%add3A_129] : memref<300000xi32, #tpu.memory_space<hbm>> -> memref<50000xi32, #tpu.memory_space<hbm>>
        tpu.enqueue_dma source(%dma_start3A_156 : memref<50000xi32, #tpu.memory_space<hbm>>) target(%arg10 : memref<50000xi32, #tpu.memory_space<vmem>>) target_semaphore(%run_scoped3A : memref<!tpu.dma_semaphore, #tpu.memory_space<semaphore_mem>>)
        %dma_wait3A = tpu.memref_slice %arg9[%add3A_129] : memref<300000xi32, #tpu.memory_space<hbm>> -> memref<50000xi32, #tpu.memory_space<hbm>>
        %dma_wait3A_157 = tpu.memref_slice %arg9[%add3A_129] : memref<300000xi32, #tpu.memory_space<hbm>> -> memref<50000xi32, #tpu.memory_space<hbm>>
        tpu.wait_dma2 semaphore(%run_scoped3A : memref<!tpu.dma_semaphore, #tpu.memory_space<semaphore_mem>>) src(%dma_wait3A_157 : memref<50000xi32, #tpu.memory_space<hbm>>) dst(%arg10 : memref<50000xi32, #tpu.memory_space<vmem>>)
        tpu.yield
      }) : () -> ()
      %scan3A_130 = arith.constant 0 : i32
      %scan3A_131 = arith.constant 0 : i32
      %scan3A_132 = arith.constant 800 : i32
      %scan3A_133 = arith.addi %scan3A_131, %scan3A_132 : i32
      %scan3A_134 = arith.constant 1 : i32
      scf.for %scan3A_156 = %scan3A_131 to %scan3A_133 step %scan3A_134  : i32 {
        %mul3A_157 = arith.constant 16 : i32
        %mul3A_158 = arith.muli %scan3A_156, %mul3A_157 : i32
        %get3A = arith.index_cast %mul3A_158 : i32 to index
        %get3A_159 = tpu.vector_load %arg11[%get3A] {strides = array<i32>} : memref<12800xi32, #tpu.memory_space<vmem>>, vector<16xi32>,
        %get3A_160 = arith.index_cast %mul3A_158 : i32 to index
        %get3A_161 = tpu.vector_load %arg12[%get3A_160] {strides = array<i32>} : memref<12800xi32, #tpu.memory_space<vmem>>, vector<16xi32>,
        %gather3A = tpu.vector_load_idx %arg10[%get3A_159] : memref<50000xi32, #tpu.memory_space<vmem>>[vector<16xi32>], vector<16xi32>,
        %bitcast3A = vector.bitcast %gather3A : vector<16xi32> to vector<16xf32>
        %gather3A_162 = tpu.vector_load_idx %arg10[%get3A_161] : memref<50000xi32, #tpu.memory_space<vmem>>[vector<16xi32>], vector<16xi32>,
        %bitcast3A_163 = vector.bitcast %gather3A_162 : vector<16xi32> to vector<16xf32>
        %sub3A = arith.subf %bitcast3A_163, %bitcast3A : vector<16xf32>
        %mul3A_164 = arith.mulf %sub3A, %sub3A : vector<16xf32>
        %swap3A = arith.index_cast %mul3A_158 : i32 to index
        %swap3A_165 = tpu.vector_load %arg13[%swap3A] {strides = array<i32>} : memref<12800xf32, #tpu.memory_space<vmem>>, vector<16xf32>,
        tpu.vector_store %arg13[%swap3A], %mul3A_164 {strides = array<i32>} : memref<12800xf32, #tpu.memory_space<vmem>>, vector<16xf32>,
      }
      %scan3A_135 = arith.constant 800 : i32
      %mul3A_136 = arith.constant 150000 : i32
      %mul3A_137 = arith.muli %arg0, %mul3A_136 : i32
      %add3A_138 = arith.constant 50000 : i32
      %add3A_139 = arith.addi %mul3A_137, %add3A_138 : i32
      "tpu.region"() ({
        %run_scoped3A = tpu.sem_alloc : memref<!tpu.dma_semaphore, #tpu.memory_space<semaphore_mem>>
        %dma_start3A = tpu.memref_slice %arg9[%add3A_139] : memref<300000xi32, #tpu.memory_space<hbm>> -> memref<50000xi32, #tpu.memory_space<hbm>>
        %dma_start3A_156 = tpu.memref_slice %arg9[%add3A_139] : memref<300000xi32, #tpu.memory_space<hbm>> -> memref<50000xi32, #tpu.memory_space<hbm>>
        tpu.enqueue_dma source(%dma_start3A_156 : memref<50000xi32, #tpu.memory_space<hbm>>) target(%arg10 : memref<50000xi32, #tpu.memory_space<vmem>>) target_semaphore(%run_scoped3A : memref<!tpu.dma_semaphore, #tpu.memory_space<semaphore_mem>>)
        %dma_wait3A = tpu.memref_slice %arg9[%add3A_139] : memref<300000xi32, #tpu.memory_space<hbm>> -> memref<50000xi32, #tpu.memory_space<hbm>>
        %dma_wait3A_157 = tpu.memref_slice %arg9[%add3A_139] : memref<300000xi32, #tpu.memory_space<hbm>> -> memref<50000xi32, #tpu.memory_space<hbm>>
        tpu.wait_dma2 semaphore(%run_scoped3A : memref<!tpu.dma_semaphore, #tpu.memory_space<semaphore_mem>>) src(%dma_wait3A_157 : memref<50000xi32, #tpu.memory_space<hbm>>) dst(%arg10 : memref<50000xi32, #tpu.memory_space<vmem>>)
        tpu.yield
      }) : () -> ()
      %scan3A_140 = arith.constant 0 : i32
      %scan3A_141 = arith.constant 0 : i32
      %scan3A_142 = arith.constant 800 : i32
      %scan3A_143 = arith.addi %scan3A_141, %scan3A_142 : i32
      %scan3A_144 = arith.constant 1 : i32
      scf.for %scan3A_156 = %scan3A_141 to %scan3A_143 step %scan3A_144  : i32 {
        %mul3A_157 = arith.constant 16 : i32
        %mul3A_158 = arith.muli %scan3A_156, %mul3A_157 : i32
        %get3A = arith.index_cast %mul3A_158 : i32 to index
        %get3A_159 = tpu.vector_load %arg11[%get3A] {strides = array<i32>} : memref<12800xi32, #tpu.memory_space<vmem>>, vector<16xi32>,
        %get3A_160 = arith.index_cast %mul3A_158 : i32 to index
        %get3A_161 = tpu.vector_load %arg12[%get3A_160] {strides = array<i32>} : memref<12800xi32, #tpu.memory_space<vmem>>, vector<16xi32>,
        %gather3A = tpu.vector_load_idx %arg10[%get3A_159] : memref<50000xi32, #tpu.memory_space<vmem>>[vector<16xi32>], vector<16xi32>,
        %bitcast3A = vector.bitcast %gather3A : vector<16xi32> to vector<16xf32>
        %gather3A_162 = tpu.vector_load_idx %arg10[%get3A_161] : memref<50000xi32, #tpu.memory_space<vmem>>[vector<16xi32>], vector<16xi32>,
        %bitcast3A_163 = vector.bitcast %gather3A_162 : vector<16xi32> to vector<16xf32>
        %sub3A = arith.subf %bitcast3A_163, %bitcast3A : vector<16xf32>
        %get3A_164 = arith.index_cast %mul3A_158 : i32 to index
        %get3A_165 = tpu.vector_load %arg13[%get3A_164] {strides = array<i32>} : memref<12800xf32, #tpu.memory_space<vmem>>, vector<16xf32>,
        %mul3A_166 = arith.mulf %sub3A, %sub3A : vector<16xf32>
        %add3A_167 = arith.addf %get3A_165, %mul3A_166 : vector<16xf32>
        %swap3A = arith.index_cast %mul3A_158 : i32 to index
        %swap3A_168 = tpu.vector_load %arg13[%swap3A] {strides = array<i32>} : memref<12800xf32, #tpu.memory_space<vmem>>, vector<16xf32>,
        tpu.vector_store %arg13[%swap3A], %add3A_167 {strides = array<i32>} : memref<12800xf32, #tpu.memory_space<vmem>>, vector<16xf32>,
      }
      %scan3A_145 = arith.constant 800 : i32
      %mul3A_146 = arith.constant 150000 : i32
      %mul3A_147 = arith.muli %arg0, %mul3A_146 : i32
      %add3A_148 = arith.constant 100000 : i32
      %add3A_149 = arith.addi %mul3A_147, %add3A_148 : i32
      "tpu.region"() ({
        %run_scoped3A = tpu.sem_alloc : memref<!tpu.dma_semaphore, #tpu.memory_space<semaphore_mem>>
        %dma_start3A = tpu.memref_slice %arg9[%add3A_149] : memref<300000xi32, #tpu.memory_space<hbm>> -> memref<50000xi32, #tpu.memory_space<hbm>>
        %dma_start3A_156 = tpu.memref_slice %arg9[%add3A_149] : memref<300000xi32, #tpu.memory_space<hbm>> -> memref<50000xi32, #tpu.memory_space<hbm>>
        tpu.enqueue_dma source(%dma_start3A_156 : memref<50000xi32, #tpu.memory_space<hbm>>) target(%arg10 : memref<50000xi32, #tpu.memory_space<vmem>>) target_semaphore(%run_scoped3A : memref<!tpu.dma_semaphore, #tpu.memory_space<semaphore_mem>>)
        %dma_wait3A = tpu.memref_slice %arg9[%add3A_149] : memref<300000xi32, #tpu.memory_space<hbm>> -> memref<50000xi32, #tpu.memory_space<hbm>>
        %dma_wait3A_157 = tpu.memref_slice %arg9[%add3A_149] : memref<300000xi32, #tpu.memory_space<hbm>> -> memref<50000xi32, #tpu.memory_space<hbm>>
        tpu.wait_dma2 semaphore(%run_scoped3A : memref<!tpu.dma_semaphore, #tpu.memory_space<semaphore_mem>>) src(%dma_wait3A_157 : memref<50000xi32, #tpu.memory_space<hbm>>) dst(%arg10 : memref<50000xi32, #tpu.memory_space<vmem>>)
        tpu.yield
      }) : () -> ()
      %scan3A_150 = arith.constant 0 : i32
      %scan3A_151 = arith.constant 0 : i32
      %scan3A_152 = arith.constant 800 : i32
      %scan3A_153 = arith.addi %scan3A_151, %scan3A_152 : i32
      %scan3A_154 = arith.constant 1 : i32
      scf.for %scan3A_156 = %scan3A_151 to %scan3A_153 step %scan3A_154  : i32 {
        %mul3A_157 = arith.constant 16 : i32
        %mul3A_158 = arith.muli %scan3A_156, %mul3A_157 : i32
        %get3A = arith.index_cast %mul3A_158 : i32 to index
        %get3A_159 = tpu.vector_load %arg11[%get3A] {strides = array<i32>} : memref<12800xi32, #tpu.memory_space<vmem>>, vector<16xi32>,
        %get3A_160 = arith.index_cast %mul3A_158 : i32 to index
        %get3A_161 = tpu.vector_load %arg12[%get3A_160] {strides = array<i32>} : memref<12800xi32, #tpu.memory_space<vmem>>, vector<16xi32>,
        %gather3A = tpu.vector_load_idx %arg10[%get3A_159] : memref<50000xi32, #tpu.memory_space<vmem>>[vector<16xi32>], vector<16xi32>,
        %bitcast3A = vector.bitcast %gather3A : vector<16xi32> to vector<16xf32>
        %gather3A_162 = tpu.vector_load_idx %arg10[%get3A_161] : memref<50000xi32, #tpu.memory_space<vmem>>[vector<16xi32>], vector<16xi32>,
        %bitcast3A_163 = vector.bitcast %gather3A_162 : vector<16xi32> to vector<16xf32>
        %sub3A = arith.subf %bitcast3A_163, %bitcast3A : vector<16xf32>
        %get3A_164 = arith.index_cast %mul3A_158 : i32 to index
        %get3A_165 = tpu.vector_load %arg13[%get3A_164] {strides = array<i32>} : memref<12800xf32, #tpu.memory_space<vmem>>, vector<16xf32>,
        %mul3A_166 = arith.mulf %sub3A, %sub3A : vector<16xf32>
        %add3A_167 = arith.addf %get3A_165, %mul3A_166 : vector<16xf32>
        %swap3A = arith.index_cast %mul3A_158 : i32 to index
        %swap3A_168 = tpu.vector_load %arg13[%swap3A] {strides = array<i32>} : memref<12800xf32, #tpu.memory_space<vmem>>, vector<16xf32>,
        tpu.vector_store %arg13[%swap3A], %add3A_167 {strides = array<i32>} : memref<12800xf32, #tpu.memory_space<vmem>>, vector<16xf32>,
      }
      %scan3A_155 = arith.constant 800 : i32
      "tpu.region"() ({
        %run_scoped3A = tpu.sem_alloc : memref<!tpu.dma_semaphore, #tpu.memory_space<semaphore_mem>>
        %dma_start3A = arith.constant 0 : i32
        %dma_start3A_156 = tpu.memref_slice %arg13[%dma_start3A] : memref<12800xf32, #tpu.memory_space<vmem>> -> memref<12800xf32, #tpu.memory_space<vmem>>
        %dma_start3A_157 = tpu.memref_slice %arg8[%add3A_125] : memref<800000xf32, #tpu.memory_space<hbm>> -> memref<12800xf32, #tpu.memory_space<hbm>>
        %dma_start3A_158 = tpu.memref_slice %arg8[%add3A_125] : memref<800000xf32, #tpu.memory_space<hbm>> -> memref<12800xf32, #tpu.memory_space<hbm>>
        %dma_start3A_159 = arith.constant 0 : i32
        %dma_start3A_160 = tpu.memref_slice %arg13[%dma_start3A_159] : memref<12800xf32, #tpu.memory_space<vmem>> -> memref<12800xf32, #tpu.memory_space<vmem>>
        tpu.enqueue_dma source(%dma_start3A_160 : memref<12800xf32, #tpu.memory_space<vmem>>) target(%dma_start3A_158 : memref<12800xf32, #tpu.memory_space<hbm>>) target_semaphore(%run_scoped3A : memref<!tpu.dma_semaphore, #tpu.memory_space<semaphore_mem>>)
        %dma_wait3A = arith.constant 0 : i32
        %dma_wait3A_161 = tpu.memref_slice %arg13[%dma_wait3A] : memref<12800xf32, #tpu.memory_space<vmem>> -> memref<12800xf32, #tpu.memory_space<vmem>>
        %dma_wait3A_162 = tpu.memref_slice %arg8[%add3A_125] : memref<800000xf32, #tpu.memory_space<hbm>> -> memref<12800xf32, #tpu.memory_space<hbm>>
        %dma_wait3A_163 = tpu.memref_slice %arg8[%add3A_125] : memref<800000xf32, #tpu.memory_space<hbm>> -> memref<12800xf32, #tpu.memory_space<hbm>>
        %dma_wait3A_164 = arith.constant 0 : i32
        %dma_wait3A_165 = tpu.memref_slice %arg13[%dma_wait3A_164] : memref<12800xf32, #tpu.memory_space<vmem>> -> memref<12800xf32, #tpu.memory_space<vmem>>
        tpu.wait_dma2 semaphore(%run_scoped3A : memref<!tpu.dma_semaphore, #tpu.memory_space<semaphore_mem>>) src(%dma_wait3A_165 : memref<12800xf32, #tpu.memory_space<vmem>>) dst(%dma_wait3A_163 : memref<12800xf32, #tpu.memory_space<hbm>>)
        tpu.yield
      }) : () -> ()
    } else {
    }
    %eq3A_86 = arith.constant 31 : i32
    %eq3A_87 = arith.cmpi eq, %add3A, %eq3A_86 : i32
    %convert_element_type3A_88 = arith.extui %eq3A_87 : i1 to i32
    %cond3A_89 = arith.constant 0 : i32
    %cond3A_90 = arith.cmpi ne, %convert_element_type3A_88, %cond3A_89 : i32
    scf.if %cond3A_90 {
      "tpu.region"() ({
        %run_scoped3A = tpu.sem_alloc : memref<!tpu.dma_semaphore, #tpu.memory_space<semaphore_mem>>
        %dma_start3A = arith.constant 0 : i32
        %dma_start3A_120 = tpu.memref_slice %arg11[%dma_start3A] : memref<12800xi32, #tpu.memory_space<vmem>> -> memref<6400xi32, #tpu.memory_space<vmem>>
        %dma_start3A_121 = arith.constant 793600 : i32
        %dma_start3A_122 = tpu.memref_slice %arg4[%dma_start3A_121] : memref<800000xi32, #tpu.memory_space<hbm>> -> memref<6400xi32, #tpu.memory_space<hbm>>
        %dma_start3A_123 = arith.constant 0 : i32
        %dma_start3A_124 = tpu.memref_slice %arg11[%dma_start3A_123] : memref<12800xi32, #tpu.memory_space<vmem>> -> memref<6400xi32, #tpu.memory_space<vmem>>
        %dma_start3A_125 = arith.constant 793600 : i32
        %dma_start3A_126 = tpu.memref_slice %arg4[%dma_start3A_125] : memref<800000xi32, #tpu.memory_space<hbm>> -> memref<6400xi32, #tpu.memory_space<hbm>>
        tpu.enqueue_dma source(%dma_start3A_126 : memref<6400xi32, #tpu.memory_space<hbm>>) target(%dma_start3A_124 : memref<6400xi32, #tpu.memory_space<vmem>>) target_semaphore(%run_scoped3A : memref<!tpu.dma_semaphore, #tpu.memory_space<semaphore_mem>>)
        %dma_wait3A = arith.constant 0 : i32
        %dma_wait3A_127 = tpu.memref_slice %arg11[%dma_wait3A] : memref<12800xi32, #tpu.memory_space<vmem>> -> memref<6400xi32, #tpu.memory_space<vmem>>
        %dma_wait3A_128 = arith.constant 793600 : i32
        %dma_wait3A_129 = tpu.memref_slice %arg4[%dma_wait3A_128] : memref<800000xi32, #tpu.memory_space<hbm>> -> memref<6400xi32, #tpu.memory_space<hbm>>
        %dma_wait3A_130 = arith.constant 0 : i32
        %dma_wait3A_131 = tpu.memref_slice %arg11[%dma_wait3A_130] : memref<12800xi32, #tpu.memory_space<vmem>> -> memref<6400xi32, #tpu.memory_space<vmem>>
        %dma_wait3A_132 = arith.constant 793600 : i32
        %dma_wait3A_133 = tpu.memref_slice %arg4[%dma_wait3A_132] : memref<800000xi32, #tpu.memory_space<hbm>> -> memref<6400xi32, #tpu.memory_space<hbm>>
        tpu.wait_dma2 semaphore(%run_scoped3A : memref<!tpu.dma_semaphore, #tpu.memory_space<semaphore_mem>>) src(%dma_wait3A_133 : memref<6400xi32, #tpu.memory_space<hbm>>) dst(%dma_wait3A_131 : memref<6400xi32, #tpu.memory_space<vmem>>)
        tpu.yield
      }) : () -> ()
      "tpu.region"() ({
        %run_scoped3A = tpu.sem_alloc : memref<!tpu.dma_semaphore, #tpu.memory_space<semaphore_mem>>
        %dma_start3A = arith.constant 0 : i32
        %dma_start3A_120 = tpu.memref_slice %arg12[%dma_start3A] : memref<12800xi32, #tpu.memory_space<vmem>> -> memref<6400xi32, #tpu.memory_space<vmem>>
        %dma_start3A_121 = arith.constant 793600 : i32
        %dma_start3A_122 = tpu.memref_slice %arg5[%dma_start3A_121] : memref<800000xi32, #tpu.memory_space<hbm>> -> memref<6400xi32, #tpu.memory_space<hbm>>
        %dma_start3A_123 = arith.constant 0 : i32
        %dma_start3A_124 = tpu.memref_slice %arg12[%dma_start3A_123] : memref<12800xi32, #tpu.memory_space<vmem>> -> memref<6400xi32, #tpu.memory_space<vmem>>
        %dma_start3A_125 = arith.constant 793600 : i32
        %dma_start3A_126 = tpu.memref_slice %arg5[%dma_start3A_125] : memref<800000xi32, #tpu.memory_space<hbm>> -> memref<6400xi32, #tpu.memory_space<hbm>>
        tpu.enqueue_dma source(%dma_start3A_126 : memref<6400xi32, #tpu.memory_space<hbm>>) target(%dma_start3A_124 : memref<6400xi32, #tpu.memory_space<vmem>>) target_semaphore(%run_scoped3A : memref<!tpu.dma_semaphore, #tpu.memory_space<semaphore_mem>>)
        %dma_wait3A = arith.constant 0 : i32
        %dma_wait3A_127 = tpu.memref_slice %arg12[%dma_wait3A] : memref<12800xi32, #tpu.memory_space<vmem>> -> memref<6400xi32, #tpu.memory_space<vmem>>
        %dma_wait3A_128 = arith.constant 793600 : i32
        %dma_wait3A_129 = tpu.memref_slice %arg5[%dma_wait3A_128] : memref<800000xi32, #tpu.memory_space<hbm>> -> memref<6400xi32, #tpu.memory_space<hbm>>
        %dma_wait3A_130 = arith.constant 0 : i32
        %dma_wait3A_131 = tpu.memref_slice %arg12[%dma_wait3A_130] : memref<12800xi32, #tpu.memory_space<vmem>> -> memref<6400xi32, #tpu.memory_space<vmem>>
        %dma_wait3A_132 = arith.constant 793600 : i32
        %dma_wait3A_133 = tpu.memref_slice %arg5[%dma_wait3A_132] : memref<800000xi32, #tpu.memory_space<hbm>> -> memref<6400xi32, #tpu.memory_space<hbm>>
        tpu.wait_dma2 semaphore(%run_scoped3A : memref<!tpu.dma_semaphore, #tpu.memory_space<semaphore_mem>>) src(%dma_wait3A_133 : memref<6400xi32, #tpu.memory_space<hbm>>) dst(%dma_wait3A_131 : memref<6400xi32, #tpu.memory_space<vmem>>)
        tpu.yield
      }) : () -> ()
      %mul3A_91 = arith.constant 150000 : i32
      %mul3A_92 = arith.muli %arg0, %mul3A_91 : i32
      %add3A_93 = arith.constant 0 : i32
      %add3A_94 = arith.addi %mul3A_92, %add3A_93 : i32
      "tpu.region"() ({
        %run_scoped3A = tpu.sem_alloc : memref<!tpu.dma_semaphore, #tpu.memory_space<semaphore_mem>>
        %dma_start3A = tpu.memref_slice %arg9[%add3A_94] : memref<300000xi32, #tpu.memory_space<hbm>> -> memref<50000xi32, #tpu.memory_space<hbm>>
        %dma_start3A_120 = tpu.memref_slice %arg9[%add3A_94] : memref<300000xi32, #tpu.memory_space<hbm>> -> memref<50000xi32, #tpu.memory_space<hbm>>
        tpu.enqueue_dma source(%dma_start3A_120 : memref<50000xi32, #tpu.memory_space<hbm>>) target(%arg10 : memref<50000xi32, #tpu.memory_space<vmem>>) target_semaphore(%run_scoped3A : memref<!tpu.dma_semaphore, #tpu.memory_space<semaphore_mem>>)
        %dma_wait3A = tpu.memref_slice %arg9[%add3A_94] : memref<300000xi32, #tpu.memory_space<hbm>> -> memref<50000xi32, #tpu.memory_space<hbm>>
        %dma_wait3A_121 = tpu.memref_slice %arg9[%add3A_94] : memref<300000xi32, #tpu.memory_space<hbm>> -> memref<50000xi32, #tpu.memory_space<hbm>>
        tpu.wait_dma2 semaphore(%run_scoped3A : memref<!tpu.dma_semaphore, #tpu.memory_space<semaphore_mem>>) src(%dma_wait3A_121 : memref<50000xi32, #tpu.memory_space<hbm>>) dst(%arg10 : memref<50000xi32, #tpu.memory_space<vmem>>)
        tpu.yield
      }) : () -> ()
      %scan3A = arith.constant 0 : i32
      %scan3A_95 = arith.constant 0 : i32
      %scan3A_96 = arith.constant 400 : i32
      %scan3A_97 = arith.addi %scan3A_95, %scan3A_96 : i32
      %scan3A_98 = arith.constant 1 : i32
      scf.for %scan3A_120 = %scan3A_95 to %scan3A_97 step %scan3A_98  : i32 {
        %mul3A_121 = arith.constant 16 : i32
        %mul3A_122 = arith.muli %scan3A_120, %mul3A_121 : i32
        %get3A = arith.index_cast %mul3A_122 : i32 to index
        %get3A_123 = tpu.vector_load %arg11[%get3A] {strides = array<i32>} : memref<12800xi32, #tpu.memory_space<vmem>>, vector<16xi32>,
        %get3A_124 = arith.index_cast %mul3A_122 : i32 to index
        %get3A_125 = tpu.vector_load %arg12[%get3A_124] {strides = array<i32>} : memref<12800xi32, #tpu.memory_space<vmem>>, vector<16xi32>,
        %gather3A = tpu.vector_load_idx %arg10[%get3A_123] : memref<50000xi32, #tpu.memory_space<vmem>>[vector<16xi32>], vector<16xi32>,
        %bitcast3A = vector.bitcast %gather3A : vector<16xi32> to vector<16xf32>
        %gather3A_126 = tpu.vector_load_idx %arg10[%get3A_125] : memref<50000xi32, #tpu.memory_space<vmem>>[vector<16xi32>], vector<16xi32>,
        %bitcast3A_127 = vector.bitcast %gather3A_126 : vector<16xi32> to vector<16xf32>
        %sub3A = arith.subf %bitcast3A_127, %bitcast3A : vector<16xf32>
        %mul3A_128 = arith.mulf %sub3A, %sub3A : vector<16xf32>
        %swap3A = arith.index_cast %mul3A_122 : i32 to index
        %swap3A_129 = tpu.vector_load %arg13[%swap3A] {strides = array<i32>} : memref<12800xf32, #tpu.memory_space<vmem>>, vector<16xf32>,
        tpu.vector_store %arg13[%swap3A], %mul3A_128 {strides = array<i32>} : memref<12800xf32, #tpu.memory_space<vmem>>, vector<16xf32>,
      }
      %scan3A_99 = arith.constant 400 : i32
      %mul3A_100 = arith.constant 150000 : i32
      %mul3A_101 = arith.muli %arg0, %mul3A_100 : i32
      %add3A_102 = arith.constant 50000 : i32
      %add3A_103 = arith.addi %mul3A_101, %add3A_102 : i32
      "tpu.region"() ({
        %run_scoped3A = tpu.sem_alloc : memref<!tpu.dma_semaphore, #tpu.memory_space<semaphore_mem>>
        %dma_start3A = tpu.memref_slice %arg9[%add3A_103] : memref<300000xi32, #tpu.memory_space<hbm>> -> memref<50000xi32, #tpu.memory_space<hbm>>
        %dma_start3A_120 = tpu.memref_slice %arg9[%add3A_103] : memref<300000xi32, #tpu.memory_space<hbm>> -> memref<50000xi32, #tpu.memory_space<hbm>>
        tpu.enqueue_dma source(%dma_start3A_120 : memref<50000xi32, #tpu.memory_space<hbm>>) target(%arg10 : memref<50000xi32, #tpu.memory_space<vmem>>) target_semaphore(%run_scoped3A : memref<!tpu.dma_semaphore, #tpu.memory_space<semaphore_mem>>)
        %dma_wait3A = tpu.memref_slice %arg9[%add3A_103] : memref<300000xi32, #tpu.memory_space<hbm>> -> memref<50000xi32, #tpu.memory_space<hbm>>
        %dma_wait3A_121 = tpu.memref_slice %arg9[%add3A_103] : memref<300000xi32, #tpu.memory_space<hbm>> -> memref<50000xi32, #tpu.memory_space<hbm>>
        tpu.wait_dma2 semaphore(%run_scoped3A : memref<!tpu.dma_semaphore, #tpu.memory_space<semaphore_mem>>) src(%dma_wait3A_121 : memref<50000xi32, #tpu.memory_space<hbm>>) dst(%arg10 : memref<50000xi32, #tpu.memory_space<vmem>>)
        tpu.yield
      }) : () -> ()
      %scan3A_104 = arith.constant 0 : i32
      %scan3A_105 = arith.constant 0 : i32
      %scan3A_106 = arith.constant 400 : i32
      %scan3A_107 = arith.addi %scan3A_105, %scan3A_106 : i32
      %scan3A_108 = arith.constant 1 : i32
      scf.for %scan3A_120 = %scan3A_105 to %scan3A_107 step %scan3A_108  : i32 {
        %mul3A_121 = arith.constant 16 : i32
        %mul3A_122 = arith.muli %scan3A_120, %mul3A_121 : i32
        %get3A = arith.index_cast %mul3A_122 : i32 to index
        %get3A_123 = tpu.vector_load %arg11[%get3A] {strides = array<i32>} : memref<12800xi32, #tpu.memory_space<vmem>>, vector<16xi32>,
        %get3A_124 = arith.index_cast %mul3A_122 : i32 to index
        %get3A_125 = tpu.vector_load %arg12[%get3A_124] {strides = array<i32>} : memref<12800xi32, #tpu.memory_space<vmem>>, vector<16xi32>,
        %gather3A = tpu.vector_load_idx %arg10[%get3A_123] : memref<50000xi32, #tpu.memory_space<vmem>>[vector<16xi32>], vector<16xi32>,
        %bitcast3A = vector.bitcast %gather3A : vector<16xi32> to vector<16xf32>
        %gather3A_126 = tpu.vector_load_idx %arg10[%get3A_125] : memref<50000xi32, #tpu.memory_space<vmem>>[vector<16xi32>], vector<16xi32>,
        %bitcast3A_127 = vector.bitcast %gather3A_126 : vector<16xi32> to vector<16xf32>
        %sub3A = arith.subf %bitcast3A_127, %bitcast3A : vector<16xf32>
        %get3A_128 = arith.index_cast %mul3A_122 : i32 to index
        %get3A_129 = tpu.vector_load %arg13[%get3A_128] {strides = array<i32>} : memref<12800xf32, #tpu.memory_space<vmem>>, vector<16xf32>,
        %mul3A_130 = arith.mulf %sub3A, %sub3A : vector<16xf32>
        %add3A_131 = arith.addf %get3A_129, %mul3A_130 : vector<16xf32>
        %swap3A = arith.index_cast %mul3A_122 : i32 to index
        %swap3A_132 = tpu.vector_load %arg13[%swap3A] {strides = array<i32>} : memref<12800xf32, #tpu.memory_space<vmem>>, vector<16xf32>,
        tpu.vector_store %arg13[%swap3A], %add3A_131 {strides = array<i32>} : memref<12800xf32, #tpu.memory_space<vmem>>, vector<16xf32>,
      }
      %scan3A_109 = arith.constant 400 : i32
      %mul3A_110 = arith.constant 150000 : i32
      %mul3A_111 = arith.muli %arg0, %mul3A_110 : i32
      %add3A_112 = arith.constant 100000 : i32
      %add3A_113 = arith.addi %mul3A_111, %add3A_112 : i32
      "tpu.region"() ({
        %run_scoped3A = tpu.sem_alloc : memref<!tpu.dma_semaphore, #tpu.memory_space<semaphore_mem>>
        %dma_start3A = tpu.memref_slice %arg9[%add3A_113] : memref<300000xi32, #tpu.memory_space<hbm>> -> memref<50000xi32, #tpu.memory_space<hbm>>
        %dma_start3A_120 = tpu.memref_slice %arg9[%add3A_113] : memref<300000xi32, #tpu.memory_space<hbm>> -> memref<50000xi32, #tpu.memory_space<hbm>>
        tpu.enqueue_dma source(%dma_start3A_120 : memref<50000xi32, #tpu.memory_space<hbm>>) target(%arg10 : memref<50000xi32, #tpu.memory_space<vmem>>) target_semaphore(%run_scoped3A : memref<!tpu.dma_semaphore, #tpu.memory_space<semaphore_mem>>)
        %dma_wait3A = tpu.memref_slice %arg9[%add3A_113] : memref<300000xi32, #tpu.memory_space<hbm>> -> memref<50000xi32, #tpu.memory_space<hbm>>
        %dma_wait3A_121 = tpu.memref_slice %arg9[%add3A_113] : memref<300000xi32, #tpu.memory_space<hbm>> -> memref<50000xi32, #tpu.memory_space<hbm>>
        tpu.wait_dma2 semaphore(%run_scoped3A : memref<!tpu.dma_semaphore, #tpu.memory_space<semaphore_mem>>) src(%dma_wait3A_121 : memref<50000xi32, #tpu.memory_space<hbm>>) dst(%arg10 : memref<50000xi32, #tpu.memory_space<vmem>>)
        tpu.yield
      }) : () -> ()
      %scan3A_114 = arith.constant 0 : i32
      %scan3A_115 = arith.constant 0 : i32
      %scan3A_116 = arith.constant 400 : i32
      %scan3A_117 = arith.addi %scan3A_115, %scan3A_116 : i32
      %scan3A_118 = arith.constant 1 : i32
      scf.for %scan3A_120 = %scan3A_115 to %scan3A_117 step %scan3A_118  : i32 {
        %mul3A_121 = arith.constant 16 : i32
        %mul3A_122 = arith.muli %scan3A_120, %mul3A_121 : i32
        %get3A = arith.index_cast %mul3A_122 : i32 to index
        %get3A_123 = tpu.vector_load %arg11[%get3A] {strides = array<i32>} : memref<12800xi32, #tpu.memory_space<vmem>>, vector<16xi32>,
        %get3A_124 = arith.index_cast %mul3A_122 : i32 to index
        %get3A_125 = tpu.vector_load %arg12[%get3A_124] {strides = array<i32>} : memref<12800xi32, #tpu.memory_space<vmem>>, vector<16xi32>,
        %gather3A = tpu.vector_load_idx %arg10[%get3A_123] : memref<50000xi32, #tpu.memory_space<vmem>>[vector<16xi32>], vector<16xi32>,
        %bitcast3A = vector.bitcast %gather3A : vector<16xi32> to vector<16xf32>
        %gather3A_126 = tpu.vector_load_idx %arg10[%get3A_125] : memref<50000xi32, #tpu.memory_space<vmem>>[vector<16xi32>], vector<16xi32>,
        %bitcast3A_127 = vector.bitcast %gather3A_126 : vector<16xi32> to vector<16xf32>
        %sub3A = arith.subf %bitcast3A_127, %bitcast3A : vector<16xf32>
        %get3A_128 = arith.index_cast %mul3A_122 : i32 to index
        %get3A_129 = tpu.vector_load %arg13[%get3A_128] {strides = array<i32>} : memref<12800xf32, #tpu.memory_space<vmem>>, vector<16xf32>,
        %mul3A_130 = arith.mulf %sub3A, %sub3A : vector<16xf32>
        %add3A_131 = arith.addf %get3A_129, %mul3A_130 : vector<16xf32>
        %swap3A = arith.index_cast %mul3A_122 : i32 to index
        %swap3A_132 = tpu.vector_load %arg13[%swap3A] {strides = array<i32>} : memref<12800xf32, #tpu.memory_space<vmem>>, vector<16xf32>,
        tpu.vector_store %arg13[%swap3A], %add3A_131 {strides = array<i32>} : memref<12800xf32, #tpu.memory_space<vmem>>, vector<16xf32>,
      }
      %scan3A_119 = arith.constant 400 : i32
      "tpu.region"() ({
        %run_scoped3A = tpu.sem_alloc : memref<!tpu.dma_semaphore, #tpu.memory_space<semaphore_mem>>
        %dma_start3A = arith.constant 0 : i32
        %dma_start3A_120 = tpu.memref_slice %arg13[%dma_start3A] : memref<12800xf32, #tpu.memory_space<vmem>> -> memref<6400xf32, #tpu.memory_space<vmem>>
        %dma_start3A_121 = arith.constant 793600 : i32
        %dma_start3A_122 = tpu.memref_slice %arg8[%dma_start3A_121] : memref<800000xf32, #tpu.memory_space<hbm>> -> memref<6400xf32, #tpu.memory_space<hbm>>
        %dma_start3A_123 = arith.constant 793600 : i32
        %dma_start3A_124 = tpu.memref_slice %arg8[%dma_start3A_123] : memref<800000xf32, #tpu.memory_space<hbm>> -> memref<6400xf32, #tpu.memory_space<hbm>>
        %dma_start3A_125 = arith.constant 0 : i32
        %dma_start3A_126 = tpu.memref_slice %arg13[%dma_start3A_125] : memref<12800xf32, #tpu.memory_space<vmem>> -> memref<6400xf32, #tpu.memory_space<vmem>>
        tpu.enqueue_dma source(%dma_start3A_126 : memref<6400xf32, #tpu.memory_space<vmem>>) target(%dma_start3A_124 : memref<6400xf32, #tpu.memory_space<hbm>>) target_semaphore(%run_scoped3A : memref<!tpu.dma_semaphore, #tpu.memory_space<semaphore_mem>>)
        %dma_wait3A = arith.constant 0 : i32
        %dma_wait3A_127 = tpu.memref_slice %arg13[%dma_wait3A] : memref<12800xf32, #tpu.memory_space<vmem>> -> memref<6400xf32, #tpu.memory_space<vmem>>
        %dma_wait3A_128 = arith.constant 793600 : i32
        %dma_wait3A_129 = tpu.memref_slice %arg8[%dma_wait3A_128] : memref<800000xf32, #tpu.memory_space<hbm>> -> memref<6400xf32, #tpu.memory_space<hbm>>
        %dma_wait3A_130 = arith.constant 793600 : i32
        %dma_wait3A_131 = tpu.memref_slice %arg8[%dma_wait3A_130] : memref<800000xf32, #tpu.memory_space<hbm>> -> memref<6400xf32, #tpu.memory_space<hbm>>
        %dma_wait3A_132 = arith.constant 0 : i32
        %dma_wait3A_133 = tpu.memref_slice %arg13[%dma_wait3A_132] : memref<12800xf32, #tpu.memory_space<vmem>> -> memref<6400xf32, #tpu.memory_space<vmem>>
        tpu.wait_dma2 semaphore(%run_scoped3A : memref<!tpu.dma_semaphore, #tpu.memory_space<semaphore_mem>>) src(%dma_wait3A_133 : memref<6400xf32, #tpu.memory_space<vmem>>) dst(%dma_wait3A_131 : memref<6400xf32, #tpu.memory_space<hbm>>)
        tpu.yield
      }) : () -> ()
    } else {
    }
    return
  }
}

module attributes {stable_mosaic.version = 14 : i64} {
  func.func @_dist_body(%arg0: i32, %arg1: memref<1600x128xf32, #tpu.memory_space<vmem>>, %arg2: memref<1600x128xf32, #tpu.memory_space<vmem>>, %arg3: memref<1600x128xf32, #tpu.memory_space<vmem>>) attributes {dimension_semantics = [#tpu.dimension_semantics<arbitrary>], iteration_bounds = array<i64: 4>, scalar_prefetch = 0 : i64, scratch_operands = 0 : i64, tpu.core_type = #tpu.core_type<tc>, window_params = [{transform_indices = @transform_0, window_bounds = array<i64: 1600, 128>}, {transform_indices = @transform_1, window_bounds = array<i64: 1600, 128>}, {transform_indices = @transform_2, window_bounds = array<i64: 1600, 128>}]} {
    %get3A = arith.constant 0 : index
    %get3A_0 = arith.constant 0 : index
    %get3A_1 = vector.load %arg1[%get3A, %get3A_0] : memref<1600x128xf32, #tpu.memory_space<vmem>>, vector<1600x128xf32>
    %add3A = arith.constant 9.99999996E-13 : f32
    %add3A_2 = vector.broadcast %add3A : f32 to vector<1600x128xf32>
    %add3A_3 = arith.addf %get3A_1, %add3A_2 : vector<1600x128xf32>
    %sqrt3A = math.sqrt %add3A_3 : vector<1600x128xf32>
    %mul3A = arith.constant 1.250000e-01 : f32
    %mul3A_4 = vector.broadcast %mul3A : f32 to vector<1600x128xf32>
    %mul3A_5 = arith.mulf %sqrt3A, %mul3A_4 : vector<1600x128xf32>
    %mul3A_6 = arith.mulf %mul3A_5, %mul3A_5 : vector<1600x128xf32>
    %mul3A_7 = arith.mulf %mul3A_6, %mul3A_5 : vector<1600x128xf32>
    %mul3A_8 = arith.mulf %mul3A_6, %mul3A_6 : vector<1600x128xf32>
    %mul3A_9 = arith.mulf %mul3A_8, %mul3A_5 : vector<1600x128xf32>
    %mul3A_10 = arith.constant 1.000000e+01 : f32
    %mul3A_11 = vector.broadcast %mul3A_10 : f32 to vector<1600x128xf32>
    %mul3A_12 = arith.mulf %mul3A_11, %mul3A_7 : vector<1600x128xf32>
    %sub3A = arith.constant 1.000000e+00 : f32
    %sub3A_13 = vector.broadcast %sub3A : f32 to vector<1600x128xf32>
    %sub3A_14 = arith.subf %sub3A_13, %mul3A_12 : vector<1600x128xf32>
    %mul3A_15 = arith.constant 1.500000e+01 : f32
    %mul3A_16 = vector.broadcast %mul3A_15 : f32 to vector<1600x128xf32>
    %mul3A_17 = arith.mulf %mul3A_16, %mul3A_8 : vector<1600x128xf32>
    %add3A_18 = arith.addf %sub3A_14, %mul3A_17 : vector<1600x128xf32>
    %mul3A_19 = arith.constant 6.000000e+00 : f32
    %mul3A_20 = vector.broadcast %mul3A_19 : f32 to vector<1600x128xf32>
    %mul3A_21 = arith.mulf %mul3A_20, %mul3A_9 : vector<1600x128xf32>
    %sub3A_22 = arith.subf %add3A_18, %mul3A_21 : vector<1600x128xf32>
    %lt3A = arith.constant 1.000000e+00 : f32
    %lt3A_23 = vector.broadcast %lt3A : f32 to vector<1600x128xf32>
    %lt3A_24 = arith.cmpf olt, %mul3A_5, %lt3A_23 : vector<1600x128xf32>
    %jit3A = arith.constant 0.000000e+00 : f32
    %broadcast_in_dim3A = vector.broadcast %jit3A : f32 to vector<1600x128xf32>
    %select_n3A = arith.select %lt3A_24, %sub3A_22, %broadcast_in_dim3A : vector<1600x128xi1>, vector<1600x128xf32>
    %swap3A = arith.constant 0 : index
    %swap3A_25 = arith.constant 0 : index
    %swap3A_26 = vector.load %arg3[%swap3A, %swap3A_25] : memref<1600x128xf32, #tpu.memory_space<vmem>>, vector<1600x128xf32>
    tpu.vector_store %arg3[%swap3A, %swap3A_25], %select_n3A {strides = array<i32>} : memref<1600x128xf32, #tpu.memory_space<vmem>>, vector<1600x128xf32>,
    %swap3A_27 = arith.constant 0 : index
    %swap3A_28 = arith.constant 0 : index
    %swap3A_29 = vector.load %arg2[%swap3A_27, %swap3A_28] : memref<1600x128xf32, #tpu.memory_space<vmem>>, vector<1600x128xf32>
    tpu.vector_store %arg2[%swap3A_27, %swap3A_28], %sqrt3A {strides = array<i32>} : memref<1600x128xf32, #tpu.memory_space<vmem>>, vector<1600x128xf32>,
    return
  }
  func.func @transform_0(%arg0: i32) -> (i32, i32) {
    %c0_i32 = arith.constant 0 : i32
    %c0_i32_0 = arith.constant 0 : i32
    return %arg0, %c0_i32 : i32, i32
  }
  func.func @transform_1(%arg0: i32) -> (i32, i32) {
    %c0_i32 = arith.constant 0 : i32
    %c0_i32_0 = arith.constant 0 : i32
    return %arg0, %c0_i32 : i32, i32
  }
  func.func @transform_2(%arg0: i32) -> (i32, i32) {
    %c0_i32 = arith.constant 0 : i32
    %c0_i32_0 = arith.constant 0 : i32
    return %arg0, %c0_i32 : i32, i32
  }
}

module attributes {stable_mosaic.version = 14 : i64} {
  func.func @_rbf_body(%arg0: i32, %arg1: memref<1x6400xf32, #tpu.memory_space<vmem>>, %arg2: memref<1x6400xf32, #tpu.memory_space<vmem>>, %arg3: memref<64x1xf32, #tpu.memory_space<vmem>>, %arg4: memref<64x1xf32, #tpu.memory_space<vmem>>, %arg5: memref<64x6400xf32, #tpu.memory_space<vmem>>) attributes {dimension_semantics = [#tpu.dimension_semantics<arbitrary>], iteration_bounds = array<i64: 125>, scalar_prefetch = 0 : i64, scratch_operands = 0 : i64, tpu.core_type = #tpu.core_type<tc>, window_params = [{transform_indices = @transform_0, window_bounds = array<i64: 1, 6400>}, {transform_indices = @transform_1, window_bounds = array<i64: 1, 6400>}, {pipeline_mode = #tpu.pipeline_mode<synchronous>, transform_indices = @transform_2, window_bounds = array<i64: 64, 1>}, {pipeline_mode = #tpu.pipeline_mode<synchronous>, transform_indices = @transform_3, window_bounds = array<i64: 64, 1>}, {transform_indices = @transform_4, window_bounds = array<i64: 64, 6400>}]} {
    %get3A = arith.constant 0 : index
    %get3A_0 = arith.constant 0 : index
    %get3A_1 = vector.load %arg3[%get3A, %get3A_0] : memref<64x1xf32, #tpu.memory_space<vmem>>, vector<64x1xf32>
    %broadcast_in_dim3A = vector.shape_cast %get3A_1 : vector<64x1xf32> to vector<64x1xf32>
    %broadcast_in_dim3A_2 = vector.broadcast %broadcast_in_dim3A : vector<64x1xf32> to vector<64x6400xf32>
    %get3A_3 = arith.constant 0 : index
    %get3A_4 = arith.constant 0 : index
    %get3A_5 = vector.load %arg4[%get3A_3, %get3A_4] : memref<64x1xf32, #tpu.memory_space<vmem>>, vector<64x1xf32>
    %broadcast_in_dim3A_6 = vector.shape_cast %get3A_5 : vector<64x1xf32> to vector<64x1xf32>
    %broadcast_in_dim3A_7 = vector.broadcast %broadcast_in_dim3A_6 : vector<64x1xf32> to vector<64x6400xf32>
    %get3A_8 = arith.constant 0 : index
    %get3A_9 = arith.constant 0 : index
    %get3A_10 = vector.load %arg1[%get3A_8, %get3A_9] : memref<1x6400xf32, #tpu.memory_space<vmem>>, vector<1x6400xf32>
    %sub3A = vector.broadcast %get3A_10 : vector<1x6400xf32> to vector<64x6400xf32>
    %sub3A_11 = arith.subf %sub3A, %broadcast_in_dim3A_2 : vector<64x6400xf32>
    %mul3A = arith.mulf %sub3A_11, %sub3A_11 : vector<64x6400xf32>
    %mul3A_12 = arith.mulf %mul3A, %broadcast_in_dim3A_7 : vector<64x6400xf32>
    %exp3A = math.exp %mul3A_12 : vector<64x6400xf32>
    %get3A_13 = arith.constant 0 : index
    %get3A_14 = arith.constant 0 : index
    %get3A_15 = vector.load %arg2[%get3A_13, %get3A_14] : memref<1x6400xf32, #tpu.memory_space<vmem>>, vector<1x6400xf32>
    %mul3A_16 = vector.broadcast %get3A_15 : vector<1x6400xf32> to vector<64x6400xf32>
    %mul3A_17 = arith.mulf %exp3A, %mul3A_16 : vector<64x6400xf32>
    %swap3A = arith.constant 0 : index
    %swap3A_18 = arith.constant 0 : index
    %swap3A_19 = vector.load %arg5[%swap3A, %swap3A_18] : memref<64x6400xf32, #tpu.memory_space<vmem>>, vector<64x6400xf32>
    tpu.vector_store %arg5[%swap3A, %swap3A_18], %mul3A_17 {strides = array<i32>} : memref<64x6400xf32, #tpu.memory_space<vmem>>, vector<64x6400xf32>,
    return
  }
  func.func @transform_0(%arg0: i32) -> (i32, i32) {
    %c0_i32 = arith.constant 0 : i32
    %c0_i32_0 = arith.constant 0 : i32
    return %c0_i32, %arg0 : i32, i32
  }
  func.func @transform_1(%arg0: i32) -> (i32, i32) {
    %c0_i32 = arith.constant 0 : i32
    %c0_i32_0 = arith.constant 0 : i32
    return %c0_i32, %arg0 : i32, i32
  }
  func.func @transform_2(%arg0: i32) -> (i32, i32) {
    %c0_i32 = arith.constant 0 : i32
    %c0_i32_0 = arith.constant 0 : i32
    %c0_i32_1 = arith.constant 0 : i32
    return %c0_i32, %c0_i32_0 : i32, i32
  }
  func.func @transform_3(%arg0: i32) -> (i32, i32) {
    %c0_i32 = arith.constant 0 : i32
    %c0_i32_0 = arith.constant 0 : i32
    %c0_i32_1 = arith.constant 0 : i32
    return %c0_i32, %c0_i32_0 : i32, i32
  }
  func.func @transform_4(%arg0: i32) -> (i32, i32) {
    %c0_i32 = arith.constant 0 : i32
    %c0_i32_0 = arith.constant 0 : i32
    return %c0_i32, %arg0 : i32, i32
  }
}

</mosaic_0001>

<sc_bundles>
// kernel: kernel.5.cloned.1.call-start
scs
__scs_entry_jumppad:
0x0: {  	(pc) =	sbr.rel $0x88, $3  }
0x1: {  	(tag) =	ssettag $0x0;
	lr =	simm.s32 $0x1  }
0x2: {  	[smem:$0x3F9A] =	sst lr;
	_ =	strace $0xD0000000  }
0x3: {  	_ = 	snop  }
0x4: {  	_ = 	snop  }
0x5: {  	_ = 	snop  }
0x6: {  	_ = 	snop  }
0x7: {  	_ = 	snop  }
__scs_overlays_trampoline_lowered:
0x8: {  	[smem:$0x3FA9] =	sst s0  }
0x9: {  	[smem:$0x3FAA] =	sst s1  }
0xa: {  	[smem:$0x3FAB] =	sst s2  }
0xb: {  	[smem:$0x3FAC] =	sst s3  }
0xc: {  	[smem:$0x3FAD] =	sst s4  }
0xd: {  	[smem:$0x3FAE] =	sst s5  }
0xe: {  	[smem:$0x3FAF] =	sst s6  }
0xf: {  	[smem:$0x3FB0] =	sst s7  }
0x10: {  	[smem:$0x3FB1] =	sst s8  }
0x11: {  	[smem:$0x3FB2] =	sst s9;
	s0 =	simm.s32 @!p0 $0x0  }
0x12: {  	s1 =	sld [smem:$0x3F98];
	s0 =	simm.s32 @p0 $0x1  }
0x13: {  	[smem:$0x3FB3] =	sst s0;
	s0 =	simm.s32 @!p1 $0x0  }
0x14: {  	s2 =	sld [smem:$0x3F97];
	s0 =	simm.s32 @p1 $0x1  }
0x15: {  	[smem:$0x3FB4] =	sst s0;
	s0 =	simm.s32 @!p2 $0x0  }
0x16: {  	s3 =	sld [smem:$0x3FDB];
	s0 =	simm.s32 @p2 $0x1  }
0x17: {  	s4 =	simm.s32 $0x1BF5;
	[smem:$0x3FB6] =	sst s0  }
0x18: {  	s0 =	sld [smem:$0x3F99];
	_ =	swait.ge [sflag:s4], $0x0  }
0x19: {  	s7 =	sld [smem:$0x3F9A]  }
0x1a: {  	s8 =	sadd.s32 $0xFFFFE003, lr  }
0x1b: {  	s9 =	sadd.s32 $0xFFFFFEF7, lr;
	s5 =	simm.s32 $0xFFFFFFFF;
	p2 =	slt.u32 s8, $0xFFFFF086  }
0x1c: {  	p1 =	slt.u32 s9, $0xF7A;
	s5 =	simm.s32 @!p2 $0x0  }
0x1d: {  	s5 =	simm.s32 @p1 $0x1;
	p0 =	seq.s32 s7, s2  }
0x1e: {  	s7 =	smul.u32 @!p0 $0xF7A, s2;
	p2 =	seq.s32 @!p0 s5, $0x0  }
0x1f: {  	s9 =	smul.u32 $0xF7A, s1;
	s8 =	simm.s32 @!p0 $0x1BF5;
	p2 =	por !p2, p0  }
0x20: {  	[sflag:s8] =	ssyncset.s32 @!p0 $0xFFFFF086;
	s6 =	sadd.s32 @!p0 s3, s7;
	s7 =	simm.s32 @!p0 $0x108  }
0x21: {  	s3 =	sadd.s32 s3, s9;
	s6 =	sadd.s32 @!p0 $0x88, s6;
	s7 =	simm.s32 @p2 $0x1082  }
0x22: {  	[simem:s7], [sflag:s8] =	dma.local @!p0 [hbm:s6], $0xF7A  }
0x23: {  	s9 =	sor.u32 $0xD0000000, s2;
	s6 =	simm.s32 $0x108;
	_ =	swait.ge @!p0 [sflag:s8], $0x0  }
0x24: {  	s3 =	sadd.s32 $0x88, s3;
	s6 =	simm.s32 @!p1 $0x1082;
	[sflag:s4] =	ssyncset.s32 $0xFFFFF086  }
0x25: {  	[simem:s6], [sflag:s4] =	dma.local [hbm:s3], $0xF7A  }
0x26: {  	[smem:$0x3F9A] =	sst s1;
	(tag) =	ssettag s2;
	_ =	strace s9  }
0x27: {  	s1 =	sld [smem:$0x3FAA]  }
0x28: {  	s2 =	sld [smem:$0x3FAB]  }
0x29: {  	s4 =	sld [smem:$0x3FAD]  }
0x2a: {  	p0 =	seq.s32 s5, $0x0;
	s5 =	sld [smem:$0x3FAE]  }
0x2b: {  	s6 =	sld [smem:$0x3FAF]  }
0x2c: {  	s7 =	sld [smem:$0x3FB0]  }
0x2d: {  	s3 =	simm.s32 $0x108;
	s8 =	sld [smem:$0x3FB1]  }
0x2e: {  	s3 =	simm.s32 @!p0 $0x1082;
	s9 =	sld [smem:$0x3FB2]  }
0x2f: {  	lr =	sadd.s32 s0, s3;
	s0 =	sld [smem:$0x3FA9]  }
0x30: {  	s3 =	sld [smem:$0x3FAC]  }
0x31: {  	[smem:$0x3FB5] =	sst s10  }
0x32: {  	s10 =	sld [smem:$0x3FB3];
	_ =	sdelay $0x3  }
0x33: {  	p0 =	seq.s32 s10, $0x1;
	s10 =	sld [smem:$0x3FB5];
	_ =	sdelay $0x3  }
0x34: {  	[smem:$0x3FB5] =	sst s10  }
0x35: {  	s10 =	sld [smem:$0x3FB4];
	_ =	sdelay $0x3  }
0x36: {  	p1 =	seq.s32 s10, $0x1;
	s10 =	sld [smem:$0x3FB5];
	_ =	sdelay $0x3  }
0x37: {  	[smem:$0x3FB5] =	sst s10  }
0x38: {  	s10 =	sld [smem:$0x3FB6]  }
0x39: {  	_ = 	snop;
	(pc) =	sbr.ind lr, $3  }
0x3a: {  	_ = 	snop  }
0x3b: {  	_ = 	snop  }
0x3c: {  	p2 =	seq.s32 s10, $0x1;
	s10 =	sld [smem:$0x3FB5]  }
0x3d: {  	_ =	shalt  }
0x3e: {  	_ =	shalt  }
0x3f: {  	_ =	shalt  }
0x40: {  	_ =	shalt  }
0x41: {  	_ =	shalt  }
0x42: {  	_ =	shalt  }
0x43: {  	_ =	shalt  }
0x44: {  	_ =	shalt  }
0x45: {  	_ =	shalt  }
0x46: {  	_ =	shalt  }
0x47: {  	_ =	shalt  }
0x48: {  	_ =	shalt  }
0x49: {  	_ =	shalt  }
0x4a: {  	_ =	shalt  }
0x4b: {  	_ =	shalt  }
0x4c: {  	_ =	shalt  }
0x4d: {  	_ =	shalt  }
0x4e: {  	_ =	shalt  }
0x4f: {  	_ =	shalt  }
0x50: {  	_ =	shalt  }
0x51: {  	_ =	shalt  }
0x52: {  	_ =	shalt  }
0x53: {  	_ =	shalt  }
0x54: {  	_ =	shalt  }
0x55: {  	_ =	shalt  }
0x56: {  	_ =	shalt  }
0x57: {  	_ =	shalt  }
0x58: {  	_ =	shalt  }
0x59: {  	_ =	shalt  }
0x5a: {  	_ =	shalt  }
0x5b: {  	_ =	shalt  }
0x5c: {  	_ =	shalt  }
0x5d: {  	_ =	shalt  }
0x5e: {  	_ =	shalt  }
0x5f: {  	_ =	shalt  }
0x60: {  	_ =	shalt  }
0x61: {  	_ =	shalt  }
0x62: {  	_ =	shalt  }
0x63: {  	_ =	shalt  }
0x64: {  	_ =	shalt  }
0x65: {  	_ =	shalt  }
0x66: {  	_ =	shalt  }
0x67: {  	_ =	shalt  }
0x68: {  	_ =	shalt  }
0x69: {  	_ =	shalt  }
0x6a: {  	_ =	shalt  }
0x6b: {  	_ =	shalt  }
0x6c: {  	_ =	shalt  }
0x6d: {  	_ =	shalt  }
0x6e: {  	_ =	shalt  }
0x6f: {  	_ =	shalt  }
0x70: {  	_ =	shalt  }
0x71: {  	_ =	shalt  }
0x72: {  	_ =	shalt  }
0x73: {  	_ =	shalt  }
0x74: {  	_ =	shalt  }
0x75: {  	_ =	shalt  }
0x76: {  	_ =	shalt  }
0x77: {  	_ =	shalt  }
0x78: {  	_ =	shalt  }
0x79: {  	_ =	shalt  }
0x7a: {  	_ =	shalt  }
0x7b: {  	_ =	shalt  }
0x7c: {  	_ =	shalt  }
0x7d: {  	_ =	shalt  }
0x7e: {  	_ =	shalt  }
0x7f: {  	_ =	shalt  }
0x80: {  	_ =	shalt  }
0x81: {  	_ =	shalt  }
0x82: {  	_ =	shalt  }
0x83: {  	_ =	shalt  }
0x84: {  	_ =	shalt  }
0x85: {  	_ =	shalt  }
0x86: {  	_ =	shalt  }
0x87: {  	_ =	shalt  }
.Lfunc_end0:
.L_simem_size_0:
called_computation_lowered:
.L_overlay_start_0:
0x88: {  	s2 =	sld [smem:$0x3FD9]  }
0x89: {  	s3 =	sld [smem:$0x3FFE];
	_ =	sdelay $0x1  }
0x8a: {  	s1 =	srdreg.scid  }
0x8b: {  	s0 =	sand.u32 $0x1, s1  }
0x8c: {  	s15 =	sshll.u32 s0, $0xA;
	s2 =	sadd.s32 s3, s2  }
0x8d: {  	s2 =	sadd.s32 s2, s15  }
0x8e: {  	[smem:$0x3FC1] =	sst s2  }
0x8f: {  	_ = 	snop  }
0x90: {  	s2 =	sld [smem:$0x3FC9]  }
0x91: {  	s16 =	sld [smem:$0x3FD0]  }
0x92: {  	s4 =	sld [smem:$0x3FC7]  }
0x93: {  	s5 =	sld [smem:$0x3FC6]  }
0x94: {  	s7 =	simm.s32 $0xA;
	s8 =	simm.s32 $0x10;
	s6 =	sld [smem:$0x3FC5]  }
0x95: {  	[smem:s8], [sflag:s7] =	dma.local [hbm:s16], $0x1  }
0x96: {  	_ =	swait.eq [sflag:s7], $0x1  }
0x97: {  	s17 =	sld [smem:$0x10]  }
0x98: {  	s18 =	sld [smem:$0x11];
	[sflag:s7] =	ssyncset.done $0x0  }
0x99: {  	s9 =	sld [smem:$0x12];
	[sflag:s7] =	ssyncadd.s32 $0xFFFFFFFF  }
0x9a: {  	s19 =	sld [smem:$0x13];
	(tm) =	ssettm $0x1  }
0x9b: {  	s10 =	sld [smem:$0x3FFB];
	_ =	sdelay $0x3  }
0x9c: {  	_ =	strace s10  }
0x9d: {  	s10 =	sld [smem:$0x3FFC];
	_ =	sdelay $0x3  }
0x9e: {  	_ =	strace s10  }
0x9f: {  	s10 =	sld [smem:$0x3FFD];
	_ =	sdelay $0x3  }
0xa0: {  	_ =	strace s10  }
0xa1: {  	_ =	strace $0x8FFFFFFF  }
0xa2: {  	s20 =	sld [smem:$0x3FDB];
	_ =	sdelay $0x1  }
0xa3: {  	s11 =	simm.s32 $_scs_section_size  }
0xa4: {  	s12 =	simm.s32 $_size__tile_overlayer_lowered;
	s13 =	simm.s32 $_tile_overlayer_lowered  }
0xa5: {  	s23 =	simm.s32 $0x1BFF;
	s22 =	sshll.u32 s13, $0x1;
	s10 =	sadd.s32 s11, s20  }
0xa6: {  	s14 =	simm.s32 $0x0;
	s21 =	sshll.u32 s12, $0x1;
	s12 =	sadd.s32 s22, s10  }
0xa7: {  	[timem:s14], [sflag:s23] =	dma.local [hbm:s12], s21  }
0xa8: {  	_ =	swait.ge [sflag:s23], s21  }
0xa9: {  	s11 =	ssub.s32 $0x0, s21;
	[sflag:s23] =	ssyncset.done $0x0  }
0xaa: {  	[sflag:s23] =	ssyncadd.s32 s11;
	_ =	sdelay $0x1  }
0xab: {  	s24 =	simm.s32 $0x1B8B  }
0xac: {  	_ =	swait.ge [sflag:s24], $0x1  }
0xad: {  	[sflag:s24] =	ssyncset.done $0x0  }
0xae: {  	s25 =	simm.s32 $0x1B8E;
	[sflag:s24] =	ssyncadd.s32 $0xFFFFFFFF  }
0xaf: {  	s26 =	simm.s32 $execute0_lowered;
	[smem:$0x3FD2] =	sst s25  }
0xb0: {  	s11 =	sshll.u32 s26, $0x1;
	_ =	strace $0x80000046;
	[dreg:$0x1] =	wrdreg $0xFFFFFFFF  }
0xb1: {  	s28 =	simm.s32 $_size_execute0_lowered;
	s10 =	sadd.s32 s10, s11;
	[dreg:$0x0] =	wrdreg $0x0  }
0xb2: {  	s11 =	sshll.u32 s28, $0x1;
	[dreg:$0x2] =	wrdreg s10  }
0xb3: {  	[dreg:$0x3] =	wrdreg s11  }
0xb4: {  	[dreg:$0x4] =	wrdreg $0xC0  }
0xb5: {  	_ =	task [dreg:s14], $0x5FFFF  }
0xb6: {  	[dreg:$0x1] =	wrdreg $0xFFFFFFFF  }
0xb7: {  	[dreg:$0x0] =	wrdreg $0x60  }
0xb8: {  	[dreg:$0x2] =	wrdreg s2  }
0xb9: {  	[dreg:$0x3] =	wrdreg s19  }
0xba: {  	[dreg:$0x4] =	wrdreg s4  }
0xbb: {  	[dreg:$0x5] =	wrdreg s5  }
0xbc: {  	[dreg:$0x6] =	wrdreg s6  }
0xbd: {  	[dreg:$0x7] =	wrdreg s17  }
0xbe: {  	[dreg:$0x8] =	wrdreg s9  }
0xbf: {  	[dreg:$0x9] =	wrdreg s18  }
0xc0: {  	[dreg:$0xa] =	wrdreg $0x9  }
0xc1: {  	_ =	task.clear_ibuf [dreg:s14], $0xBFFFF;
	_ =	strace $0x90000046  }
0xc2: {  	s29 =	simm.s32 $0x9;
	_ =	strace $0x80000048  }
0xc3: {  	_ =	swait.ge [sflag:s29], $0x1  }
0xc4: {  	[sflag:s29] =	ssyncadd.s32 $0xFFFFFFFF  }
0xc5: {  	_ =	strace $0x90000048  }
0xc6: {  	_ =	sfence  }
0xc7: {  	s30 =	sld [smem:$0x0];
	_ =	sdelay $0x2  }
0xc8: {  	s31 =	sshll.u32 s1, $0xD;
	s1 =	sshrl.u32 s1, $0x2  }
0xc9: {  	s3 =	sand.u32 $0x4000, s31;
	s1 =	sadd.s32 s1, s30  }
0xca: {  	s0 =	sor.u32 s3, s0;
	s1 =	sshll.u32 s1, $0x11  }
0xcb: {  	s0 =	sor.u32 s1, s0  }
0xcc: {  	s0 =	sadd.s32 $0x8F2B, s0  }
0xcd: {  	[sflag:s0] =	ssyncadd.remote.s32 $0x1  }
0xce: {  	_ =	sfence.sel $0xFFFF  }
0xcf: {  	[dreg:$0x0] =	wrdreg $0xFFFFFFFF;
	(pc) =	sbr.abs _section_cstart, $3  }
0xd0: {  	[dreg:$0x1] =	wrdreg $0xFFFFFFFF  }
0xd1: {  	_ =	task.clear_ibuf [dreg:s14], $0x2FFFF;
	_ =	strace $0x9FFFFFFF  }
0xd2: {  	(tm) =	ssettm $0x7FFFFFFF  }
0xd3: {  	_ =	shalt  }
tec
execute0_lowered:
.L_overlay_start_1:
0x0: {  	(tag) =	ssettag $0x1  }
0x1: {  	s0 =	srdreg.scid;
	s28 =	stileid.u32  }
0x2: {  	s2 =	sand.u32 $0x1, s0;
	s18 =	sshll.u32 s28, $0x1;
	s4 =	smul.u32 $0xC40, s28  }
0x3: {  	s0 =	sor.u32 s2, s18;
	s3 =	smul.u32 $0x249F0, s2  }
0x4: {  	s5 =	smul.u32 $0x19, s0  }
0x5: {  	s7 =	smul.u32 $0xC80, s0;
	s8 =	sor.u32 $0x20, s0  }
0x6: {  	s9 =	smul.u32 $0x19, s8  }
0x7: {  	s6 =	rddreg [dreg:$0x0];
	s19 =	sor.u32 $0x40, s0;
	s11 =	smul.u32 $0xC80, s8  }
0x8: {  	s17 =	rddreg [dreg:$0x5];
	s1 =	simm.s32 $0x0;
	s12 =	smul.u32 $0x19, s19  }
0x9: {  	[smem:$0x7FF] =	sst s1;
	s20 =	sor.u32 $0x60, s0;
	s14 =	smul.u32 $0xC80, s19  }
0xa: {  	s2 =	ssub.s32 $0x2, s2;
	s23 =	sor.u32 $0x80, s0;
	s22 =	smul.u32 $0x19, s20  }
0xb: {  	s10 =	sshrl.u32 s2, $0x1;
	s15 =	sor.u32 $0xA0, s0;
	s24 =	smul.u32 $0x19, s23  }
0xc: {  	s16 =	sor.u32 $0xC0, s0;
	p0 =	seq.s32 s0, $0x1F;
	s25 =	smul.u32 $0x19, s15  }
0xd: {  	s13 =	sadd.s32 s4, s3;
	s2 =	ssub.s32 s2, s10;
	s26 =	smul.u32 $0x19, s16  }
0xe: {  	s21 =	sadd.s32 $0xC350, s3;
	s19 =	sor.u32 $0xE0, s0;
	s8 =	smul.u32 $0xC80, s16  }
0xf: {  	s18 =	sshrl.u32 s13, $0x3;
	s13 =	smul.u32 $0xC80, s20;
	s5 =	sadd.s32 s6, s5  }
0x10: {  	s20 =	smul.u32 $0xC80, s23;
	[dreg:$0x9] =	wrdreg s5;
	s9 =	sadd.s32 s6, s9  }
0x11: {  	s12 =	sadd.s32 s6, s12;
	s10 =	sadd.s32 s6, s22;
	[dreg:$0xa] =	wrdreg s9  }
0x12: {  	s5 =	sadd.s32 s6, s24;
	s22 =	smul.u32 $0x19, s19;
	[dreg:$0xb] =	wrdreg s12  }
0x13: {  	s23 =	sadd.s32 s6, s25;
	s24 =	sadd.s32 s6, s26;
	[dreg:$0xc] =	wrdreg s10  }
0x14: {  	s25 =	sadd.s32 s4, s21;
	s26 =	smul.u32 $0xC80, s15;
	[dreg:$0xd] =	wrdreg s5  }
0x15: {  	s11 =	sadd.s32 s17, s11;
	s19 =	smul.u32 $0xC80, s19;
	[dreg:$0xe] =	wrdreg s23  }
0x16: {  	s16 =	sadd.s32 s17, s8;
	s8 =	sshrl.u32 s21, $0x3;
	[dreg:$0xf] =	wrdreg s24  }
0x17: {  	s10 =	sadd.s32 s17, s7;
	s12 =	sadd.s32 s17, s14;
	s13 =	sadd.s32 s17, s13  }
0x18: {  	s14 =	sadd.s32 s17, s20;
	s7 =	sshllo.u32 s28, $0x1;
	s5 =	sadd.s32 s6, s22  }
0x19: {  	s15 =	sadd.s32 s17, s26;
	s17 =	sadd.s32 s17, s19;
	s6 =	sadd.s32 $0x186A0, s3  }
0x1a: {  	s22 =	rddreg [dreg:$0x7];
	s23 =	smul.u32 $0x620, s7;
	s4 =	sadd.s32 s4, s6  }
0x1b: {  	[dreg:$0x10] =	wrdreg s5;
	s5 =	sshrl.u32 s25, $0x3;
	s4 =	sshrl.u32 s4, $0x3  }
0x1c: {  	s19 =	sadd.s32 s22, s5;
	s9 =	sadd.s32 s3, s23;
	s24 =	sadd.s32 s21, s23  }
0x1d: {  	s23 =	sadd.s32 s6, s23;
	s3 =	sshrl.u32 s3, $0x3;
	s21 =	rddreg [dreg:$0x2]  }
0x1e: {  	s20 =	sadd.s32 s22, s4;
	s4 =	sshrl.u32 s9, $0x3;
	s25 =	sshrl.u32 s24, $0x3  }
0x1f: {  	s26 =	sshrl.u32 s23, $0x3;
	s24 =	sadd.s32 s22, s3;
	s3 =	rddreg [dreg:$0x3]  }
0x20: {  	s4 =	sadd.s32 s22, s4;
	s5 =	sadd.s32 s22, s26;
	s26 =	rddreg [dreg:$0x4]  }
0x21: {  	s18 =	sadd.s32 s22, s18;
	s9 =	sshrl.u32 s6, $0x3;
	[dreg:$0x11] =	wrdreg s4  }
0x22: {  	s23 =	smul.u32 $0x498, s28;
	s6 =	sadd.s32 $0x18380, s21;
	[dreg:$0x13] =	wrdreg s5  }
0x23: {  	s29 =	sadd.s32 s22, s9;
	s4 =	sadd.s32 s22, s25;
	s5 =	rddreg [dreg:$0x6]  }
0x24: {  	s9 =	smul.u32 $0x24C, s7;
	s25 =	sadd.s32 s22, s8;
	[dreg:$0x12] =	wrdreg s4  }
0x25: {  	s8 =	smul.u32 $0x6400, s0;
	s4 =	rddreg [dreg:$0x1];
	_ =	strace $0x80000047  }
0x26: {  	s30 =	sadd.s32 s4, s23;
	s0 =	sadd.s32 s4, s9;
	[dreg:$0x1c] =	wrdreg s6  }
0x27: {  	s22 =	sshrl.u32 s8, $0x3;
	s23 =	sadd.s32 $0x4734, s4;
	[dreg:$0x14] =	wrdreg s0  }
0x28: {  	[dreg:$0x15] =	wrdreg s23;
	s4 =	sadd.s32 s21, s22  }
0x29: {  	s7 =	sadd.s32 s3, s22;
	[dreg:$0x16] =	wrdreg s4  }
0x2a: {  	s8 =	sadd.s32 s5, s22;
	s9 =	sadd.s32 $0x640, s22;
	[dreg:$0x17] =	wrdreg s7  }
0x2b: {  	[dreg:$0x18] =	wrdreg s8;
	s22 =	sadd.s32 s21, s9  }
0x2c: {  	s31 =	simm.s32 $0xF580;
	s23 =	sadd.s32 s3, s9;
	[dreg:$0x19] =	wrdreg s22  }
0x2d: {  	p1 =	seq.s32 s28, $0xF;
	s0 =	sadd.s32 s5, s9;
	[dreg:$0x1a] =	wrdreg s23  }
0x2e: {  	p2 =	sgt.u32 s28, $0xC;
	s7 =	sadd.s32 $0x18380, s3;
	[dreg:$0x1b] =	wrdreg s0  }
0x2f: {  	s28 =	simm.s32 $0x15980;
	s8 =	sadd.s32 $0x18380, s5;
	[dreg:$0x1d] =	wrdreg s7  }
.Ltmp0:
0x30: {  	s9 =	sadd.s32 $0x17BC, s24;
	[dreg:$0x1e] =	wrdreg s8;
	(pc) =	sbr.rel .LBB2_1-.Ltmp0, $4  }
0x31: {  	s21 =	sadd.s32 $0x3026, s24;
	s3 =	simm.s32 $0x1;
	[dreg:$0x1f] =	wrdreg s9  }
0x32: {  	s4 =	simm.s32 $0x0;
	s23 =	smax.u32 s2, $0x1;
	[smem:$0x7FC] =	sst s21  }
0x33: {  	v0 =	vlaneseq.u32;
	s22 =	sadd.s32 $0x4890, s24;
	s21 =	simm.s32 $0xC380;
	s0 =	simm.s32 $0xC8  }
0x34: {  	v0 =	vmul.u32 $0x3, v0;
	s2 =	simm.s32 $0x15A80;
	[smem:$0x7FD] =	sst s22;
	s22 =	simm.s32 $0x2  }
.LBB2_35:
0x35: {  	v5 =	vld [tilespmem:s6+$0xC380];
	v2 =	vsub.f32 v2, v3;
	_ =	sdelay $0x1  }
0x36: {  	v2 =	vmul.f32 v2, v2;
	_ =	sdelay $0x1  }
0x37: {  	v2 =	vadd.f32 v2, v4;
	_ =	sdelay $0x1  }
0x38: {  	[tilespmem:s5+$0x12780] =	vst v2  }
0x39: {  	v1 =	vld.idx.msk [tilespmem:v1+s1+$0x0], $0xffff  }
0x3a: {  	v2 =	vld.idx.msk [tilespmem:v5+s1+$0x0], $0xffff;
	_ =	sdelay $0x3  }
0x3b: {  	v3 =	vld [tilespmem:s6+$0x12780]  }
0x3c: {  	v1 =	vsub.f32 v1, v2;
	_ =	sdelay $0x1  }
0x3d: {  	v1 =	vmul.f32 v1, v1;
	_ =	sdelay $0x1  }
0x3e: {  	v1 =	vadd.f32 v1, v3;
	_ =	sdelay $0x1  }
0x3f: {  	s8 =	rddreg [dreg:$0x1b];
	s9 =	simm.s32 $0x12780;
	[tilespmem:s6+$0x12780] =	vst v1  }
0x40: {  	[hbm4b:s8+s1] =	stream.linear.scatter [tilespmem:s9], [sflag:$0x2], $0x3200, $0x38;
	[tilespmem:$0x1BE80] =	vst v63  }
0x41: {  	_ =	swait.ge [sflag:s22], $0x3200  }
0x42: {  	[sflag:s22] =	ssyncset.done $0x0  }
0x43: {  	[sflag:s22] =	ssyncadd.s32 $0xFFFFCE00  }
.LBB2_43:
0x44: {  	s4 =	sadd.s32 $0x1, s4  }
0x45: {  	p3 =	sne.s32 s4, s23  }
.Ltmp1:
0x46: {  	_ = 	snop;
	(pc) =	sbr.rel @!p3 .LBB2_44-.Ltmp1, $1  }
0x47: {  	_ =	sdelay $0x3  }
.LBB2_1:
0x48: {  	_ = 	snop  }
0x49: {  	v1 =	vadd.s32 s1, v0  }
0x4a: {  	[tilespmem:s21], [sflag:$0x2] =	stream.linear.gather [hbm4b:s30+s1], $0x1260, $0x38;
	[tilespmem:$0x1BE80] =	vst v63  }
0x4b: {  	_ =	swait.ge [sflag:s22], $0x1260  }
0x4c: {  	[sflag:s22] =	ssyncset.done $0x0  }
0x4d: {  	[sflag:s22] =	ssyncadd.s32 $0xFFFFEDA0  }
0x4e: {  	s5 =	simm.s32 $0x30;
	v1 =	vld.idx.msk [tilespmem:v1+s21+$0x0], $0xffff  }
0x4f: {  	v2 =	vadd.s32 s5, v0;
	_ =	sdelay $0x3  }
0x50: {  	[tilespmem:s31+$0x0] =	vst v1  }
0x51: {  	s9 =	simm.s32 $0x60;
	v1 =	vld.idx.msk [tilespmem:v2+s21+$0x0], $0xffff  }
0x52: {  	s6 =	simm.s32 $0x90;
	s5 =	simm.s32 $0xF580;
	v2 =	vadd.s32 s9, v0  }
.LBB2_2:
0x53: {  	p3 =	sne.s32 s6, $0x1230;
	_ =	sdelay $0x1  }
.Ltmp2:
0x54: {  	s5 =	sadd.s32 $0x10, s5;
	(pc) =	sbr.rel @p3 .LBB2_2-.Ltmp2, $3  }
0x55: {  	[tilespmem:s5+$0x0] =	vst v1  }
0x56: {  	v1 =	vld.idx.msk [tilespmem:v2+s21+$0x0], $0xffff;
	_ =	sdelay $0x1  }
0x57: {  	v2 =	vadd.s32 s6, v0;
	s6 =	sadd.s32 $0x30, s6  }
0x58: {  	_ =	sdelay $0x1  }
0x59: {  	s5 =	sadd.s32 $0x10, s5  }
0x5a: {  	[tilespmem:s5+$0x0] =	vst v1  }
0x5b: {  	v1 =	vld.idx.msk [tilespmem:v2+s21+$0x0], $0xffff;
	_ =	sdelay $0x3  }
0x5c: {  	s6 =	simm.s32 $0x1;
	s5 =	sadd.s32 $0x10, s5  }
0x5d: {  	[tilespmem:s5+$0x0] =	vst v1;
	s5 =	simm.s32 $0xF580;
	v1 =	vadd.s32 s6, v0  }
0x5e: {  	[hbm4b:s18+s1] =	stream.linear.scatter [tilespmem:s5], [sflag:$0x2], $0x620, $0x38;
	[tilespmem:$0x1BE80] =	vst v63  }
0x5f: {  	_ =	swait.ge [sflag:s22], $0x620  }
0x60: {  	[sflag:s22] =	ssyncset.done $0x0  }
0x61: {  	[sflag:s22] =	ssyncadd.s32 $0xFFFFF9E0  }
0x62: {  	s8 =	simm.s32 $0x31;
	v1 =	vld.idx.msk [tilespmem:v1+s21+$0x0], $0xffff  }
0x63: {  	v2 =	vadd.s32 s8, v0;
	_ =	sdelay $0x3  }
0x64: {  	[tilespmem:s5+$0x0] =	vst v1  }
0x65: {  	s9 =	simm.s32 $0x61;
	v1 =	vld.idx.msk [tilespmem:v2+s21+$0x0], $0xffff  }
0x66: {  	s6 =	simm.s32 $0x91;
	v2 =	vadd.s32 s9, v0  }
.LBB2_4:
0x67: {  	p3 =	sne.s32 s6, $0x1231;
	_ =	sdelay $0x1  }
.Ltmp3:
0x68: {  	s5 =	sadd.s32 $0x10, s5;
	(pc) =	sbr.rel @p3 .LBB2_4-.Ltmp3, $3  }
0x69: {  	[tilespmem:s5+$0x0] =	vst v1  }
0x6a: {  	v1 =	vld.idx.msk [tilespmem:v2+s21+$0x0], $0xffff;
	_ =	sdelay $0x1  }
0x6b: {  	v2 =	vadd.s32 s6, v0;
	s6 =	sadd.s32 $0x30, s6  }
0x6c: {  	_ =	sdelay $0x1  }
0x6d: {  	s5 =	sadd.s32 $0x10, s5  }
0x6e: {  	[tilespmem:s5+$0x0] =	vst v1  }
0x6f: {  	v1 =	vld.idx.msk [tilespmem:v2+s21+$0x0], $0xffff;
	_ =	sdelay $0x3  }
0x70: {  	s6 =	simm.s32 $0x2;
	s5 =	sadd.s32 $0x10, s5  }
0x71: {  	[tilespmem:s5+$0x0] =	vst v1;
	s5 =	simm.s32 $0xF580;
	v1 =	vadd.s32 s6, v0  }
0x72: {  	[hbm4b:s19+s1] =	stream.linear.scatter [tilespmem:s5], [sflag:$0x2], $0x620, $0x38;
	[tilespmem:$0x1BE80] =	vst v63  }
0x73: {  	_ =	swait.ge [sflag:s6], $0x620  }
0x74: {  	[sflag:s6] =	ssyncset.done $0x0  }
0x75: {  	[sflag:s6] =	ssyncadd.s32 $0xFFFFF9E0  }
0x76: {  	s8 =	simm.s32 $0x32;
	v1 =	vld.idx.msk [tilespmem:v1+s21+$0x0], $0xffff  }
0x77: {  	v2 =	vadd.s32 s8, v0;
	_ =	sdelay $0x3  }
0x78: {  	[tilespmem:s5+$0x0] =	vst v1  }
0x79: {  	s9 =	simm.s32 $0x62;
	v1 =	vld.idx.msk [tilespmem:v2+s21+$0x0], $0xffff  }
0x7a: {  	s6 =	simm.s32 $0x92;
	v2 =	vadd.s32 s9, v0  }
.LBB2_6:
0x7b: {  	p3 =	sne.s32 s6, $0x1232;
	_ =	sdelay $0x1  }
.Ltmp4:
0x7c: {  	s5 =	sadd.s32 $0x10, s5;
	(pc) =	sbr.rel @p3 .LBB2_6-.Ltmp4, $3  }
0x7d: {  	[tilespmem:s5+$0x0] =	vst v1  }
0x7e: {  	v1 =	vld.idx.msk [tilespmem:v2+s21+$0x0], $0xffff;
	_ =	sdelay $0x1  }
0x7f: {  	v2 =	vadd.s32 s6, v0;
	s6 =	sadd.s32 $0x30, s6  }
0x80: {  	_ =	sdelay $0x1  }
0x81: {  	s5 =	sadd.s32 $0x10, s5  }
0x82: {  	[tilespmem:s5+$0x0] =	vst v1  }
0x83: {  	v1 =	vld.idx.msk [tilespmem:v2+s21+$0x0], $0xffff;
	_ =	sdelay $0x3  }
0x84: {  	s5 =	sadd.s32 $0x10, s5  }
.Ltmp5:
0x85: {  	[tilespmem:s5+$0x0] =	vst v1;
	(pc) =	sbr.rel @!p1 .LBB2_8-.Ltmp5, $4  }
0x86: {  	[hbm4b:s20+s1] =	stream.linear.scatter [tilespmem:s31], [sflag:$0x2], $0x620, $0x38;
	[tilespmem:$0x1BE80] =	vst v63  }
0x87: {  	_ =	swait.ge [sflag:s22], $0x620  }
0x88: {  	s5 =	simm.s32 $0x0;
	[sflag:s22] =	ssyncset.done $0x0  }
0x89: {  	v1 =	vadd.s32 s5, v0;
	[sflag:s22] =	ssyncadd.s32 $0xFFFFF9E0  }
0x8a: {  	s6 =	rddreg [dreg:$0x15]  }
0x8b: {  	[tilespmem:s21], [sflag:$0x2] =	stream.linear.gather [hbm4b:s6+s5], $0x1050, $0x38;
	[tilespmem:$0x1BE80] =	vst v63  }
0x8c: {  	_ =	swait.ge [sflag:s22], $0x1050  }
0x8d: {  	[sflag:s22] =	ssyncset.done $0x0  }
0x8e: {  	[sflag:s22] =	ssyncadd.s32 $0xFFFFEFB0  }
0x8f: {  	s8 =	simm.s32 $0x30;
	v1 =	vld.idx.msk [tilespmem:v1+s21+$0x0], $0xffff  }
0x90: {  	v2 =	vadd.s32 s8, v0;
	_ =	sdelay $0x2  }
0x91: {  	s5 =	simm.s32 $0xF580  }
0x92: {  	[tilespmem:s5+$0x0] =	vst v1  }
0x93: {  	s9 =	simm.s32 $0x60;
	v1 =	vld.idx.msk [tilespmem:v2+s21+$0x0], $0xffff  }
0x94: {  	s6 =	simm.s32 $0x90;
	v2 =	vadd.s32 s9, v0  }
.LBB2_16:
0x95: {  	p3 =	sne.s32 s6, $0x1020;
	_ =	sdelay $0x1  }
.Ltmp6:
0x96: {  	s5 =	sadd.s32 $0x10, s5;
	(pc) =	sbr.rel @p3 .LBB2_16-.Ltmp6, $3  }
0x97: {  	[tilespmem:s5+$0x0] =	vst v1  }
0x98: {  	v1 =	vld.idx.msk [tilespmem:v2+s21+$0x0], $0xffff;
	_ =	sdelay $0x1  }
0x99: {  	v2 =	vadd.s32 s6, v0;
	s6 =	sadd.s32 $0x30, s6  }
0x9a: {  	_ =	sdelay $0x1  }
0x9b: {  	s5 =	sadd.s32 $0x10, s5  }
0x9c: {  	[tilespmem:s5+$0x0] =	vst v1  }
0x9d: {  	v1 =	vld.idx.msk [tilespmem:v2+s21+$0x0], $0xffff;
	_ =	sdelay $0x3  }
0x9e: {  	s6 =	simm.s32 $0x1;
	s5 =	sadd.s32 $0x10, s5  }
0x9f: {  	s7 =	rddreg [dreg:$0x1f];
	[tilespmem:s5+$0x0] =	vst v1;
	s5 =	simm.s32 $0xF580;
	v1 =	vadd.s32 s6, v0  }
0xa0: {  	[hbm4b:s7+s1] =	stream.linear.scatter [tilespmem:s5], [sflag:$0x2], $0x570, $0x38;
	[tilespmem:$0x1BE80] =	vst v63  }
0xa1: {  	_ =	swait.ge [sflag:s22], $0x570  }
0xa2: {  	[sflag:s22] =	ssyncset.done $0x0  }
0xa3: {  	[sflag:s22] =	ssyncadd.s32 $0xFFFFFA90  }
0xa4: {  	s8 =	simm.s32 $0x31;
	v1 =	vld.idx.msk [tilespmem:v1+s21+$0x0], $0xffff  }
0xa5: {  	v2 =	vadd.s32 s8, v0;
	_ =	sdelay $0x3  }
0xa6: {  	[tilespmem:s5+$0x0] =	vst v1  }
0xa7: {  	s9 =	simm.s32 $0x61;
	v1 =	vld.idx.msk [tilespmem:v2+s21+$0x0], $0xffff  }
0xa8: {  	s6 =	simm.s32 $0x91;
	v2 =	vadd.s32 s9, v0  }
.LBB2_18:
0xa9: {  	p3 =	sne.s32 s6, $0x1021;
	_ =	sdelay $0x1  }
.Ltmp7:
0xaa: {  	s5 =	sadd.s32 $0x10, s5;
	(pc) =	sbr.rel @p3 .LBB2_18-.Ltmp7, $3  }
0xab: {  	[tilespmem:s5+$0x0] =	vst v1  }
0xac: {  	v1 =	vld.idx.msk [tilespmem:v2+s21+$0x0], $0xffff;
	_ =	sdelay $0x1  }
0xad: {  	v2 =	vadd.s32 s6, v0;
	s6 =	sadd.s32 $0x30, s6  }
0xae: {  	_ =	sdelay $0x1  }
0xaf: {  	s5 =	sadd.s32 $0x10, s5  }
0xb0: {  	[tilespmem:s5+$0x0] =	vst v1  }
0xb1: {  	v1 =	vld.idx.msk [tilespmem:v2+s21+$0x0], $0xffff;
	_ =	sdelay $0x2  }
0xb2: {  	s7 =	sld [smem:$0x7FC]  }
0xb3: {  	s6 =	simm.s32 $0x2;
	s5 =	sadd.s32 $0x10, s5  }
0xb4: {  	[tilespmem:s5+$0x0] =	vst v1;
	s5 =	simm.s32 $0xF580;
	v1 =	vadd.s32 s6, v0  }
0xb5: {  	[hbm4b:s7+s1] =	stream.linear.scatter [tilespmem:s5], [sflag:$0x2], $0x570, $0x38;
	[tilespmem:$0x1BE80] =	vst v63  }
0xb6: {  	_ =	swait.ge [sflag:s6], $0x570  }
0xb7: {  	[sflag:s6] =	ssyncset.done $0x0  }
0xb8: {  	[sflag:s6] =	ssyncadd.s32 $0xFFFFFA90  }
0xb9: {  	s8 =	simm.s32 $0x32;
	v1 =	vld.idx.msk [tilespmem:v1+s21+$0x0], $0xffff  }
0xba: {  	v2 =	vadd.s32 s8, v0;
	_ =	sdelay $0x3  }
0xbb: {  	[tilespmem:s5+$0x0] =	vst v1  }
0xbc: {  	s9 =	simm.s32 $0x62;
	v1 =	vld.idx.msk [tilespmem:v2+s21+$0x0], $0xffff  }
0xbd: {  	s6 =	simm.s32 $0x92;
	v2 =	vadd.s32 s9, v0  }
.LBB2_20:
0xbe: {  	p3 =	sne.s32 s6, $0x1022;
	_ =	sdelay $0x1  }
.Ltmp8:
0xbf: {  	s5 =	sadd.s32 $0x10, s5;
	(pc) =	sbr.rel @p3 .LBB2_20-.Ltmp8, $3  }
0xc0: {  	[tilespmem:s5+$0x0] =	vst v1  }
0xc1: {  	v1 =	vld.idx.msk [tilespmem:v2+s21+$0x0], $0xffff;
	_ =	sdelay $0x1  }
0xc2: {  	v2 =	vadd.s32 s6, v0;
	s6 =	sadd.s32 $0x30, s6  }
0xc3: {  	_ =	sdelay $0x1  }
0xc4: {  	s5 =	sadd.s32 $0x10, s5  }
0xc5: {  	[tilespmem:s5+$0x0] =	vst v1  }
0xc6: {  	v1 =	vld.idx.msk [tilespmem:v2+s21+$0x0], $0xffff;
	_ =	sdelay $0x2  }
0xc7: {  	s9 =	sld [smem:$0x7FD]  }
0xc8: {  	s5 =	sadd.s32 $0x10, s5  }
.Ltmp9:
0xc9: {  	[tilespmem:s5+$0x0] =	vst v1;
	(pc) =	sbr.rel .LBB2_22-.Ltmp9, $4  }
0xca: {  	[hbm4b:s9+s1] =	stream.linear.scatter [tilespmem:s31], [sflag:$0x2], $0x570, $0x38;
	[tilespmem:$0x1BE80] =	vst v63  }
0xcb: {  	_ =	swait.ge [sflag:s22], $0x570  }
0xcc: {  	[sflag:s22] =	ssyncset.done $0x0  }
0xcd: {  	[sflag:s22] =	ssyncadd.s32 $0xFFFFFA90  }
.LBB2_8:
0xce: {  	s6 =	rddreg [dreg:$0x14]  }
0xcf: {  	[tilespmem:s21], [sflag:$0x2] =	stream.linear.gather [hbm4b:s6+s5], $0x1260, $0x38;
	[tilespmem:$0x1BE80] =	vst v63  }
0xd0: {  	_ =	swait.ge [sflag:s22], $0x1260  }
0xd1: {  	[sflag:s22] =	ssyncset.done $0x0  }
0xd2: {  	[sflag:s22] =	ssyncadd.s32 $0xFFFFEDA0  }
0xd3: {  	s8 =	simm.s32 $0x30;
	v1 =	vld.idx.msk [tilespmem:v1+s21+$0x0], $0xffff  }
0xd4: {  	v2 =	vadd.s32 s8, v0;
	_ =	sdelay $0x2  }
0xd5: {  	s5 =	simm.s32 $0xF580  }
0xd6: {  	[tilespmem:s5+$0x0] =	vst v1  }
0xd7: {  	s9 =	simm.s32 $0x60;
	v1 =	vld.idx.msk [tilespmem:v2+s21+$0x0], $0xffff  }
0xd8: {  	s6 =	simm.s32 $0x90;
	v2 =	vadd.s32 s9, v0  }
.LBB2_9:
0xd9: {  	p3 =	sne.s32 s6, $0x1230;
	_ =	sdelay $0x1  }
.Ltmp10:
0xda: {  	s5 =	sadd.s32 $0x10, s5;
	(pc) =	sbr.rel @p3 .LBB2_9-.Ltmp10, $3  }
0xdb: {  	[tilespmem:s5+$0x0] =	vst v1  }
0xdc: {  	v1 =	vld.idx.msk [tilespmem:v2+s21+$0x0], $0xffff;
	_ =	sdelay $0x1  }
0xdd: {  	v2 =	vadd.s32 s6, v0;
	s6 =	sadd.s32 $0x30, s6  }
0xde: {  	_ =	sdelay $0x1  }
0xdf: {  	s5 =	sadd.s32 $0x10, s5  }
0xe0: {  	[tilespmem:s5+$0x0] =	vst v1  }
0xe1: {  	v1 =	vld.idx.msk [tilespmem:v2+s21+$0x0], $0xffff;
	_ =	sdelay $0x3  }
0xe2: {  	s6 =	simm.s32 $0x1;
	s5 =	sadd.s32 $0x10, s5  }
0xe3: {  	s7 =	rddreg [dreg:$0x11];
	[tilespmem:s5+$0x0] =	vst v1;
	s5 =	simm.s32 $0xF580;
	v1 =	vadd.s32 s6, v0  }
0xe4: {  	[hbm4b:s7+s1] =	stream.linear.scatter [tilespmem:s5], [sflag:$0x2], $0x620, $0x38;
	[tilespmem:$0x1BE80] =	vst v63  }
0xe5: {  	_ =	swait.ge [sflag:s22], $0x620  }
0xe6: {  	[sflag:s22] =	ssyncset.done $0x0  }
0xe7: {  	[sflag:s22] =	ssyncadd.s32 $0xFFFFF9E0  }
0xe8: {  	s8 =	simm.s32 $0x31;
	v1 =	vld.idx.msk [tilespmem:v1+s21+$0x0], $0xffff  }
0xe9: {  	v2 =	vadd.s32 s8, v0;
	_ =	sdelay $0x3  }
0xea: {  	[tilespmem:s5+$0x0] =	vst v1  }
0xeb: {  	s9 =	simm.s32 $0x61;
	v1 =	vld.idx.msk [tilespmem:v2+s21+$0x0], $0xffff  }
0xec: {  	s6 =	simm.s32 $0x91;
	v2 =	vadd.s32 s9, v0  }
.LBB2_11:
0xed: {  	p3 =	sne.s32 s6, $0x1231;
	_ =	sdelay $0x1  }
.Ltmp11:
0xee: {  	s5 =	sadd.s32 $0x10, s5;
	(pc) =	sbr.rel @p3 .LBB2_11-.Ltmp11, $3  }
0xef: {  	[tilespmem:s5+$0x0] =	vst v1  }
0xf0: {  	v1 =	vld.idx.msk [tilespmem:v2+s21+$0x0], $0xffff;
	_ =	sdelay $0x1  }
0xf1: {  	v2 =	vadd.s32 s6, v0;
	s6 =	sadd.s32 $0x30, s6  }
0xf2: {  	_ =	sdelay $0x1  }
0xf3: {  	s5 =	sadd.s32 $0x10, s5  }
0xf4: {  	[tilespmem:s5+$0x0] =	vst v1  }
0xf5: {  	v1 =	vld.idx.msk [tilespmem:v2+s21+$0x0], $0xffff;
	_ =	sdelay $0x3  }
0xf6: {  	s6 =	simm.s32 $0x2;
	s5 =	sadd.s32 $0x10, s5  }
0xf7: {  	s7 =	rddreg [dreg:$0x12];
	[tilespmem:s5+$0x0] =	vst v1;
	s5 =	simm.s32 $0xF580;
	v1 =	vadd.s32 s6, v0  }
0xf8: {  	[hbm4b:s7+s1] =	stream.linear.scatter [tilespmem:s5], [sflag:$0x2], $0x620, $0x38;
	[tilespmem:$0x1BE80] =	vst v63  }
0xf9: {  	_ =	swait.ge [sflag:s6], $0x620  }
0xfa: {  	[sflag:s6] =	ssyncset.done $0x0  }
0xfb: {  	[sflag:s6] =	ssyncadd.s32 $0xFFFFF9E0  }
0xfc: {  	s8 =	simm.s32 $0x32;
	v1 =	vld.idx.msk [tilespmem:v1+s21+$0x0], $0xffff  }
0xfd: {  	v2 =	vadd.s32 s8, v0;
	_ =	sdelay $0x3  }
0xfe: {  	[tilespmem:s5+$0x0] =	vst v1  }
0xff: {  	s9 =	simm.s32 $0x62;
	v1 =	vld.idx.msk [tilespmem:v2+s21+$0x0], $0xffff  }
0x100: {  	s6 =	simm.s32 $0x92;
	v2 =	vadd.s32 s9, v0  }
.LBB2_13:
0x101: {  	p3 =	sne.s32 s6, $0x1232;
	_ =	sdelay $0x1  }
.Ltmp12:
0x102: {  	s5 =	sadd.s32 $0x10, s5;
	(pc) =	sbr.rel @p3 .LBB2_13-.Ltmp12, $3  }
0x103: {  	[tilespmem:s5+$0x0] =	vst v1  }
0x104: {  	v1 =	vld.idx.msk [tilespmem:v2+s21+$0x0], $0xffff;
	_ =	sdelay $0x1  }
0x105: {  	v2 =	vadd.s32 s6, v0;
	s6 =	sadd.s32 $0x30, s6  }
0x106: {  	_ =	sdelay $0x1  }
0x107: {  	s5 =	sadd.s32 $0x10, s5  }
0x108: {  	[tilespmem:s5+$0x0] =	vst v1  }
0x109: {  	v1 =	vld.idx.msk [tilespmem:v2+s21+$0x0], $0xffff;
	_ =	sdelay $0x3  }
0x10a: {  	s5 =	sadd.s32 $0x10, s5  }
0x10b: {  	s9 =	rddreg [dreg:$0x13];
	[tilespmem:s5+$0x0] =	vst v1  }
0x10c: {  	[hbm4b:s9+s1] =	stream.linear.scatter [tilespmem:s31], [sflag:$0x2], $0x620, $0x38;
	[tilespmem:$0x1BE80] =	vst v63  }
0x10d: {  	_ =	swait.ge [sflag:s22], $0x620  }
0x10e: {  	[sflag:s22] =	ssyncset.done $0x0  }
0x10f: {  	[sflag:s22] =	ssyncadd.s32 $0xFFFFF9E0  }
.LBB2_22:
0x110: {  	s5 =	rddreg [dreg:$0x9]  }
0x111: {  	[tilespmem:s28], [sflag:$0x2] =	stream.linear.gather [hbm4b:s5+s1], $0xC8, $0x38;
	[tilespmem:$0x1BE80] =	vst v63  }
0x112: {  	_ =	swait.ge [sflag:s22], $0xC8  }
0x113: {  	[sflag:s22] =	ssyncset.done $0x0  }
0x114: {  	[sflag:s22] =	ssyncadd.s32 $0xFFFFFF38  }
0x115: {  	[tilespmem:s2], [sflag:$0x1] =	stream.indirect.gather [hbm4b:s26+s0], $0x80, s28, s0, $0xb8;
	[tilespmem:$0x1BE80] =	vst v63  }
0x116: {  	_ =	swait.ge [sflag:s3], $0x6400  }
0x117: {  	[sflag:s3] =	ssyncset.done $0x0  }
0x118: {  	[sflag:s3] =	ssyncadd.s32 $0xFFFF9C00  }
0x119: {  	[hbm4b:s10+s1] =	stream.linear.scatter [tilespmem:s2], [sflag:$0x2], $0x6400, $0x38;
	[tilespmem:$0x1BE80] =	vst v63  }
0x11a: {  	_ =	swait.ge [sflag:s22], $0x6400  }
0x11b: {  	[sflag:s22] =	ssyncset.done $0x0  }
0x11c: {  	s8 =	rddreg [dreg:$0xa];
	[sflag:s22] =	ssyncadd.s32 $0xFFFF9C00  }
0x11d: {  	[tilespmem:s28], [sflag:$0x2] =	stream.linear.gather [hbm4b:s8+s1], $0xC8, $0x38;
	[tilespmem:$0x1BE80] =	vst v63  }
0x11e: {  	_ =	swait.ge [sflag:s22], $0xC8  }
0x11f: {  	[sflag:s22] =	ssyncset.done $0x0  }
0x120: {  	[sflag:s22] =	ssyncadd.s32 $0xFFFFFF38  }
0x121: {  	[tilespmem:s2], [sflag:$0x1] =	stream.indirect.gather [hbm4b:s26+s0], $0x80, s28, s0, $0xb8;
	[tilespmem:$0x1BE80] =	vst v63  }
0x122: {  	_ =	swait.ge [sflag:s3], $0x6400  }
0x123: {  	[sflag:s3] =	ssyncset.done $0x0  }
0x124: {  	[sflag:s3] =	ssyncadd.s32 $0xFFFF9C00  }
0x125: {  	[hbm4b:s11+s1] =	stream.linear.scatter [tilespmem:s2], [sflag:$0x2], $0x6400, $0x38;
	[tilespmem:$0x1BE80] =	vst v63  }
0x126: {  	_ =	swait.ge [sflag:s22], $0x6400  }
0x127: {  	[sflag:s22] =	ssyncset.done $0x0  }
0x128: {  	s9 =	rddreg [dreg:$0xb];
	[sflag:s22] =	ssyncadd.s32 $0xFFFF9C00  }
0x129: {  	[tilespmem:s28], [sflag:$0x2] =	stream.linear.gather [hbm4b:s9+s1], $0xC8, $0x38;
	[tilespmem:$0x1BE80] =	vst v63  }
0x12a: {  	_ =	swait.ge [sflag:s22], $0xC8  }
0x12b: {  	[sflag:s22] =	ssyncset.done $0x0  }
0x12c: {  	[sflag:s22] =	ssyncadd.s32 $0xFFFFFF38  }
0x12d: {  	[tilespmem:s2], [sflag:$0x1] =	stream.indirect.gather [hbm4b:s26+s0], $0x80, s28, s0, $0xb8;
	[tilespmem:$0x1BE80] =	vst v63  }
0x12e: {  	_ =	swait.ge [sflag:s3], $0x6400  }
0x12f: {  	[sflag:s3] =	ssyncset.done $0x0  }
0x130: {  	[sflag:s3] =	ssyncadd.s32 $0xFFFF9C00  }
0x131: {  	[hbm4b:s12+s1] =	stream.linear.scatter [tilespmem:s2], [sflag:$0x2], $0x6400, $0x38;
	[tilespmem:$0x1BE80] =	vst v63  }
0x132: {  	_ =	swait.ge [sflag:s22], $0x6400  }
0x133: {  	[sflag:s22] =	ssyncset.done $0x0  }
0x134: {  	s6 =	rddreg [dreg:$0xc];
	[sflag:s22] =	ssyncadd.s32 $0xFFFF9C00  }
0x135: {  	[tilespmem:s28], [sflag:$0x2] =	stream.linear.gather [hbm4b:s6+s1], $0xC8, $0x38;
	[tilespmem:$0x1BE80] =	vst v63  }
0x136: {  	_ =	swait.ge [sflag:s22], $0xC8  }
0x137: {  	[sflag:s22] =	ssyncset.done $0x0  }
0x138: {  	[sflag:s22] =	ssyncadd.s32 $0xFFFFFF38  }
0x139: {  	[tilespmem:s2], [sflag:$0x1] =	stream.indirect.gather [hbm4b:s26+s0], $0x80, s28, s0, $0xb8;
	[tilespmem:$0x1BE80] =	vst v63  }
0x13a: {  	_ =	swait.ge [sflag:s3], $0x6400  }
0x13b: {  	[sflag:s3] =	ssyncset.done $0x0  }
0x13c: {  	[sflag:s3] =	ssyncadd.s32 $0xFFFF9C00  }
0x13d: {  	[hbm4b:s13+s1] =	stream.linear.scatter [tilespmem:s2], [sflag:$0x2], $0x6400, $0x38;
	[tilespmem:$0x1BE80] =	vst v63  }
0x13e: {  	_ =	swait.ge [sflag:s22], $0x6400  }
0x13f: {  	[sflag:s22] =	ssyncset.done $0x0  }
0x140: {  	s7 =	rddreg [dreg:$0xd];
	[sflag:s22] =	ssyncadd.s32 $0xFFFF9C00  }
0x141: {  	[tilespmem:s28], [sflag:$0x2] =	stream.linear.gather [hbm4b:s7+s1], $0xC8, $0x38;
	[tilespmem:$0x1BE80] =	vst v63  }
0x142: {  	_ =	swait.ge [sflag:s22], $0xC8  }
0x143: {  	[sflag:s22] =	ssyncset.done $0x0  }
0x144: {  	[sflag:s22] =	ssyncadd.s32 $0xFFFFFF38  }
0x145: {  	[tilespmem:s2], [sflag:$0x1] =	stream.indirect.gather [hbm4b:s26+s0], $0x80, s28, s0, $0xb8;
	[tilespmem:$0x1BE80] =	vst v63  }
0x146: {  	_ =	swait.ge [sflag:s3], $0x6400  }
0x147: {  	[sflag:s3] =	ssyncset.done $0x0  }
0x148: {  	[sflag:s3] =	ssyncadd.s32 $0xFFFF9C00  }
0x149: {  	[hbm4b:s14+s1] =	stream.linear.scatter [tilespmem:s2], [sflag:$0x2], $0x6400, $0x38;
	[tilespmem:$0x1BE80] =	vst v63  }
0x14a: {  	_ =	swait.ge [sflag:s22], $0x6400  }
0x14b: {  	[sflag:s22] =	ssyncset.done $0x0  }
0x14c: {  	s8 =	rddreg [dreg:$0xe];
	[sflag:s22] =	ssyncadd.s32 $0xFFFF9C00  }
0x14d: {  	[tilespmem:s28], [sflag:$0x2] =	stream.linear.gather [hbm4b:s8+s1], $0xC8, $0x38;
	[tilespmem:$0x1BE80] =	vst v63  }
0x14e: {  	_ =	swait.ge [sflag:s22], $0xC8  }
0x14f: {  	[sflag:s22] =	ssyncset.done $0x0  }
0x150: {  	[sflag:s22] =	ssyncadd.s32 $0xFFFFFF38  }
0x151: {  	[tilespmem:s2], [sflag:$0x1] =	stream.indirect.gather [hbm4b:s26+s0], $0x80, s28, s0, $0xb8;
	[tilespmem:$0x1BE80] =	vst v63  }
0x152: {  	_ =	swait.ge [sflag:s3], $0x6400  }
0x153: {  	[sflag:s3] =	ssyncset.done $0x0  }
0x154: {  	[sflag:s3] =	ssyncadd.s32 $0xFFFF9C00  }
0x155: {  	[hbm4b:s15+s1] =	stream.linear.scatter [tilespmem:s2], [sflag:$0x2], $0x6400, $0x38;
	[tilespmem:$0x1BE80] =	vst v63  }
0x156: {  	_ =	swait.ge [sflag:s22], $0x6400  }
0x157: {  	[sflag:s22] =	ssyncset.done $0x0  }
0x158: {  	s9 =	rddreg [dreg:$0xf];
	[sflag:s22] =	ssyncadd.s32 $0xFFFF9C00  }
0x159: {  	[tilespmem:s28], [sflag:$0x2] =	stream.linear.gather [hbm4b:s9+s1], $0xC8, $0x38;
	[tilespmem:$0x1BE80] =	vst v63  }
0x15a: {  	_ =	swait.ge [sflag:s22], $0xC8  }
0x15b: {  	[sflag:s22] =	ssyncset.done $0x0  }
0x15c: {  	[sflag:s22] =	ssyncadd.s32 $0xFFFFFF38  }
0x15d: {  	[tilespmem:s2], [sflag:$0x1] =	stream.indirect.gather [hbm4b:s26+s0], $0x80, s28, s0, $0xb8;
	[tilespmem:$0x1BE80] =	vst v63  }
0x15e: {  	_ =	swait.ge [sflag:s3], $0x6400  }
0x15f: {  	[sflag:s3] =	ssyncset.done $0x0  }
0x160: {  	[sflag:s3] =	ssyncadd.s32 $0xFFFF9C00  }
0x161: {  	[hbm4b:s16+s1] =	stream.linear.scatter [tilespmem:s2], [sflag:$0x2], $0x6400, $0x38;
	[tilespmem:$0x1BE80] =	vst v63  }
0x162: {  	_ =	swait.ge [sflag:s22], $0x6400  }
0x163: {  	s5 =	simm.s32 @!p2 $0x0;
	[sflag:s22] =	ssyncset.done $0x0  }
0x164: {  	s6 =	simm.s32 @!p2 $0x15980;
	s7 =	rddreg [dreg:$0x10];
	[sflag:s22] =	ssyncadd.s32 $0xFFFF9C00  }
0x165: {  	[tilespmem:s6], [sflag:$0x2] =	stream.linear.gather @!p2 [hbm4b:s7+s5], $0xC8, $0x38;
	[tilespmem:$0x1BE80] =	vst v63  }
0x166: {  	s7 =	simm.s32 @!p2 $0x2  }
0x167: {  	_ =	swait.ge @!p2 [sflag:s7], $0xC8  }
0x168: {  	[sflag:s7] =	ssyncset.done @!p2 $0x0  }
0x169: {  	s8 =	simm.s32 @!p2 $0xC8;
	s9 =	simm.s32 @!p2 $0x15A80;
	[sflag:s7] =	ssyncadd.s32 @!p2 $0xFFFFFF38  }
0x16a: {  	[tilespmem:s9], [sflag:$0x1] =	stream.indirect.gather @!p2 [hbm4b:s26+s8], $0x80, s6, s8, $0xb8;
	[tilespmem:$0x1BE80] =	vst v63  }
0x16b: {  	s6 =	simm.s32 @!p2 $0x1  }
0x16c: {  	_ =	swait.ge @!p2 [sflag:s6], $0x6400  }
0x16d: {  	[sflag:s6] =	ssyncset.done @!p2 $0x0  }
0x16e: {  	[sflag:s6] =	ssyncadd.s32 @!p2 $0xFFFF9C00  }
0x16f: {  	[hbm4b:s17+s5] =	stream.linear.scatter @!p2 [tilespmem:s9], [sflag:$0x2], $0x6400, $0x38;
	[tilespmem:$0x1BE80] =	vst v63  }
.Ltmp13:
0x170: {  	_ =	swait.ge @!p2 [sflag:s7], $0x6400;
	(pc) =	sbr.rel @!p0 .LBB2_23-.Ltmp13, $4  }
0x171: {  	[sflag:s7] =	ssyncset.done @!p2 $0x0  }
0x172: {  	[sflag:s7] =	ssyncadd.s32 @!p2 $0xFFFF9C00  }
0x173: {  	[bflag:$0x0] =	sbarrier.arrive $0xFFFF  }
0x174: {  	s5 =	simm.s32 $0x0  }
0x175: {  	s6 =	rddreg [dreg:$0x1c]  }
0x176: {  	[tilespmem:s21], [sflag:$0x2] =	stream.linear.gather [hbm4b:s6+s5], $0x1900, $0x38;
	[tilespmem:$0x1BE80] =	vst v63  }
0x177: {  	_ =	swait.ge [sflag:s22], $0x1900  }
0x178: {  	[sflag:s22] =	ssyncset.done $0x0  }
0x179: {  	s9 =	rddreg [dreg:$0x1d];
	[sflag:s22] =	ssyncadd.s32 $0xFFFFE700  }
0x17a: {  	[tilespmem:s31], [sflag:$0x2] =	stream.linear.gather [hbm4b:s9+s5], $0x1900, $0x38;
	[tilespmem:$0x1BE80] =	vst v63  }
0x17b: {  	_ =	swait.ge [sflag:s22], $0x1900  }
0x17c: {  	[sflag:s22] =	ssyncset.done $0x0  }
0x17d: {  	[sflag:s22] =	ssyncadd.s32 $0xFFFFE700  }
0x17e: {  	[tilespmem:s5], [sflag:$0x2] =	stream.linear.gather [hbm4b:s24+s5], $0xC350, $0x38;
	[tilespmem:$0x1BE80] =	vst v63  }
0x17f: {  	_ =	swait.ge [sflag:s22], $0xC350  }
0x180: {  	[sflag:s22] =	ssyncset.done $0x0  }
0x181: {  	s5 =	simm.s32 $0x0;
	[sflag:s22] =	ssyncadd.s32 $0xFFFF3CB0  }
0x182: {  	v1 =	vld [tilespmem:s5+$0xF580]  }
0x183: {  	v3 =	vld [tilespmem:s5+$0xC380];
	_ =	sdelay $0x6  }
0x184: {  	v2 =	vld.idx.msk [tilespmem:v1+s1+$0x0], $0xffff  }
0x185: {  	v3 =	vld.idx.msk [tilespmem:v3+s1+$0x0], $0xffff  }
0x186: {  	s6 =	simm.s32 $0x10  }
0x187: {  	s7 =	simm.s32 $0x80;
	v1 =	vld [tilespmem:s6+$0xF580]  }
.LBB2_37:
0x188: {  	p3 =	sne.s32 s7, $0x63C0;
	v4 =	vld [tilespmem:s6+$0xC380];
	_ =	sdelay $0x1  }
0x189: {  	v2 =	vsub.f32 v2, v3;
	_ =	sdelay $0x1  }
0x18a: {  	v2 =	vmul.f32 v2, v2;
	_ =	sdelay $0x1  }
0x18b: {  	[tilespmem:s5+$0x12780] =	vst v2;
	s5 =	smov.u32 s6  }
.Ltmp14:
0x18c: {  	v2 =	vld.idx.msk [tilespmem:v1+s1+$0x0], $0xffff;
	(pc) =	sbr.rel @p3 .LBB2_37-.Ltmp14, $3  }
0x18d: {  	v3 =	vld.idx.msk [tilespmem:v4+s1+$0x0], $0xffff;
	_ =	sdelay $0x1  }
0x18e: {  	s6 =	sshra.s32 s7, $0x2  }
0x18f: {  	s7 =	sadd.s32 $0x40, s7;
	v1 =	vld [tilespmem:s6+$0xF580]  }
0x190: {  	_ = 	snop  }
0x191: {  	v4 =	vld [tilespmem:s6+$0xC380];
	_ =	sdelay $0x1  }
0x192: {  	v2 =	vsub.f32 v2, v3;
	_ =	sdelay $0x1  }
0x193: {  	v2 =	vmul.f32 v2, v2;
	_ =	sdelay $0x1  }
0x194: {  	[tilespmem:s5+$0x12780] =	vst v2  }
0x195: {  	v1 =	vld.idx.msk [tilespmem:v1+s1+$0x0], $0xffff  }
0x196: {  	v2 =	vld.idx.msk [tilespmem:v4+s1+$0x0], $0xffff;
	_ =	sdelay $0x4  }
0x197: {  	v1 =	vsub.f32 v1, v2;
	_ =	sdelay $0x1  }
0x198: {  	v1 =	vmul.f32 v1, v1;
	_ =	sdelay $0x1  }
0x199: {  	s9 =	simm.s32 $0x0;
	[tilespmem:s6+$0x12780] =	vst v1  }
0x19a: {  	[tilespmem:s9], [sflag:$0x2] =	stream.linear.gather [hbm4b:s25+s9], $0xC350, $0x38;
	[tilespmem:$0x1BE80] =	vst v63  }
0x19b: {  	_ =	swait.ge [sflag:s22], $0xC350  }
0x19c: {  	[sflag:s22] =	ssyncset.done $0x0  }
0x19d: {  	s5 =	simm.s32 $0x0;
	[sflag:s22] =	ssyncadd.s32 $0xFFFF3CB0  }
0x19e: {  	v1 =	vld [tilespmem:s5+$0xF580]  }
0x19f: {  	v3 =	vld [tilespmem:s5+$0xC380];
	_ =	sdelay $0x6  }
0x1a0: {  	v2 =	vld.idx.msk [tilespmem:v1+s1+$0x0], $0xffff  }
0x1a1: {  	v3 =	vld.idx.msk [tilespmem:v3+s1+$0x0], $0xffff;
	_ =	sdelay $0x2  }
0x1a2: {  	s6 =	simm.s32 $0x10;
	v4 =	vld [tilespmem:s5+$0x12780]  }
0x1a3: {  	s7 =	simm.s32 $0x80;
	v1 =	vld [tilespmem:s6+$0xF580]  }
.LBB2_39:
0x1a4: {  	p3 =	sne.s32 s7, $0x63C0;
	v5 =	vld [tilespmem:s6+$0xC380];
	v2 =	vsub.f32 v2, v3;
	_ =	sdelay $0x1  }
0x1a5: {  	v2 =	vmul.f32 v2, v2;
	_ =	sdelay $0x1  }
0x1a6: {  	v2 =	vadd.f32 v2, v4;
	_ =	sdelay $0x1  }
0x1a7: {  	[tilespmem:s5+$0x12780] =	vst v2;
	s5 =	smov.u32 s6  }
0x1a8: {  	v2 =	vld.idx.msk [tilespmem:v1+s1+$0x0], $0xffff  }
0x1a9: {  	v3 =	vld.idx.msk [tilespmem:v5+s1+$0x0], $0xffff  }
.Ltmp15:
0x1aa: {  	(pc) =	sbr.rel @p3 .LBB2_39-.Ltmp15, $4  }
0x1ab: {  	_ = 	snop  }
0x1ac: {  	s6 =	sshra.s32 s7, $0x2  }
0x1ad: {  	v1 =	vld [tilespmem:s6+$0xF580]  }
0x1ae: {  	s7 =	sadd.s32 $0x40, s7;
	v4 =	vld [tilespmem:s5+$0x12780]  }
0x1af: {  	v5 =	vld [tilespmem:s6+$0xC380];
	v2 =	vsub.f32 v2, v3;
	_ =	sdelay $0x1  }
0x1b0: {  	v2 =	vmul.f32 v2, v2;
	_ =	sdelay $0x1  }
0x1b1: {  	v2 =	vadd.f32 v2, v4;
	_ =	sdelay $0x1  }
0x1b2: {  	[tilespmem:s5+$0x12780] =	vst v2  }
0x1b3: {  	v1 =	vld.idx.msk [tilespmem:v1+s1+$0x0], $0xffff  }
0x1b4: {  	v2 =	vld.idx.msk [tilespmem:v5+s1+$0x0], $0xffff;
	_ =	sdelay $0x3  }
0x1b5: {  	v3 =	vld [tilespmem:s6+$0x12780]  }
0x1b6: {  	v1 =	vsub.f32 v1, v2;
	_ =	sdelay $0x1  }
0x1b7: {  	v1 =	vmul.f32 v1, v1;
	_ =	sdelay $0x1  }
0x1b8: {  	v1 =	vadd.f32 v1, v3;
	_ =	sdelay $0x1  }
0x1b9: {  	s9 =	simm.s32 $0x0;
	[tilespmem:s6+$0x12780] =	vst v1  }
0x1ba: {  	[tilespmem:s9], [sflag:$0x2] =	stream.linear.gather [hbm4b:s29+s9], $0xC350, $0x38;
	[tilespmem:$0x1BE80] =	vst v63  }
0x1bb: {  	_ =	swait.ge [sflag:s22], $0xC350  }
0x1bc: {  	[sflag:s22] =	ssyncset.done $0x0  }
0x1bd: {  	s5 =	simm.s32 $0x0;
	[sflag:s22] =	ssyncadd.s32 $0xFFFF3CB0  }
0x1be: {  	v1 =	vld [tilespmem:s5+$0xF580]  }
0x1bf: {  	v3 =	vld [tilespmem:s5+$0xC380];
	_ =	sdelay $0x6  }
0x1c0: {  	v2 =	vld.idx.msk [tilespmem:v1+s1+$0x0], $0xffff  }
0x1c1: {  	v3 =	vld.idx.msk [tilespmem:v3+s1+$0x0], $0xffff;
	_ =	sdelay $0x2  }
0x1c2: {  	s6 =	simm.s32 $0x10;
	v4 =	vld [tilespmem:s5+$0x12780]  }
0x1c3: {  	s7 =	simm.s32 $0x80;
	v1 =	vld [tilespmem:s6+$0xF580]  }
.LBB2_41:
0x1c4: {  	p3 =	sne.s32 s7, $0x63C0;
	v5 =	vld [tilespmem:s6+$0xC380];
	v2 =	vsub.f32 v2, v3;
	_ =	sdelay $0x1  }
0x1c5: {  	v2 =	vmul.f32 v2, v2;
	_ =	sdelay $0x1  }
0x1c6: {  	v2 =	vadd.f32 v2, v4;
	_ =	sdelay $0x1  }
0x1c7: {  	[tilespmem:s5+$0x12780] =	vst v2;
	s5 =	smov.u32 s6  }
0x1c8: {  	v2 =	vld.idx.msk [tilespmem:v1+s1+$0x0], $0xffff  }
0x1c9: {  	v3 =	vld.idx.msk [tilespmem:v5+s1+$0x0], $0xffff  }
.Ltmp16:
0x1ca: {  	(pc) =	sbr.rel @p3 .LBB2_41-.Ltmp16, $4  }
0x1cb: {  	_ = 	snop  }
0x1cc: {  	s6 =	sshra.s32 s7, $0x2  }
0x1cd: {  	v1 =	vld [tilespmem:s6+$0xF580]  }
0x1ce: {  	s7 =	sadd.s32 $0x40, s7;
	v4 =	vld [tilespmem:s5+$0x12780]  }
0x1cf: {  	v5 =	vld [tilespmem:s6+$0xC380];
	v2 =	vsub.f32 v2, v3;
	_ =	sdelay $0x1  }
0x1d0: {  	v2 =	vmul.f32 v2, v2;
	_ =	sdelay $0x1  }
0x1d1: {  	v2 =	vadd.f32 v2, v4;
	_ =	sdelay $0x1  }
0x1d2: {  	[tilespmem:s5+$0x12780] =	vst v2  }
0x1d3: {  	v1 =	vld.idx.msk [tilespmem:v1+s1+$0x0], $0xffff  }
0x1d4: {  	v2 =	vld.idx.msk [tilespmem:v5+s1+$0x0], $0xffff;
	_ =	sdelay $0x3  }
0x1d5: {  	v3 =	vld [tilespmem:s6+$0x12780]  }
0x1d6: {  	v1 =	vsub.f32 v1, v2;
	_ =	sdelay $0x1  }
0x1d7: {  	v1 =	vmul.f32 v1, v1;
	_ =	sdelay $0x1  }
0x1d8: {  	v1 =	vadd.f32 v1, v3;
	_ =	sdelay $0x1  }
.Ltmp17:
0x1d9: {  	s8 =	rddreg [dreg:$0x1e];
	s9 =	simm.s32 $0x12780;
	[tilespmem:s6+$0x12780] =	vst v1;
	(pc) =	sbr.rel .LBB2_43-.Ltmp17, $4  }
0x1da: {  	[hbm4b:s8+s1] =	stream.linear.scatter [tilespmem:s9], [sflag:$0x2], $0x1900, $0x38;
	[tilespmem:$0x1BE80] =	vst v63  }
0x1db: {  	_ =	swait.ge [sflag:s22], $0x1900  }
0x1dc: {  	[sflag:s22] =	ssyncset.done $0x0  }
0x1dd: {  	[sflag:s22] =	ssyncadd.s32 $0xFFFFE700  }
.LBB2_23:
0x1de: {  	s6 =	rddreg [dreg:$0x16]  }
0x1df: {  	[tilespmem:s21], [sflag:$0x2] =	stream.linear.gather [hbm4b:s6+s5], $0x3200, $0x38;
	[tilespmem:$0x1BE80] =	vst v63  }
0x1e0: {  	_ =	swait.ge [sflag:s22], $0x3200  }
0x1e1: {  	[sflag:s22] =	ssyncset.done $0x0  }
0x1e2: {  	s9 =	rddreg [dreg:$0x17];
	[sflag:s22] =	ssyncadd.s32 $0xFFFFCE00  }
0x1e3: {  	[tilespmem:s31], [sflag:$0x2] =	stream.linear.gather [hbm4b:s9+s5], $0x3200, $0x38;
	[tilespmem:$0x1BE80] =	vst v63  }
0x1e4: {  	_ =	swait.ge [sflag:s22], $0x3200  }
0x1e5: {  	[sflag:s22] =	ssyncset.done $0x0  }
0x1e6: {  	[sflag:s22] =	ssyncadd.s32 $0xFFFFCE00  }
0x1e7: {  	[tilespmem:s5], [sflag:$0x2] =	stream.linear.gather [hbm4b:s24+s5], $0xC350, $0x38;
	[tilespmem:$0x1BE80] =	vst v63  }
0x1e8: {  	_ =	swait.ge [sflag:s22], $0xC350  }
0x1e9: {  	[sflag:s22] =	ssyncset.done $0x0  }
0x1ea: {  	s5 =	simm.s32 $0x0;
	[sflag:s22] =	ssyncadd.s32 $0xFFFF3CB0  }
0x1eb: {  	v1 =	vld [tilespmem:s5+$0xF580]  }
0x1ec: {  	v3 =	vld [tilespmem:s5+$0xC380];
	_ =	sdelay $0x6  }
0x1ed: {  	v2 =	vld.idx.msk [tilespmem:v1+s1+$0x0], $0xffff  }
0x1ee: {  	v3 =	vld.idx.msk [tilespmem:v3+s1+$0x0], $0xffff  }
0x1ef: {  	s6 =	simm.s32 $0x10  }
0x1f0: {  	s7 =	simm.s32 $0x80;
	v1 =	vld [tilespmem:s6+$0xF580]  }
.LBB2_24:
0x1f1: {  	p3 =	sne.s32 s7, $0xC7C0;
	v4 =	vld [tilespmem:s6+$0xC380];
	_ =	sdelay $0x1  }
0x1f2: {  	v2 =	vsub.f32 v2, v3;
	_ =	sdelay $0x1  }
0x1f3: {  	v2 =	vmul.f32 v2, v2;
	_ =	sdelay $0x1  }
0x1f4: {  	[tilespmem:s5+$0x12780] =	vst v2;
	s5 =	smov.u32 s6  }
.Ltmp18:
0x1f5: {  	v2 =	vld.idx.msk [tilespmem:v1+s1+$0x0], $0xffff;
	(pc) =	sbr.rel @p3 .LBB2_24-.Ltmp18, $3  }
0x1f6: {  	v3 =	vld.idx.msk [tilespmem:v4+s1+$0x0], $0xffff;
	_ =	sdelay $0x1  }
0x1f7: {  	s6 =	sshra.s32 s7, $0x2  }
0x1f8: {  	s7 =	sadd.s32 $0x40, s7;
	v1 =	vld [tilespmem:s6+$0xF580]  }
0x1f9: {  	_ = 	snop  }
0x1fa: {  	v4 =	vld [tilespmem:s6+$0xC380];
	_ =	sdelay $0x1  }
0x1fb: {  	v2 =	vsub.f32 v2, v3;
	_ =	sdelay $0x1  }
0x1fc: {  	v2 =	vmul.f32 v2, v2;
	_ =	sdelay $0x1  }
0x1fd: {  	[tilespmem:s5+$0x12780] =	vst v2  }
0x1fe: {  	v1 =	vld.idx.msk [tilespmem:v1+s1+$0x0], $0xffff  }
0x1ff: {  	v2 =	vld.idx.msk [tilespmem:v4+s1+$0x0], $0xffff;
	_ =	sdelay $0x4  }
0x200: {  	v1 =	vsub.f32 v1, v2;
	_ =	sdelay $0x1  }
0x201: {  	v1 =	vmul.f32 v1, v1;
	_ =	sdelay $0x1  }
0x202: {  	s9 =	simm.s32 $0x0;
	[tilespmem:s6+$0x12780] =	vst v1  }
0x203: {  	[tilespmem:s9], [sflag:$0x2] =	stream.linear.gather [hbm4b:s25+s9], $0xC350, $0x38;
	[tilespmem:$0x1BE80] =	vst v63  }
0x204: {  	_ =	swait.ge [sflag:s22], $0xC350  }
0x205: {  	[sflag:s22] =	ssyncset.done $0x0  }
0x206: {  	s5 =	simm.s32 $0x0;
	[sflag:s22] =	ssyncadd.s32 $0xFFFF3CB0  }
0x207: {  	v1 =	vld [tilespmem:s5+$0xF580]  }
0x208: {  	v3 =	vld [tilespmem:s5+$0xC380];
	_ =	sdelay $0x6  }
0x209: {  	v2 =	vld.idx.msk [tilespmem:v1+s1+$0x0], $0xffff  }
0x20a: {  	v3 =	vld.idx.msk [tilespmem:v3+s1+$0x0], $0xffff;
	_ =	sdelay $0x2  }
0x20b: {  	s6 =	simm.s32 $0x10;
	v4 =	vld [tilespmem:s5+$0x12780]  }
0x20c: {  	s7 =	simm.s32 $0x80;
	v1 =	vld [tilespmem:s6+$0xF580]  }
.LBB2_26:
0x20d: {  	p3 =	sne.s32 s7, $0xC7C0;
	v5 =	vld [tilespmem:s6+$0xC380];
	v2 =	vsub.f32 v2, v3;
	_ =	sdelay $0x1  }
0x20e: {  	v2 =	vmul.f32 v2, v2;
	_ =	sdelay $0x1  }
0x20f: {  	v2 =	vadd.f32 v2, v4;
	_ =	sdelay $0x1  }
0x210: {  	[tilespmem:s5+$0x12780] =	vst v2;
	s5 =	smov.u32 s6  }
0x211: {  	v2 =	vld.idx.msk [tilespmem:v1+s1+$0x0], $0xffff  }
0x212: {  	v3 =	vld.idx.msk [tilespmem:v5+s1+$0x0], $0xffff  }
.Ltmp19:
0x213: {  	(pc) =	sbr.rel @p3 .LBB2_26-.Ltmp19, $4  }
0x214: {  	_ = 	snop  }
0x215: {  	s6 =	sshra.s32 s7, $0x2  }
0x216: {  	v1 =	vld [tilespmem:s6+$0xF580]  }
0x217: {  	s7 =	sadd.s32 $0x40, s7;
	v4 =	vld [tilespmem:s5+$0x12780]  }
0x218: {  	v5 =	vld [tilespmem:s6+$0xC380];
	v2 =	vsub.f32 v2, v3;
	_ =	sdelay $0x1  }
0x219: {  	v2 =	vmul.f32 v2, v2;
	_ =	sdelay $0x1  }
0x21a: {  	v2 =	vadd.f32 v2, v4;
	_ =	sdelay $0x1  }
0x21b: {  	[tilespmem:s5+$0x12780] =	vst v2  }
0x21c: {  	v1 =	vld.idx.msk [tilespmem:v1+s1+$0x0], $0xffff  }
0x21d: {  	v2 =	vld.idx.msk [tilespmem:v5+s1+$0x0], $0xffff;
	_ =	sdelay $0x3  }
0x21e: {  	v3 =	vld [tilespmem:s6+$0x12780]  }
0x21f: {  	v1 =	vsub.f32 v1, v2;
	_ =	sdelay $0x1  }
0x220: {  	v1 =	vmul.f32 v1, v1;
	_ =	sdelay $0x1  }
0x221: {  	v1 =	vadd.f32 v1, v3;
	_ =	sdelay $0x1  }
0x222: {  	s9 =	simm.s32 $0x0;
	[tilespmem:s6+$0x12780] =	vst v1  }
0x223: {  	[tilespmem:s9], [sflag:$0x2] =	stream.linear.gather [hbm4b:s29+s9], $0xC350, $0x38;
	[tilespmem:$0x1BE80] =	vst v63  }
0x224: {  	_ =	swait.ge [sflag:s22], $0xC350  }
0x225: {  	[sflag:s22] =	ssyncset.done $0x0  }
0x226: {  	s5 =	simm.s32 $0x0;
	[sflag:s22] =	ssyncadd.s32 $0xFFFF3CB0  }
0x227: {  	v1 =	vld [tilespmem:s5+$0xF580]  }
0x228: {  	v3 =	vld [tilespmem:s5+$0xC380];
	_ =	sdelay $0x6  }
0x229: {  	v2 =	vld.idx.msk [tilespmem:v1+s1+$0x0], $0xffff  }
0x22a: {  	v3 =	vld.idx.msk [tilespmem:v3+s1+$0x0], $0xffff;
	_ =	sdelay $0x2  }
0x22b: {  	s6 =	simm.s32 $0x10;
	v4 =	vld [tilespmem:s5+$0x12780]  }
0x22c: {  	s7 =	simm.s32 $0x80;
	v1 =	vld [tilespmem:s6+$0xF580]  }
.LBB2_28:
0x22d: {  	p3 =	sne.s32 s7, $0xC7C0;
	v5 =	vld [tilespmem:s6+$0xC380];
	v2 =	vsub.f32 v2, v3;
	_ =	sdelay $0x1  }
0x22e: {  	v2 =	vmul.f32 v2, v2;
	_ =	sdelay $0x1  }
0x22f: {  	v2 =	vadd.f32 v2, v4;
	_ =	sdelay $0x1  }
0x230: {  	[tilespmem:s5+$0x12780] =	vst v2;
	s5 =	smov.u32 s6  }
0x231: {  	v2 =	vld.idx.msk [tilespmem:v1+s1+$0x0], $0xffff  }
0x232: {  	v3 =	vld.idx.msk [tilespmem:v5+s1+$0x0], $0xffff  }
.Ltmp20:
0x233: {  	(pc) =	sbr.rel @p3 .LBB2_28-.Ltmp20, $4  }
0x234: {  	_ = 	snop  }
0x235: {  	s6 =	sshra.s32 s7, $0x2  }
0x236: {  	v1 =	vld [tilespmem:s6+$0xF580]  }
0x237: {  	s7 =	sadd.s32 $0x40, s7;
	v4 =	vld [tilespmem:s5+$0x12780]  }
0x238: {  	v5 =	vld [tilespmem:s6+$0xC380];
	v2 =	vsub.f32 v2, v3;
	_ =	sdelay $0x1  }
0x239: {  	v2 =	vmul.f32 v2, v2;
	_ =	sdelay $0x1  }
0x23a: {  	v2 =	vadd.f32 v2, v4;
	_ =	sdelay $0x1  }
0x23b: {  	[tilespmem:s5+$0x12780] =	vst v2  }
0x23c: {  	v1 =	vld.idx.msk [tilespmem:v1+s1+$0x0], $0xffff  }
0x23d: {  	v2 =	vld.idx.msk [tilespmem:v5+s1+$0x0], $0xffff;
	_ =	sdelay $0x3  }
0x23e: {  	v3 =	vld [tilespmem:s6+$0x12780]  }
0x23f: {  	v1 =	vsub.f32 v1, v2;
	_ =	sdelay $0x1  }
0x240: {  	v1 =	vmul.f32 v1, v1;
	_ =	sdelay $0x1  }
0x241: {  	v1 =	vadd.f32 v1, v3;
	_ =	sdelay $0x1  }
0x242: {  	s9 =	rddreg [dreg:$0x18];
	s7 =	simm.s32 $0x12780;
	s5 =	simm.s32 $0x0;
	[tilespmem:s6+$0x12780] =	vst v1  }
0x243: {  	[hbm4b:s9+s5] =	stream.linear.scatter [tilespmem:s7], [sflag:$0x2], $0x3200, $0x38;
	[tilespmem:$0x1BE80] =	vst v63  }
0x244: {  	_ =	swait.ge [sflag:s22], $0x3200  }
0x245: {  	[sflag:s22] =	ssyncset.done $0x0  }
0x246: {  	s8 =	rddreg [dreg:$0x19];
	[sflag:s22] =	ssyncadd.s32 $0xFFFFCE00  }
0x247: {  	[tilespmem:s21], [sflag:$0x2] =	stream.linear.gather [hbm4b:s8+s5], $0x3200, $0x38;
	[tilespmem:$0x1BE80] =	vst v63  }
0x248: {  	_ =	swait.ge [sflag:s22], $0x3200  }
0x249: {  	[sflag:s22] =	ssyncset.done $0x0  }
0x24a: {  	s9 =	rddreg [dreg:$0x1a];
	[sflag:s22] =	ssyncadd.s32 $0xFFFFCE00  }
0x24b: {  	[tilespmem:s31], [sflag:$0x2] =	stream.linear.gather [hbm4b:s9+s5], $0x3200, $0x38;
	[tilespmem:$0x1BE80] =	vst v63  }
0x24c: {  	_ =	swait.ge [sflag:s22], $0x3200  }
0x24d: {  	[sflag:s22] =	ssyncset.done $0x0  }
0x24e: {  	[sflag:s22] =	ssyncadd.s32 $0xFFFFCE00  }
0x24f: {  	[tilespmem:s5], [sflag:$0x2] =	stream.linear.gather [hbm4b:s24+s5], $0xC350, $0x38;
	[tilespmem:$0x1BE80] =	vst v63  }
0x250: {  	_ =	swait.ge [sflag:s22], $0xC350  }
0x251: {  	[sflag:s22] =	ssyncset.done $0x0  }
0x252: {  	s5 =	simm.s32 $0x0;
	[sflag:s22] =	ssyncadd.s32 $0xFFFF3CB0  }
0x253: {  	v1 =	vld [tilespmem:s5+$0xF580]  }
0x254: {  	v3 =	vld [tilespmem:s5+$0xC380];
	_ =	sdelay $0x6  }
0x255: {  	v2 =	vld.idx.msk [tilespmem:v1+s1+$0x0], $0xffff  }
0x256: {  	v3 =	vld.idx.msk [tilespmem:v3+s1+$0x0], $0xffff  }
0x257: {  	s6 =	simm.s32 $0x10  }
0x258: {  	s7 =	simm.s32 $0x80;
	v1 =	vld [tilespmem:s6+$0xF580]  }
.LBB2_30:
0x259: {  	p3 =	sne.s32 s7, $0xC7C0;
	v4 =	vld [tilespmem:s6+$0xC380];
	_ =	sdelay $0x1  }
0x25a: {  	v2 =	vsub.f32 v2, v3;
	_ =	sdelay $0x1  }
0x25b: {  	v2 =	vmul.f32 v2, v2;
	_ =	sdelay $0x1  }
0x25c: {  	[tilespmem:s5+$0x12780] =	vst v2;
	s5 =	smov.u32 s6  }
.Ltmp21:
0x25d: {  	v2 =	vld.idx.msk [tilespmem:v1+s1+$0x0], $0xffff;
	(pc) =	sbr.rel @p3 .LBB2_30-.Ltmp21, $3  }
0x25e: {  	v3 =	vld.idx.msk [tilespmem:v4+s1+$0x0], $0xffff;
	_ =	sdelay $0x1  }
0x25f: {  	s6 =	sshra.s32 s7, $0x2  }
0x260: {  	s7 =	sadd.s32 $0x40, s7;
	v1 =	vld [tilespmem:s6+$0xF580]  }
0x261: {  	_ = 	snop  }
0x262: {  	v4 =	vld [tilespmem:s6+$0xC380];
	_ =	sdelay $0x1  }
0x263: {  	v2 =	vsub.f32 v2, v3;
	_ =	sdelay $0x1  }
0x264: {  	v2 =	vmul.f32 v2, v2;
	_ =	sdelay $0x1  }
0x265: {  	[tilespmem:s5+$0x12780] =	vst v2  }
0x266: {  	v1 =	vld.idx.msk [tilespmem:v1+s1+$0x0], $0xffff  }
0x267: {  	v2 =	vld.idx.msk [tilespmem:v4+s1+$0x0], $0xffff;
	_ =	sdelay $0x4  }
0x268: {  	v1 =	vsub.f32 v1, v2;
	_ =	sdelay $0x1  }
0x269: {  	v1 =	vmul.f32 v1, v1;
	_ =	sdelay $0x1  }
0x26a: {  	s9 =	simm.s32 $0x0;
	[tilespmem:s6+$0x12780] =	vst v1  }
0x26b: {  	[tilespmem:s9], [sflag:$0x2] =	stream.linear.gather [hbm4b:s25+s9], $0xC350, $0x38;
	[tilespmem:$0x1BE80] =	vst v63  }
0x26c: {  	_ =	swait.ge [sflag:s22], $0xC350  }
0x26d: {  	[sflag:s22] =	ssyncset.done $0x0  }
0x26e: {  	s5 =	simm.s32 $0x0;
	[sflag:s22] =	ssyncadd.s32 $0xFFFF3CB0  }
0x26f: {  	v1 =	vld [tilespmem:s5+$0xF580]  }
0x270: {  	v3 =	vld [tilespmem:s5+$0xC380];
	_ =	sdelay $0x6  }
0x271: {  	v2 =	vld.idx.msk [tilespmem:v1+s1+$0x0], $0xffff  }
0x272: {  	v3 =	vld.idx.msk [tilespmem:v3+s1+$0x0], $0xffff;
	_ =	sdelay $0x2  }
0x273: {  	s6 =	simm.s32 $0x10;
	v4 =	vld [tilespmem:s5+$0x12780]  }
0x274: {  	s7 =	simm.s32 $0x80;
	v1 =	vld [tilespmem:s6+$0xF580]  }
.LBB2_32:
0x275: {  	p3 =	sne.s32 s7, $0xC7C0;
	v5 =	vld [tilespmem:s6+$0xC380];
	v2 =	vsub.f32 v2, v3;
	_ =	sdelay $0x1  }
0x276: {  	v2 =	vmul.f32 v2, v2;
	_ =	sdelay $0x1  }
0x277: {  	v2 =	vadd.f32 v2, v4;
	_ =	sdelay $0x1  }
0x278: {  	[tilespmem:s5+$0x12780] =	vst v2;
	s5 =	smov.u32 s6  }
0x279: {  	v2 =	vld.idx.msk [tilespmem:v1+s1+$0x0], $0xffff  }
0x27a: {  	v3 =	vld.idx.msk [tilespmem:v5+s1+$0x0], $0xffff  }
.Ltmp22:
0x27b: {  	(pc) =	sbr.rel @p3 .LBB2_32-.Ltmp22, $4  }
0x27c: {  	_ = 	snop  }
0x27d: {  	s6 =	sshra.s32 s7, $0x2  }
0x27e: {  	v1 =	vld [tilespmem:s6+$0xF580]  }
0x27f: {  	s7 =	sadd.s32 $0x40, s7;
	v4 =	vld [tilespmem:s5+$0x12780]  }
0x280: {  	v5 =	vld [tilespmem:s6+$0xC380];
	v2 =	vsub.f32 v2, v3;
	_ =	sdelay $0x1  }
0x281: {  	v2 =	vmul.f32 v2, v2;
	_ =	sdelay $0x1  }
0x282: {  	v2 =	vadd.f32 v2, v4;
	_ =	sdelay $0x1  }
0x283: {  	[tilespmem:s5+$0x12780] =	vst v2  }
0x284: {  	v1 =	vld.idx.msk [tilespmem:v1+s1+$0x0], $0xffff  }
0x285: {  	v2 =	vld.idx.msk [tilespmem:v5+s1+$0x0], $0xffff;
	_ =	sdelay $0x3  }
0x286: {  	v3 =	vld [tilespmem:s6+$0x12780]  }
0x287: {  	v1 =	vsub.f32 v1, v2;
	_ =	sdelay $0x1  }
0x288: {  	v1 =	vmul.f32 v1, v1;
	_ =	sdelay $0x1  }
0x289: {  	v1 =	vadd.f32 v1, v3;
	_ =	sdelay $0x1  }
0x28a: {  	s9 =	simm.s32 $0x0;
	[tilespmem:s6+$0x12780] =	vst v1  }
0x28b: {  	[tilespmem:s9], [sflag:$0x2] =	stream.linear.gather [hbm4b:s29+s9], $0xC350, $0x38;
	[tilespmem:$0x1BE80] =	vst v63  }
0x28c: {  	_ =	swait.ge [sflag:s22], $0xC350  }
0x28d: {  	[sflag:s22] =	ssyncset.done $0x0  }
0x28e: {  	s5 =	simm.s32 $0x0;
	[sflag:s22] =	ssyncadd.s32 $0xFFFF3CB0  }
0x28f: {  	v1 =	vld [tilespmem:s5+$0xF580]  }
0x290: {  	v3 =	vld [tilespmem:s5+$0xC380];
	_ =	sdelay $0x6  }
0x291: {  	v2 =	vld.idx.msk [tilespmem:v1+s1+$0x0], $0xffff  }
0x292: {  	v3 =	vld.idx.msk [tilespmem:v3+s1+$0x0], $0xffff;
	_ =	sdelay $0x2  }
0x293: {  	s6 =	simm.s32 $0x10;
	v4 =	vld [tilespmem:s5+$0x12780]  }
0x294: {  	s7 =	simm.s32 $0x80;
	v1 =	vld [tilespmem:s6+$0xF580]  }
.LBB2_34:
0x295: {  	p3 =	sne.s32 s7, $0xC7C0;
	v5 =	vld [tilespmem:s6+$0xC380];
	v2 =	vsub.f32 v2, v3;
	_ =	sdelay $0x1  }
0x296: {  	v2 =	vmul.f32 v2, v2;
	_ =	sdelay $0x1  }
0x297: {  	v2 =	vadd.f32 v2, v4;
	_ =	sdelay $0x1  }
0x298: {  	[tilespmem:s5+$0x12780] =	vst v2;
	s5 =	smov.u32 s6  }
0x299: {  	v2 =	vld.idx.msk [tilespmem:v1+s1+$0x0], $0xffff  }
0x29a: {  	v3 =	vld.idx.msk [tilespmem:v5+s1+$0x0], $0xffff  }
.Ltmp23:
0x29b: {  	(pc) =	sbr.rel @p3 .LBB2_34-.Ltmp23, $4  }
0x29c: {  	_ = 	snop  }
0x29d: {  	s6 =	sshra.s32 s7, $0x2  }
0x29e: {  	v1 =	vld [tilespmem:s6+$0xF580]  }
0x29f: {  	s7 =	sadd.s32 $0x40, s7;
	v4 =	vld [tilespmem:s5+$0x12780]  }
.Ltmp24:
0x2a0: {  	_ = 	snop;
	(pc) =	sbr.rel .LBB2_35-.Ltmp24, $1  }
0x2a1: {  	_ =	sdelay $0x3  }
.LBB2_44:
0x2a2: {  	_ =	sfence.sel $0x180000  }
0x2a3: {  	[bflag:$0x0] =	sbarrier.arrive $0xFFFF  }
0x2a4: {  	_ =	strace $0x90000047  }
0x2a5: {  	s0 =	stileid.u32;
	[bflag:$0x2] =	sbarrier.arrive $0xFFFF  }
0x2a6: {  	p0 =	sne.s32 s0, $0x0;
	s0 =	rddreg [dreg:$0x8]  }
0x2a7: {  	s0 =	sadd.s32 @!p0 $0x100000, s0  }
0x2a8: {  	[sflag:s0] =	ssyncadd.tile.s32 @!p0 $0x1;
	_ =	shalt  }
.Lfunc_end2:
_tile_overlayer_lowered:
.L_overlay_start_2:
0x2a9: {  	(tag) =	ssettag $0x2  }
0x2aa: {  	s0 =	rddreg [dreg:$0x0];
	s2 =	stileid.u32  }
0x2ab: {  	s1 =	rddreg [dreg:$0x1];
	p0 =	sne.s32 s2, $0x0  }
0x2ac: {  	s3 =	rddreg [dreg:$0x2];
	[bflag:$0x3] =	sbarrier.arrive $0xFFFF;
	s2 =	simm.s32 @!p0 $0x1C02  }
0x2ad: {  	[timem:s3], [sflag:s2] =	dma.local @!p0 [hbm:s0], s1  }
0x2ae: {  	s0 =	simm.s32 @!p0 $0x2  }
0x2af: {  	_ =	swait.ge @!p0 [sflag:s0], s1  }
0x2b0: {  	s1 =	ssub.s32 @!p0 $0x0, s1;
	[sflag:s0] =	ssyncset.done @!p0 $0x0  }
0x2b1: {  	[sflag:s0] =	ssyncadd.s32 @!p0 s1  }
0x2b2: {  	[bflag:$0x3] =	sbarrier.arrive $0xFFFF  }
0x2b3: {  	_ =	shalt  }

</sc_bundles>
